<compile_context>
chip_gen: v7x
topology: tpu7x:2x2x1
jax: 0.10.2.dev20260603
libtpu: 0.0.44.dev20260713+nightly
codegen_flags: <defaults>
</compile_context>

<pallas_src>
import functools

import jax
import jax.numpy as jnp
from jax import lax
from jax.experimental import pallas as pl
from jax.experimental.pallas import tpu as pltpu
from jax.experimental.pallas import tpu_sc as plsc

N = 10000
E = 320000
D_IN = 128
H = 64
OUT = 32

NC = 2
NS = 16
NW = NC * NS
SUB = 16
NSUB = 8
G = NSUB * SUB
NCHUNK = 80
T_EDGES = G * NCHUNK
E_PAD = NW * T_EDGES
N_PAD = 10240
ROWS_PER_TILE = N_PAD // NS

_HIGH = lax.Precision.HIGHEST
_TC_PARAMS = pltpu.CompilerParams(vmem_limit_bytes=100 * 1024 * 1024)



def _emit_hw_att(h, linW_ref, linb_ref, attW_ref, attb_ref, hw_ref, att_ref):
    hw = jnp.dot(h, linW_ref[...], precision=_HIGH) + linb_ref[...]
    att = jnp.dot(h, attW_ref[...], precision=_HIGH) + attb_ref[...]
    aug = jnp.concatenate(
        [hw, att[:, 1:2], jnp.zeros((N, 127 - H), jnp.float32)], axis=1)
    hw_ref[...] = jnp.pad(aug, ((0, N_PAD - N), (0, 0)))
    att_ref[...] = att


def _tc_pre_body(x_ref, inW_ref, inb_ref, linW_ref, linb_ref, attW_ref,
                 attb_ref, h_ref, hw_ref, att_ref):
    h = jnp.dot(x_ref[...], inW_ref[...], precision=_HIGH) + inb_ref[...]
    h_ref[...] = h
    _emit_hw_att(h, linW_ref, linb_ref, attW_ref, attb_ref, hw_ref, att_ref)


def _layer_update(aggr0_ref, aggr1_ref, hw_ref, h_ref, g_ref, b_ref):
    hn = aggr0_ref[...] + aggr1_ref[...] + hw_ref[...]
    mu = jnp.mean(hn, axis=1, keepdims=True)
    var = jnp.mean((hn - mu) ** 2, axis=1, keepdims=True)
    hn = (hn - mu) / jnp.sqrt(var + 1e-5) * g_ref[...] + b_ref[...]
    return jnp.maximum(hn, 0.0) + h_ref[...]


def _tc_mid_body(aggr0_ref, aggr1_ref, hw_ref, h_ref, g_ref, b_ref,
                 linW_ref, linb_ref, attW_ref, attb_ref,
                 h_ref_out, hw_ref_out, att_ref_out):
    h = _layer_update(aggr0_ref, aggr1_ref, hw_ref, h_ref, g_ref, b_ref)
    h_ref_out[...] = h
    _emit_hw_att(h, linW_ref, linb_ref, attW_ref, attb_ref, hw_ref_out,
                 att_ref_out)


def _tc_post_body(aggr0_ref, aggr1_ref, hw_ref, h_ref, g_ref, b_ref,
                  W1_ref, b1_ref, W2_ref, b2_ref, outW_ref, outb_ref,
                  h_out, heads_out, bott_out, gemb_out):
    i = pl.program_id(0)
    h = _layer_update(aggr0_ref, aggr1_ref, hw_ref, h_ref, g_ref, b_ref)
    h_out[...] = h
    part = jnp.sum(h, axis=0, keepdims=True) * (1.0 / N)

    @pl.when(i == 0)
    def _():
        gemb_out[...] = part

    @pl.when(i > 0)
    def _():
        gemb_out[...] = gemb_out[...] + part

    z = jnp.maximum(jnp.dot(h, W1_ref[...], precision=_HIGH) + b1_ref[...], 0.0)
    t = jnp.dot(z, W2_ref[...], precision=_HIGH) + b2_ref[...]
    sig = 1.0 / (1.0 + jnp.exp(-t))
    lane = lax.broadcasted_iota(jnp.int32, t.shape, 1)
    smask = lane >= 3
    tm = jnp.where(smask, t, -jnp.inf)
    m = jnp.max(tm, axis=1, keepdims=True)
    e = jnp.where(smask, jnp.exp(t - m), 0.0)
    sev = e / jnp.sum(e, axis=1, keepdims=True)
    heads_out[...] = jnp.where(smask, sev, sig)
    bott_out[...] = jnp.dot(h, outW_ref[...], precision=_HIGH) + outb_ref[...]


def _tc_pre(x, inW, inb, linW, linb, attW, attb):
    return pl.pallas_call(
        _tc_pre_body,
        out_shape=[
            jax.ShapeDtypeStruct((N, H), jnp.float32),
            jax.ShapeDtypeStruct((N_PAD, 128), jnp.float32),
            jax.ShapeDtypeStruct((N, 2), jnp.float32),
        ],
        compiler_params=_TC_PARAMS,
    )(x, inW, inb, linW, linb, attW, attb)


def _tc_mid(aggr0, aggr1, hw, h, g, b, linW, linb, attW, attb):
    return pl.pallas_call(
        _tc_mid_body,
        out_shape=[
            jax.ShapeDtypeStruct((N, H), jnp.float32),
            jax.ShapeDtypeStruct((N_PAD, 128), jnp.float32),
            jax.ShapeDtypeStruct((N, 2), jnp.float32),
        ],
        compiler_params=_TC_PARAMS,
    )(aggr0, aggr1, hw, h, g, b, linW, linb, attW, attb)


_RB = 1000
_NB = N // _RB


def _tc_post(aggr0, aggr1, hw, h, g, b, W1, b1, W2, b2, outW, outb):
    row = lambda i: (i, 0)
    rep = lambda i: (0, 0)
    return pl.pallas_call(
        _tc_post_body,
        grid=(_NB,),
        in_specs=[
            pl.BlockSpec((_RB, H), row),
            pl.BlockSpec((_RB, H), row),
            pl.BlockSpec((_RB, H), row),
            pl.BlockSpec((_RB, H), row),
            pl.BlockSpec((1, H), rep),
            pl.BlockSpec((1, H), rep),
            pl.BlockSpec((H, 2 * H), rep),
            pl.BlockSpec((1, 2 * H), rep),
            pl.BlockSpec((2 * H, 8), rep),
            pl.BlockSpec((1, 8), rep),
            pl.BlockSpec((H, OUT), rep),
            pl.BlockSpec((1, OUT), rep),
        ],
        out_specs=[
            pl.BlockSpec((_RB, H), row),
            pl.BlockSpec((_RB, 8), row),
            pl.BlockSpec((_RB, OUT), row),
            pl.BlockSpec((1, H), rep),
        ],
        out_shape=[
            jax.ShapeDtypeStruct((N, H), jnp.float32),
            jax.ShapeDtypeStruct((N, 8), jnp.float32),
            jax.ShapeDtypeStruct((N, OUT), jnp.float32),
            jax.ShapeDtypeStruct((1, H), jnp.float32),
        ],
        compiler_params=_TC_PARAMS,
    )(aggr0, aggr1, hw, h, g, b, W1, b1, W2, b2, outW, outb)



def _sc_body(hw_hbm, ad_hbm, edges_hbm, ea_hbm, zeros_hbm,
             out_hbm,
             idx_v, ea_v, rows_v, ad_v, aggr_sh, sem_g, sem_s):
    cid = lax.axis_index("c")
    sid = lax.axis_index("s")
    tid = cid * NS + sid

    row0 = pl.multiple_of(sid * ROWS_PER_TILE, 8)
    pltpu.sync_copy(zeros_hbm.at[pl.ds(0, ROWS_PER_TILE)],
                    aggr_sh.at[pl.ds(row0, ROWS_PER_TILE)])
    pltpu.sync_copy(ad_hbm, ad_v)
    plsc.subcore_barrier()

    base_e = tid * T_EDGES

    def stage(c, buf):
        off = pl.multiple_of(base_e + c * G, 128)
        pltpu.sync_copy(edges_hbm.at[:, pl.ds(off, G)],
                        idx_v.at[buf, :, pl.ds(0, G)])
        pltpu.sync_copy(ea_hbm.at[pl.ds(off, G)], ea_v.at[buf, pl.ds(0, G)])

    def gather(buf):
        pltpu.async_copy(hw_hbm.at[idx_v.at[buf, 0, pl.ds(0, G)]],
                         rows_v.at[buf], sem_g)

    def wait_gather(buf):
        pltpu.make_async_copy(hw_hbm.at[idx_v.at[buf, 0, pl.ds(0, G)]],
                              rows_v.at[buf], sem_g).wait()

    def scatter(buf):
        pltpu.async_copy(rows_v.at[buf],
                         aggr_sh.at[idx_v.at[buf, 1, pl.ds(0, G)]],
                         sem_s, add=True)

    def wait_scatter(buf):
        pltpu.make_async_copy(rows_v.at[buf],
                              aggr_sh.at[idx_v.at[buf, 1, pl.ds(0, G)]],
                              sem_s).wait()

    dnums = lax.GatherDimensionNumbers(
        offset_dims=(), collapsed_slice_dims=(0,), start_index_map=(0,))

    def bcast(vec, i):
        return lax.gather(
            vec, jnp.full((16, 1), i, jnp.int32), dnums, slice_sizes=(1,),
            mode=lax.GatherScatterMode.PROMISE_IN_BOUNDS)

    def compute(buf):
        @plsc.parallel_loop(0, G, step=16, unroll=2)
        def _(g):
            g0 = pl.multiple_of(g, 16)
            dv = idx_v[buf, 1, pl.ds(g0, 16)]
            eav = ea_v[buf, pl.ds(g0, 16)]
            for i in range(16):
                e = g0 + i
                d = dv[i]
                bv = ad_v[pl.ds(d, 16)]
                av = rows_v[buf, e, pl.ds(H, 16)]
                logit = bcast(av + bv, 0)
                att = 1.0 / (1.0 + jnp.exp(-logit))
                sv = att * bcast(eav, i)
                for k in range(H // 16):
                    rows_v[buf, e, pl.ds(k * 16, 16)] = (
                        rows_v[buf, e, pl.ds(k * 16, 16)] * sv)

    stage(0, 0)
    gather(0)

    def chunk_body(c, _):
        buf = lax.bitwise_and(c, 1)
        nbuf = 1 - buf

        @pl.when(c > 0)
        def _():
            wait_scatter(nbuf)

        @pl.when(c < NCHUNK - 1)
        def _():
            stage(c + 1, nbuf)
            gather(nbuf)

        wait_gather(buf)
        scatter(buf)
        return 0

    lax.fori_loop(0, NCHUNK, chunk_body, 0)
    wait_scatter((NCHUNK - 1) & 1)
    plsc.subcore_barrier()
    out0 = pl.multiple_of(cid * N_PAD + row0, 8)
    pltpu.sync_copy(aggr_sh.at[pl.ds(row0, ROWS_PER_TILE)],
                    out_hbm.at[pl.ds(out0, ROWS_PER_TILE)])


def _sc_edge_pass(hw, ad, edges, ea, zeros):
    mesh = plsc.VectorSubcoreMesh(core_axis_name="c", subcore_axis_name="s")
    f = pl.kernel(
        _sc_body,
        out_type=jax.ShapeDtypeStruct((2 * N_PAD, 128), jnp.float32),
        mesh=mesh,
        scratch_types=[
            pltpu.VMEM((2, 2, G + 16), jnp.int32),
            pltpu.VMEM((2, G + 16), jnp.float32),
            pltpu.VMEM((2, G, 128), jnp.float32),
            pltpu.VMEM((N_PAD,), jnp.float32),
            pltpu.VMEM_SHARED((N_PAD, 128), jnp.float32),
            pltpu.SemaphoreType.DMA,
            pltpu.SemaphoreType.DMA,
        ],
    )
    return f(hw, ad, edges, ea, zeros)



def kernel(x, edge_index, edge_attr, params):
    pad = E_PAD - E
    ipad = jnp.zeros((pad,), jnp.int32)
    src1 = jnp.concatenate([edge_index[0], ipad])
    dst1 = jnp.concatenate([edge_index[1], ipad])
    ea1 = jnp.concatenate([edge_attr, jnp.zeros((pad,), jnp.float32)])
    edges = jnp.stack([src1, dst1])
    zeros = jnp.zeros((ROWS_PER_TILE, 128), jnp.float32)

    layers = params['layers']

    def att_mats(lp):
        attW = jnp.concatenate([lp['att_W'][:H], lp['att_W'][H:]], axis=1)
        attb = jnp.stack([lp['att_b'][0], jnp.zeros((), jnp.float32)])
        return attW, attb.reshape(1, 2)

    attW0, attb0 = att_mats(layers[0])
    h, hw, att2 = _tc_pre(
        x, params['in_W'], params['in_b'].reshape(1, H),
        layers[0]['lin_W'], layers[0]['lin_b'].reshape(1, H), attW0, attb0)

    for i in range(4):
        lp = layers[i]
        ad = jnp.pad(att2[:, 0].reshape(N), (0, N_PAD - N))
        aggr = _sc_edge_pass(hw, ad, edges, ea1, zeros)
        aggr0 = aggr[0:N, 0:H]
        aggr1 = aggr[N_PAD:N_PAD + N, 0:H]
        hw_c = hw[0:N, 0:H]
        g = lp['ln_g'].reshape(1, H)
        b = lp['ln_b'].reshape(1, H)
        if i < 3:
            nxt = layers[i + 1]
            attWn, attbn = att_mats(nxt)
            h, hw, att2 = _tc_mid(
                aggr0, aggr1, hw_c, h, g, b,
                nxt['lin_W'], nxt['lin_b'].reshape(1, H), attWn, attbn)
        else:
            W1 = jnp.concatenate(
                [params['q_W1'], params['i_W1'], params['g_W1'],
                 params['s_W1']], axis=1)
            b1 = jnp.concatenate(
                [params['q_b1'], params['i_b1'], params['g_b1'],
                 params['s_b1']]).reshape(1, 2 * H)
            W2 = jnp.zeros((2 * H, 8), jnp.float32)
            W2 = W2.at[0:32, 0].set(params['q_W2'][:, 0])
            W2 = W2.at[32:64, 1].set(params['i_W2'][:, 0])
            W2 = W2.at[64:96, 2].set(params['g_W2'][:, 0])
            W2 = W2.at[96:128, 3:8].set(params['s_W2'])
            b2 = jnp.concatenate(
                [params['q_b2'], params['i_b2'], params['g_b2'],
                 params['s_b2']]).reshape(1, 8)
            h, heads, bott, gemb = _tc_post(
                aggr0, aggr1, hw_c, h, g, b, W1, b1, W2, b2,
                params['out_W'], params['out_b'].reshape(1, OUT))

    queue = heads[:, 0:1]
    inter = heads[:, 1:2]
    gate = heads[:, 2:3]
    sev = heads[:, 3:8]
    return (queue, inter, gate, h, gemb, bott, sev)

# --- scband reference (transcript-rebuilt; emitter-appended) ---
"""Pipeline reference for scband-bottleneck-gnn-35527969472556 (READ-ONLY COPY).

The authoritative reference and input builder live on the scoring server;
editing this copy changes nothing except your own understanding.
"""

import jax, jax.numpy as jnp
import numpy as np

N, E, D_IN, H, OUT, L = 10000, 320000, 128, 64, 32, 4

def _lin(key, fi, fo):
    k1, k2 = jax.random.split(key)
    lim = 1.0 / np.sqrt(fi)
    W = jax.random.uniform(k1, (fi, fo), minval=-lim, maxval=lim, dtype=jnp.float32)
    b = jax.random.uniform(k2, (fo,), minval=-lim, maxval=lim, dtype=jnp.float32)
    return W, b

def setup_inputs(seed: int = 0) -> dict:
    key = jax.random.key(seed)
    ks = jax.random.split(key, 64)
    x = jax.random.normal(ks[0], (N, D_IN), dtype=jnp.float32)
    edge_index = jax.random.randint(ks[1], (2, E), 0, N, dtype=jnp.int32)
    edge_attr = jax.random.uniform(ks[2], (E,), dtype=jnp.float32)
    params = {}
    params['in_W'], params['in_b'] = _lin(ks[3], D_IN, H)
    layers = []
    for i in range(L):
        lW, lb = _lin(ks[4 + 2 * i], H, H)
        aW, ab = _lin(ks[5 + 2 * i], 2 * H, 1)
        layers.append({'lin_W': lW, 'lin_b': lb, 'att_W': aW, 'att_b': ab,
                       'ln_g': jnp.ones((H,), jnp.float32), 'ln_b': jnp.zeros((H,), jnp.float32)})
    params['layers'] = layers
    for pfx, k0 in [('q', 20), ('i', 22), ('g', 24)]:
        W1, b1 = _lin(ks[k0], H, H // 2)
        W2, b2 = _lin(ks[k0 + 1], H // 2, 1)
        params[pfx + '_W1'], params[pfx + '_b1'] = W1, b1
        params[pfx + '_W2'], params[pfx + '_b2'] = W2, b2
    params['out_W'], params['out_b'] = _lin(ks[30], H, OUT)
    params['s_W1'], params['s_b1'] = _lin(ks[31], H, H // 2)
    params['s_W2'], params['s_b2'] = _lin(ks[32], H // 2, 5)
    return {'x': x, 'edge_index': edge_index, 'edge_attr': edge_attr, 'params': params}

def _forward(x, edge_attr, params, edge_index):
    h = x @ params['in_W'] + params['in_b']
    src = edge_index[0]
    dst = edge_index[1]
    n = x.shape[0]
    for lp in params['layers']:
        residual = h
        x_j = jnp.take(h, src, axis=0)
        x_i = jnp.take(h, dst, axis=0)
        att = jax.nn.sigmoid(jnp.concatenate([x_i, x_j], axis=-1) @ lp['att_W'] + lp['att_b'])
        msg = (x_j @ lp['lin_W'] + lp['lin_b']) * edge_attr[:, None] * att
        aggr = jnp.zeros((n, msg.shape[-1]), msg.dtype).at[dst].add(msg)
        hn = aggr + (h @ lp['lin_W'] + lp['lin_b'])
        mu = hn.mean(-1, keepdims=True)
        var = ((hn - mu) ** 2).mean(-1, keepdims=True)
        hn = (hn - mu) / jnp.sqrt(var + 1e-5) * lp['ln_g'] + lp['ln_b']
        h = jax.nn.relu(hn) + residual
    graph_emb = h.mean(0, keepdims=True)
    def head(pfx):
        z = jax.nn.relu(h @ params[pfx + '_W1'] + params[pfx + '_b1'])
        return jax.nn.sigmoid(z @ params[pfx + '_W2'] + params[pfx + '_b2'])
    queue = head('q')
    inter = head('i')
    gate = head('g')
    bott = h @ params['out_W'] + params['out_b']
    sev = jax.nn.softmax(jax.nn.relu(h @ params['s_W1'] + params['s_b1']) @ params['s_W2'] + params['s_b2'], axis=-1)
    return (queue, inter, gate, h, graph_emb, bott, sev)

def reference(x, edge_index, edge_attr, params):
    return _forward(x, edge_attr, params, edge_index)

if __name__ == "__main__":
    import jax
    _d = setup_inputs()
    print(jax.jit(kernel)(*tuple(_d.values())))

</pallas_src>

<mosaic_0001>
#map = affine_map<(d0, d1) -> (0, 0)>
#map1 = affine_map<(d0, d1) -> (0)>
module attributes {stable_mosaic.version = 14 : i64} {
  func.func @_sc_body(%arg0: i32, %arg1: i32, %arg2: memref<10240x128xf32, #tpu.memory_space<hbm>>, %arg3: memref<10240xf32, #tpu.memory_space<hbm>>, %arg4: memref<2x327680xi32, #tpu.memory_space<hbm>>, %arg5: memref<327680xf32, #tpu.memory_space<hbm>>, %arg6: memref<640x128xf32, #tpu.memory_space<hbm>>, %arg7: memref<20480x128xf32, #tpu.memory_space<hbm>>, %arg8: memref<2x2x144xi32, #tpu.memory_space<vmem>>, %arg9: memref<2x144xf32, #tpu.memory_space<vmem>>, %arg10: memref<2x128x128xf32, #tpu.memory_space<vmem>>, %arg11: memref<10240xf32, #tpu.memory_space<vmem>>, %arg12: memref<10240x128xf32, #tpu.memory_space<vmem_shared>>, %arg13: memref<!tpu.dma_semaphore, #tpu.memory_space<semaphore_mem>>, %arg14: memref<!tpu.dma_semaphore, #tpu.memory_space<semaphore_mem>>) attributes {dimension_semantics = [#tpu.dimension_semantics<core_parallel>, #tpu.dimension_semantics<subcore_parallel>], iteration_bounds = array<i64: 2, 16>, scalar_prefetch = 0 : i64, scratch_operands = 7 : i64, tpu.core_type = #tpu.core_type<sc_vector_subcore>, window_params = [{transform_indices = #map}, {transform_indices = #map1}, {transform_indices = #map}, {transform_indices = #map1}, {transform_indices = #map}, {transform_indices = #map}]} {
    %mul3A = arith.constant 16 : i32
    %mul3A_0 = arith.muli %arg0, %mul3A : i32
    %add3A = arith.addi %mul3A_0, %arg1 : i32
    %mul3A_1 = arith.constant 640 : i32
    %mul3A_2 = arith.muli %arg1, %mul3A_1 : i32
    %multiple_of3A = tpu.assume_multiple %mul3A_2, 8 : i32
    "tpu.region"() ({
      %run_scoped3A_44 = tpu.sem_alloc : memref<!tpu.dma_semaphore, #tpu.memory_space<semaphore_mem>>
      %dma_start3A_45 = arith.constant 0 : i32
      %dma_start3A_46 = tpu.memref_slice %arg12[%multiple_of3A, %dma_start3A_45] : memref<10240x128xf32, #tpu.memory_space<vmem_shared>> -> memref<640x128xf32, #tpu.memory_space<vmem_shared>>
      %dma_start3A_47 = arith.constant 0 : i32
      %dma_start3A_48 = arith.constant 0 : i32
      %dma_start3A_49 = tpu.memref_slice %arg6[%dma_start3A_47, %dma_start3A_48] : memref<640x128xf32, #tpu.memory_space<hbm>> -> memref<640x128xf32, #tpu.memory_space<hbm>>
      tpu.enqueue_dma source(%dma_start3A_49 : memref<640x128xf32, #tpu.memory_space<hbm>>) target(%dma_start3A_46 : memref<640x128xf32, #tpu.memory_space<vmem_shared>>) target_semaphore(%run_scoped3A_44 : memref<!tpu.dma_semaphore, #tpu.memory_space<semaphore_mem>>)
      %dma_wait3A_50 = arith.constant 0 : i32
      %dma_wait3A_51 = tpu.memref_slice %arg12[%multiple_of3A, %dma_wait3A_50] : memref<10240x128xf32, #tpu.memory_space<vmem_shared>> -> memref<640x128xf32, #tpu.memory_space<vmem_shared>>
      %dma_wait3A_52 = arith.constant 0 : i32
      %dma_wait3A_53 = arith.constant 0 : i32
      %dma_wait3A_54 = tpu.memref_slice %arg6[%dma_wait3A_52, %dma_wait3A_53] : memref<640x128xf32, #tpu.memory_space<hbm>> -> memref<640x128xf32, #tpu.memory_space<hbm>>
      tpu.wait_dma2 semaphore(%run_scoped3A_44 : memref<!tpu.dma_semaphore, #tpu.memory_space<semaphore_mem>>) src(%dma_wait3A_54 : memref<640x128xf32, #tpu.memory_space<hbm>>) dst(%dma_wait3A_51 : memref<640x128xf32, #tpu.memory_space<vmem_shared>>)
      tpu.yield
    }) : () -> ()
    "tpu.region"() ({
      %run_scoped3A_44 = tpu.sem_alloc : memref<!tpu.dma_semaphore, #tpu.memory_space<semaphore_mem>>
      tpu.enqueue_dma source(%arg3 : memref<10240xf32, #tpu.memory_space<hbm>>) target(%arg11 : memref<10240xf32, #tpu.memory_space<vmem>>) target_semaphore(%run_scoped3A_44 : memref<!tpu.dma_semaphore, #tpu.memory_space<semaphore_mem>>)
      tpu.wait_dma2 semaphore(%run_scoped3A_44 : memref<!tpu.dma_semaphore, #tpu.memory_space<semaphore_mem>>) src(%arg3 : memref<10240xf32, #tpu.memory_space<hbm>>) dst(%arg11 : memref<10240xf32, #tpu.memory_space<vmem>>)
      tpu.yield
    }) : () -> ()
    %barrier3A = arith.constant 0 : index
    tpu.barrier barrier_id(%barrier3A)
    %mul3A_3 = arith.constant 10240 : i32
    %mul3A_4 = arith.muli %add3A, %mul3A_3 : i32
    %add3A_5 = arith.constant 0 : i32
    %add3A_6 = arith.addi %mul3A_4, %add3A_5 : i32
    %multiple_of3A_7 = tpu.assume_multiple %add3A_6, 128 : i32
    %run_scoped3A = arith.constant 0 : i32
    "tpu.region"() ({
      %run_scoped3A_44 = tpu.sem_alloc : memref<!tpu.dma_semaphore, #tpu.memory_space<semaphore_mem>>
      %dma_start3A_45 = arith.constant 0 : i32
      %dma_start3A_46 = arith.constant 0 : i32
      %dma_start3A_47 = tpu.memref_slice %arg8[%run_scoped3A, %dma_start3A_45, %dma_start3A_46] : memref<2x2x144xi32, #tpu.memory_space<vmem>> -> memref<1x2x128xi32, #tpu.memory_space<vmem>>
      %dma_start3A_48 = tpu.memref_squeeze %dma_start3A_47 : memref<1x2x128xi32, #tpu.memory_space<vmem>> -> memref<2x128xi32, #tpu.memory_space<vmem>>
      %dma_start3A_49 = arith.constant 0 : i32
      %dma_start3A_50 = tpu.memref_slice %arg4[%dma_start3A_49, %multiple_of3A_7] : memref<2x327680xi32, #tpu.memory_space<hbm>> -> memref<2x128xi32, #tpu.memory_space<hbm>>
      %dma_start3A_51 = arith.constant 0 : i32
      %dma_start3A_52 = arith.constant 0 : i32
      %dma_start3A_53 = tpu.memref_slice %arg8[%run_scoped3A, %dma_start3A_51, %dma_start3A_52] : memref<2x2x144xi32, #tpu.memory_space<vmem>> -> memref<1x2x128xi32, #tpu.memory_space<vmem>>
      %dma_start3A_54 = tpu.memref_squeeze %dma_start3A_53 : memref<1x2x128xi32, #tpu.memory_space<vmem>> -> memref<2x128xi32, #tpu.memory_space<vmem>>
      %dma_start3A_55 = arith.constant 0 : i32
      %dma_start3A_56 = tpu.memref_slice %arg4[%dma_start3A_55, %multiple_of3A_7] : memref<2x327680xi32, #tpu.memory_space<hbm>> -> memref<2x128xi32, #tpu.memory_space<hbm>>
      tpu.enqueue_dma source(%dma_start3A_56 : memref<2x128xi32, #tpu.memory_space<hbm>>) target(%dma_start3A_54 : memref<2x128xi32, #tpu.memory_space<vmem>>) target_semaphore(%run_scoped3A_44 : memref<!tpu.dma_semaphore, #tpu.memory_space<semaphore_mem>>)
      %dma_wait3A_57 = arith.constant 0 : i32
      %dma_wait3A_58 = arith.constant 0 : i32
      %dma_wait3A_59 = tpu.memref_slice %arg8[%run_scoped3A, %dma_wait3A_57, %dma_wait3A_58] : memref<2x2x144xi32, #tpu.memory_space<vmem>> -> memref<1x2x128xi32, #tpu.memory_space<vmem>>
      %dma_wait3A_60 = tpu.memref_squeeze %dma_wait3A_59 : memref<1x2x128xi32, #tpu.memory_space<vmem>> -> memref<2x128xi32, #tpu.memory_space<vmem>>
      %dma_wait3A_61 = arith.constant 0 : i32
      %dma_wait3A_62 = tpu.memref_slice %arg4[%dma_wait3A_61, %multiple_of3A_7] : memref<2x327680xi32, #tpu.memory_space<hbm>> -> memref<2x128xi32, #tpu.memory_space<hbm>>
      %dma_wait3A_63 = arith.constant 0 : i32
      %dma_wait3A_64 = arith.constant 0 : i32
      %dma_wait3A_65 = tpu.memref_slice %arg8[%run_scoped3A, %dma_wait3A_63, %dma_wait3A_64] : memref<2x2x144xi32, #tpu.memory_space<vmem>> -> memref<1x2x128xi32, #tpu.memory_space<vmem>>
      %dma_wait3A_66 = tpu.memref_squeeze %dma_wait3A_65 : memref<1x2x128xi32, #tpu.memory_space<vmem>> -> memref<2x128xi32, #tpu.memory_space<vmem>>
      %dma_wait3A_67 = arith.constant 0 : i32
      %dma_wait3A_68 = tpu.memref_slice %arg4[%dma_wait3A_67, %multiple_of3A_7] : memref<2x327680xi32, #tpu.memory_space<hbm>> -> memref<2x128xi32, #tpu.memory_space<hbm>>
      tpu.wait_dma2 semaphore(%run_scoped3A_44 : memref<!tpu.dma_semaphore, #tpu.memory_space<semaphore_mem>>) src(%dma_wait3A_68 : memref<2x128xi32, #tpu.memory_space<hbm>>) dst(%dma_wait3A_66 : memref<2x128xi32, #tpu.memory_space<vmem>>)
      tpu.yield
    }) : () -> ()
    %run_scoped3A_8 = arith.constant 0 : i32
    "tpu.region"() ({
      %run_scoped3A_44 = tpu.sem_alloc : memref<!tpu.dma_semaphore, #tpu.memory_space<semaphore_mem>>
      %dma_start3A_45 = arith.constant 0 : i32
      %dma_start3A_46 = tpu.memref_slice %arg9[%run_scoped3A_8, %dma_start3A_45] : memref<2x144xf32, #tpu.memory_space<vmem>> -> memref<1x128xf32, #tpu.memory_space<vmem>>
      %dma_start3A_47 = tpu.memref_squeeze %dma_start3A_46 : memref<1x128xf32, #tpu.memory_space<vmem>> -> memref<128xf32, #tpu.memory_space<vmem>>
      %dma_start3A_48 = tpu.memref_slice %arg5[%multiple_of3A_7] : memref<327680xf32, #tpu.memory_space<hbm>> -> memref<128xf32, #tpu.memory_space<hbm>>
      %dma_start3A_49 = arith.constant 0 : i32
      %dma_start3A_50 = tpu.memref_slice %arg9[%run_scoped3A_8, %dma_start3A_49] : memref<2x144xf32, #tpu.memory_space<vmem>> -> memref<1x128xf32, #tpu.memory_space<vmem>>
      %dma_start3A_51 = tpu.memref_squeeze %dma_start3A_50 : memref<1x128xf32, #tpu.memory_space<vmem>> -> memref<128xf32, #tpu.memory_space<vmem>>
      %dma_start3A_52 = tpu.memref_slice %arg5[%multiple_of3A_7] : memref<327680xf32, #tpu.memory_space<hbm>> -> memref<128xf32, #tpu.memory_space<hbm>>
      tpu.enqueue_dma source(%dma_start3A_52 : memref<128xf32, #tpu.memory_space<hbm>>) target(%dma_start3A_51 : memref<128xf32, #tpu.memory_space<vmem>>) target_semaphore(%run_scoped3A_44 : memref<!tpu.dma_semaphore, #tpu.memory_space<semaphore_mem>>)
      %dma_wait3A_53 = arith.constant 0 : i32
      %dma_wait3A_54 = tpu.memref_slice %arg9[%run_scoped3A_8, %dma_wait3A_53] : memref<2x144xf32, #tpu.memory_space<vmem>> -> memref<1x128xf32, #tpu.memory_space<vmem>>
      %dma_wait3A_55 = tpu.memref_squeeze %dma_wait3A_54 : memref<1x128xf32, #tpu.memory_space<vmem>> -> memref<128xf32, #tpu.memory_space<vmem>>
      %dma_wait3A_56 = tpu.memref_slice %arg5[%multiple_of3A_7] : memref<327680xf32, #tpu.memory_space<hbm>> -> memref<128xf32, #tpu.memory_space<hbm>>
      %dma_wait3A_57 = arith.constant 0 : i32
      %dma_wait3A_58 = tpu.memref_slice %arg9[%run_scoped3A_8, %dma_wait3A_57] : memref<2x144xf32, #tpu.memory_space<vmem>> -> memref<1x128xf32, #tpu.memory_space<vmem>>
      %dma_wait3A_59 = tpu.memref_squeeze %dma_wait3A_58 : memref<1x128xf32, #tpu.memory_space<vmem>> -> memref<128xf32, #tpu.memory_space<vmem>>
      %dma_wait3A_60 = tpu.memref_slice %arg5[%multiple_of3A_7] : memref<327680xf32, #tpu.memory_space<hbm>> -> memref<128xf32, #tpu.memory_space<hbm>>
      tpu.wait_dma2 semaphore(%run_scoped3A_44 : memref<!tpu.dma_semaphore, #tpu.memory_space<semaphore_mem>>) src(%dma_wait3A_60 : memref<128xf32, #tpu.memory_space<hbm>>) dst(%dma_wait3A_59 : memref<128xf32, #tpu.memory_space<vmem>>)
      tpu.yield
    }) : () -> ()
    %dma_start3A = arith.constant 0 : i32
    %dma_start3A_9 = arith.constant 0 : i32
    %dma_start3A_10 = arith.constant 0 : i32
    %dma_start3A_11 = arith.constant 0 : i32
    %dma_start3A_12 = arith.constant 0 : i32
    %dma_start3A_13 = tpu.memref_slice %arg10[%dma_start3A_10, %dma_start3A_11, %dma_start3A_12] : memref<2x128x128xf32, #tpu.memory_space<vmem>> -> memref<1x128x128xf32, #tpu.memory_space<vmem>>
    %dma_start3A_14 = tpu.memref_squeeze %dma_start3A_13 : memref<1x128x128xf32, #tpu.memory_space<vmem>> -> memref<128x128xf32, #tpu.memory_space<vmem>>
    %dma_start3A_15 = arith.constant 0 : i32
    %dma_start3A_16 = tpu.memref_slice %arg8[%dma_start3A, %dma_start3A_9, %dma_start3A_15] : memref<2x2x144xi32, #tpu.memory_space<vmem>> -> memref<1x1x128xi32, #tpu.memory_space<vmem>>
    %dma_start3A_17 = tpu.memref_squeeze %dma_start3A_16 : memref<1x1x128xi32, #tpu.memory_space<vmem>> -> memref<128xi32, #tpu.memory_space<vmem>>
    %dma_start3A_18 = arith.constant 0 : i32
    %dma_start3A_19 = arith.constant 0 : i32
    %dma_start3A_20 = tpu.memref_slice %arg2[%dma_start3A_18, %dma_start3A_19] : memref<10240x128xf32, #tpu.memory_space<hbm>> -> memref<10240x128xf32, #tpu.memory_space<hbm>>
    tpu.enqueue_indirect_dma source(%dma_start3A_20 : memref<10240x128xf32, #tpu.memory_space<hbm>>) target(%dma_start3A_14 : memref<128x128xf32, #tpu.memory_space<vmem>>) offsets(%dma_start3A_17 : memref<128xi32, #tpu.memory_space<vmem>>) semaphore(%arg13 : memref<!tpu.dma_semaphore, #tpu.memory_space<semaphore_mem>>)
    %scan3A = arith.constant 0 : i32
    %scan3A_21 = arith.constant 0 : i32
    %scan3A_22 = arith.constant 80 : i32
    %scan3A_23 = arith.addi %scan3A_21, %scan3A_22 : i32
    %scan3A_24 = arith.constant 1 : i32
    %scan3A_25 = scf.for %scan3A_44 = %scan3A_21 to %scan3A_23 step %scan3A_24 iter_args(%scan3A_45 = %scan3A) -> (i32)  : i32 {
      %and3A = arith.constant 1 : i32
      %and3A_46 = arith.andi %scan3A_44, %and3A : i32
      %sub3A = arith.constant 1 : i32
      %sub3A_47 = arith.subi %sub3A, %and3A_46 : i32
      %gt3A = arith.constant 0 : i32
      %gt3A_48 = arith.cmpi sgt, %scan3A_44, %gt3A : i32
      %convert_element_type3A = arith.extui %gt3A_48 : i1 to i32
      %cond3A = arith.constant 0 : i32
      %cond3A_49 = arith.cmpi ne, %convert_element_type3A, %cond3A : i32
      scf.if %cond3A_49 {
        %dma_wait3A_77 = arith.constant 1 : i32
        %dma_wait3A_78 = arith.constant 0 : i32
        %dma_wait3A_79 = arith.constant 0 : i32
        %dma_wait3A_80 = tpu.memref_slice %arg10[%sub3A_47, %dma_wait3A_78, %dma_wait3A_79] : memref<2x128x128xf32, #tpu.memory_space<vmem>> -> memref<1x128x128xf32, #tpu.memory_space<vmem>>
        %dma_wait3A_81 = tpu.memref_squeeze %dma_wait3A_80 : memref<1x128x128xf32, #tpu.memory_space<vmem>> -> memref<128x128xf32, #tpu.memory_space<vmem>>
        %dma_wait3A_82 = arith.constant 0 : i32
        %dma_wait3A_83 = tpu.memref_slice %arg8[%sub3A_47, %dma_wait3A_77, %dma_wait3A_82] : memref<2x2x144xi32, #tpu.memory_space<vmem>> -> memref<1x1x128xi32, #tpu.memory_space<vmem>>
        %dma_wait3A_84 = tpu.memref_squeeze %dma_wait3A_83 : memref<1x1x128xi32, #tpu.memory_space<vmem>> -> memref<128xi32, #tpu.memory_space<vmem>>
        %dma_wait3A_85 = arith.constant 0 : i32
        %dma_wait3A_86 = arith.constant 0 : i32
        %dma_wait3A_87 = tpu.memref_slice %arg12[%dma_wait3A_85, %dma_wait3A_86] : memref<10240x128xf32, #tpu.memory_space<vmem_shared>> -> memref<10240x128xf32, #tpu.memory_space<vmem_shared>>
        tpu.wait_indirect_dma semaphore(%arg14 : memref<!tpu.dma_semaphore, #tpu.memory_space<semaphore_mem>>) src(%dma_wait3A_81 : memref<128x128xf32, #tpu.memory_space<vmem>>) dst(%dma_wait3A_87 : memref<10240x128xf32, #tpu.memory_space<vmem_shared>>)
      } else {
      }
      %lt3A = arith.constant 79 : i32
      %lt3A_50 = arith.cmpi slt, %scan3A_44, %lt3A : i32
      %convert_element_type3A_51 = arith.extui %lt3A_50 : i1 to i32
      %cond3A_52 = arith.constant 0 : i32
      %cond3A_53 = arith.cmpi ne, %convert_element_type3A_51, %cond3A_52 : i32
      scf.if %cond3A_53 {
        %add3A_77 = arith.constant 1 : i32
        %add3A_78 = arith.addi %scan3A_44, %add3A_77 : i32
        %mul3A_79 = arith.constant 128 : i32
        %mul3A_80 = arith.muli %add3A_78, %mul3A_79 : i32
        %add3A_81 = arith.addi %mul3A_4, %mul3A_80 : i32
        %multiple_of3A_82 = tpu.assume_multiple %add3A_81, 128 : i32
        "tpu.region"() ({
          %run_scoped3A_94 = tpu.sem_alloc : memref<!tpu.dma_semaphore, #tpu.memory_space<semaphore_mem>>
          %dma_start3A_95 = arith.constant 0 : i32
          %dma_start3A_96 = arith.constant 0 : i32
          %dma_start3A_97 = tpu.memref_slice %arg8[%sub3A_47, %dma_start3A_95, %dma_start3A_96] : memref<2x2x144xi32, #tpu.memory_space<vmem>> -> memref<1x2x128xi32, #tpu.memory_space<vmem>>
          %dma_start3A_98 = tpu.memref_squeeze %dma_start3A_97 : memref<1x2x128xi32, #tpu.memory_space<vmem>> -> memref<2x128xi32, #tpu.memory_space<vmem>>
          %dma_start3A_99 = arith.constant 0 : i32
          %dma_start3A_100 = tpu.memref_slice %arg4[%dma_start3A_99, %multiple_of3A_82] : memref<2x327680xi32, #tpu.memory_space<hbm>> -> memref<2x128xi32, #tpu.memory_space<hbm>>
          %dma_start3A_101 = arith.constant 0 : i32
          %dma_start3A_102 = arith.constant 0 : i32
          %dma_start3A_103 = tpu.memref_slice %arg8[%sub3A_47, %dma_start3A_101, %dma_start3A_102] : memref<2x2x144xi32, #tpu.memory_space<vmem>> -> memref<1x2x128xi32, #tpu.memory_space<vmem>>
          %dma_start3A_104 = tpu.memref_squeeze %dma_start3A_103 : memref<1x2x128xi32, #tpu.memory_space<vmem>> -> memref<2x128xi32, #tpu.memory_space<vmem>>
          %dma_start3A_105 = arith.constant 0 : i32
          %dma_start3A_106 = tpu.memref_slice %arg4[%dma_start3A_105, %multiple_of3A_82] : memref<2x327680xi32, #tpu.memory_space<hbm>> -> memref<2x128xi32, #tpu.memory_space<hbm>>
          tpu.enqueue_dma source(%dma_start3A_106 : memref<2x128xi32, #tpu.memory_space<hbm>>) target(%dma_start3A_104 : memref<2x128xi32, #tpu.memory_space<vmem>>) target_semaphore(%run_scoped3A_94 : memref<!tpu.dma_semaphore, #tpu.memory_space<semaphore_mem>>)
          %dma_wait3A_107 = arith.constant 0 : i32
          %dma_wait3A_108 = arith.constant 0 : i32
          %dma_wait3A_109 = tpu.memref_slice %arg8[%sub3A_47, %dma_wait3A_107, %dma_wait3A_108] : memref<2x2x144xi32, #tpu.memory_space<vmem>> -> memref<1x2x128xi32, #tpu.memory_space<vmem>>
          %dma_wait3A_110 = tpu.memref_squeeze %dma_wait3A_109 : memref<1x2x128xi32, #tpu.memory_space<vmem>> -> memref<2x128xi32, #tpu.memory_space<vmem>>
          %dma_wait3A_111 = arith.constant 0 : i32
          %dma_wait3A_112 = tpu.memref_slice %arg4[%dma_wait3A_111, %multiple_of3A_82] : memref<2x327680xi32, #tpu.memory_space<hbm>> -> memref<2x128xi32, #tpu.memory_space<hbm>>
          %dma_wait3A_113 = arith.constant 0 : i32
          %dma_wait3A_114 = arith.constant 0 : i32
          %dma_wait3A_115 = tpu.memref_slice %arg8[%sub3A_47, %dma_wait3A_113, %dma_wait3A_114] : memref<2x2x144xi32, #tpu.memory_space<vmem>> -> memref<1x2x128xi32, #tpu.memory_space<vmem>>
          %dma_wait3A_116 = tpu.memref_squeeze %dma_wait3A_115 : memref<1x2x128xi32, #tpu.memory_space<vmem>> -> memref<2x128xi32, #tpu.memory_space<vmem>>
          %dma_wait3A_117 = arith.constant 0 : i32
          %dma_wait3A_118 = tpu.memref_slice %arg4[%dma_wait3A_117, %multiple_of3A_82] : memref<2x327680xi32, #tpu.memory_space<hbm>> -> memref<2x128xi32, #tpu.memory_space<hbm>>
          tpu.wait_dma2 semaphore(%run_scoped3A_94 : memref<!tpu.dma_semaphore, #tpu.memory_space<semaphore_mem>>) src(%dma_wait3A_118 : memref<2x128xi32, #tpu.memory_space<hbm>>) dst(%dma_wait3A_116 : memref<2x128xi32, #tpu.memory_space<vmem>>)
          tpu.yield
        }) : () -> ()
        "tpu.region"() ({
          %run_scoped3A_94 = tpu.sem_alloc : memref<!tpu.dma_semaphore, #tpu.memory_space<semaphore_mem>>
          %dma_start3A_95 = arith.constant 0 : i32
          %dma_start3A_96 = tpu.memref_slice %arg9[%sub3A_47, %dma_start3A_95] : memref<2x144xf32, #tpu.memory_space<vmem>> -> memref<1x128xf32, #tpu.memory_space<vmem>>
          %dma_start3A_97 = tpu.memref_squeeze %dma_start3A_96 : memref<1x128xf32, #tpu.memory_space<vmem>> -> memref<128xf32, #tpu.memory_space<vmem>>
          %dma_start3A_98 = tpu.memref_slice %arg5[%multiple_of3A_82] : memref<327680xf32, #tpu.memory_space<hbm>> -> memref<128xf32, #tpu.memory_space<hbm>>
          %dma_start3A_99 = arith.constant 0 : i32
          %dma_start3A_100 = tpu.memref_slice %arg9[%sub3A_47, %dma_start3A_99] : memref<2x144xf32, #tpu.memory_space<vmem>> -> memref<1x128xf32, #tpu.memory_space<vmem>>
          %dma_start3A_101 = tpu.memref_squeeze %dma_start3A_100 : memref<1x128xf32, #tpu.memory_space<vmem>> -> memref<128xf32, #tpu.memory_space<vmem>>
          %dma_start3A_102 = tpu.memref_slice %arg5[%multiple_of3A_82] : memref<327680xf32, #tpu.memory_space<hbm>> -> memref<128xf32, #tpu.memory_space<hbm>>
          tpu.enqueue_dma source(%dma_start3A_102 : memref<128xf32, #tpu.memory_space<hbm>>) target(%dma_start3A_101 : memref<128xf32, #tpu.memory_space<vmem>>) target_semaphore(%run_scoped3A_94 : memref<!tpu.dma_semaphore, #tpu.memory_space<semaphore_mem>>)
          %dma_wait3A_103 = arith.constant 0 : i32
          %dma_wait3A_104 = tpu.memref_slice %arg9[%sub3A_47, %dma_wait3A_103] : memref<2x144xf32, #tpu.memory_space<vmem>> -> memref<1x128xf32, #tpu.memory_space<vmem>>
          %dma_wait3A_105 = tpu.memref_squeeze %dma_wait3A_104 : memref<1x128xf32, #tpu.memory_space<vmem>> -> memref<128xf32, #tpu.memory_space<vmem>>
          %dma_wait3A_106 = tpu.memref_slice %arg5[%multiple_of3A_82] : memref<327680xf32, #tpu.memory_space<hbm>> -> memref<128xf32, #tpu.memory_space<hbm>>
          %dma_wait3A_107 = arith.constant 0 : i32
          %dma_wait3A_108 = tpu.memref_slice %arg9[%sub3A_47, %dma_wait3A_107] : memref<2x144xf32, #tpu.memory_space<vmem>> -> memref<1x128xf32, #tpu.memory_space<vmem>>
          %dma_wait3A_109 = tpu.memref_squeeze %dma_wait3A_108 : memref<1x128xf32, #tpu.memory_space<vmem>> -> memref<128xf32, #tpu.memory_space<vmem>>
          %dma_wait3A_110 = tpu.memref_slice %arg5[%multiple_of3A_82] : memref<327680xf32, #tpu.memory_space<hbm>> -> memref<128xf32, #tpu.memory_space<hbm>>
          tpu.wait_dma2 semaphore(%run_scoped3A_94 : memref<!tpu.dma_semaphore, #tpu.memory_space<semaphore_mem>>) src(%dma_wait3A_110 : memref<128xf32, #tpu.memory_space<hbm>>) dst(%dma_wait3A_109 : memref<128xf32, #tpu.memory_space<vmem>>)
          tpu.yield
        }) : () -> ()
        %dma_start3A_83 = arith.constant 0 : i32
        %dma_start3A_84 = arith.constant 0 : i32
        %dma_start3A_85 = arith.constant 0 : i32
        %dma_start3A_86 = tpu.memref_slice %arg10[%sub3A_47, %dma_start3A_84, %dma_start3A_85] : memref<2x128x128xf32, #tpu.memory_space<vmem>> -> memref<1x128x128xf32, #tpu.memory_space<vmem>>
        %dma_start3A_87 = tpu.memref_squeeze %dma_start3A_86 : memref<1x128x128xf32, #tpu.memory_space<vmem>> -> memref<128x128xf32, #tpu.memory_space<vmem>>
        %dma_start3A_88 = arith.constant 0 : i32
        %dma_start3A_89 = tpu.memref_slice %arg8[%sub3A_47, %dma_start3A_83, %dma_start3A_88] : memref<2x2x144xi32, #tpu.memory_space<vmem>> -> memref<1x1x128xi32, #tpu.memory_space<vmem>>
        %dma_start3A_90 = tpu.memref_squeeze %dma_start3A_89 : memref<1x1x128xi32, #tpu.memory_space<vmem>> -> memref<128xi32, #tpu.memory_space<vmem>>
        %dma_start3A_91 = arith.constant 0 : i32
        %dma_start3A_92 = arith.constant 0 : i32
        %dma_start3A_93 = tpu.memref_slice %arg2[%dma_start3A_91, %dma_start3A_92] : memref<10240x128xf32, #tpu.memory_space<hbm>> -> memref<10240x128xf32, #tpu.memory_space<hbm>>
        tpu.enqueue_indirect_dma source(%dma_start3A_93 : memref<10240x128xf32, #tpu.memory_space<hbm>>) target(%dma_start3A_87 : memref<128x128xf32, #tpu.memory_space<vmem>>) offsets(%dma_start3A_90 : memref<128xi32, #tpu.memory_space<vmem>>) semaphore(%arg13 : memref<!tpu.dma_semaphore, #tpu.memory_space<semaphore_mem>>)
      } else {
      }
      %dma_wait3A_54 = arith.constant 0 : i32
      %dma_wait3A_55 = arith.constant 0 : i32
      %dma_wait3A_56 = arith.constant 0 : i32
      %dma_wait3A_57 = tpu.memref_slice %arg10[%and3A_46, %dma_wait3A_55, %dma_wait3A_56] : memref<2x128x128xf32, #tpu.memory_space<vmem>> -> memref<1x128x128xf32, #tpu.memory_space<vmem>>
      %dma_wait3A_58 = tpu.memref_squeeze %dma_wait3A_57 : memref<1x128x128xf32, #tpu.memory_space<vmem>> -> memref<128x128xf32, #tpu.memory_space<vmem>>
      %dma_wait3A_59 = arith.constant 0 : i32
      %dma_wait3A_60 = tpu.memref_slice %arg8[%and3A_46, %dma_wait3A_54, %dma_wait3A_59] : memref<2x2x144xi32, #tpu.memory_space<vmem>> -> memref<1x1x128xi32, #tpu.memory_space<vmem>>
      %dma_wait3A_61 = tpu.memref_squeeze %dma_wait3A_60 : memref<1x1x128xi32, #tpu.memory_space<vmem>> -> memref<128xi32, #tpu.memory_space<vmem>>
      %dma_wait3A_62 = arith.constant 0 : i32
      %dma_wait3A_63 = arith.constant 0 : i32
      %dma_wait3A_64 = tpu.memref_slice %arg2[%dma_wait3A_62, %dma_wait3A_63] : memref<10240x128xf32, #tpu.memory_space<hbm>> -> memref<10240x128xf32, #tpu.memory_space<hbm>>
      tpu.wait_indirect_dma semaphore(%arg13 : memref<!tpu.dma_semaphore, #tpu.memory_space<semaphore_mem>>) src(%dma_wait3A_64 : memref<10240x128xf32, #tpu.memory_space<hbm>>) dst(%dma_wait3A_58 : memref<128x128xf32, #tpu.memory_space<vmem>>)
      %dma_start3A_65 = arith.constant 1 : i32
      %dma_start3A_66 = arith.constant 0 : i32
      %dma_start3A_67 = arith.constant 0 : i32
      %dma_start3A_68 = tpu.memref_slice %arg10[%and3A_46, %dma_start3A_66, %dma_start3A_67] : memref<2x128x128xf32, #tpu.memory_space<vmem>> -> memref<1x128x128xf32, #tpu.memory_space<vmem>>
      %dma_start3A_69 = tpu.memref_squeeze %dma_start3A_68 : memref<1x128x128xf32, #tpu.memory_space<vmem>> -> memref<128x128xf32, #tpu.memory_space<vmem>>
      %dma_start3A_70 = arith.constant 0 : i32
      %dma_start3A_71 = tpu.memref_slice %arg8[%and3A_46, %dma_start3A_65, %dma_start3A_70] : memref<2x2x144xi32, #tpu.memory_space<vmem>> -> memref<1x1x128xi32, #tpu.memory_space<vmem>>
      %dma_start3A_72 = tpu.memref_squeeze %dma_start3A_71 : memref<1x1x128xi32, #tpu.memory_space<vmem>> -> memref<128xi32, #tpu.memory_space<vmem>>
      %dma_start3A_73 = arith.constant 0 : i32
      %dma_start3A_74 = arith.constant 0 : i32
      %dma_start3A_75 = tpu.memref_slice %arg12[%dma_start3A_73, %dma_start3A_74] : memref<10240x128xf32, #tpu.memory_space<vmem_shared>> -> memref<10240x128xf32, #tpu.memory_space<vmem_shared>>
      tpu.enqueue_indirect_dma source(%dma_start3A_69 : memref<128x128xf32, #tpu.memory_space<vmem>>) target(%dma_start3A_75 : memref<10240x128xf32, #tpu.memory_space<vmem_shared>>) offsets(%dma_start3A_72 : memref<128xi32, #tpu.memory_space<vmem>>) semaphore(%arg14 : memref<!tpu.dma_semaphore, #tpu.memory_space<semaphore_mem>>) {add = true}
      %scan3A_76 = arith.constant 0 : i32
      scf.yield %scan3A_76 : i32
    }
    %scan3A_26 = arith.constant 80 : i32
    %dma_wait3A = arith.constant 1 : i32
    %dma_wait3A_27 = arith.constant 1 : i32
    %dma_wait3A_28 = arith.constant 1 : i32
    %dma_wait3A_29 = arith.constant 0 : i32
    %dma_wait3A_30 = arith.constant 0 : i32
    %dma_wait3A_31 = tpu.memref_slice %arg10[%dma_wait3A, %dma_wait3A_29, %dma_wait3A_30] : memref<2x128x128xf32, #tpu.memory_space<vmem>> -> memref<1x128x128xf32, #tpu.memory_space<vmem>>
    %dma_wait3A_32 = tpu.memref_squeeze %dma_wait3A_31 : memref<1x128x128xf32, #tpu.memory_space<vmem>> -> memref<128x128xf32, #tpu.memory_space<vmem>>
    %dma_wait3A_33 = arith.constant 0 : i32
    %dma_wait3A_34 = tpu.memref_slice %arg8[%dma_wait3A_27, %dma_wait3A_28, %dma_wait3A_33] : memref<2x2x144xi32, #tpu.memory_space<vmem>> -> memref<1x1x128xi32, #tpu.memory_space<vmem>>
    %dma_wait3A_35 = tpu.memref_squeeze %dma_wait3A_34 : memref<1x1x128xi32, #tpu.memory_space<vmem>> -> memref<128xi32, #tpu.memory_space<vmem>>
    %dma_wait3A_36 = arith.constant 0 : i32
    %dma_wait3A_37 = arith.constant 0 : i32
    %dma_wait3A_38 = tpu.memref_slice %arg12[%dma_wait3A_36, %dma_wait3A_37] : memref<10240x128xf32, #tpu.memory_space<vmem_shared>> -> memref<10240x128xf32, #tpu.memory_space<vmem_shared>>
    tpu.wait_indirect_dma semaphore(%arg14 : memref<!tpu.dma_semaphore, #tpu.memory_space<semaphore_mem>>) src(%dma_wait3A_32 : memref<128x128xf32, #tpu.memory_space<vmem>>) dst(%dma_wait3A_38 : memref<10240x128xf32, #tpu.memory_space<vmem_shared>>)
    %barrier3A_39 = arith.constant 0 : index
    tpu.barrier barrier_id(%barrier3A_39)
    %mul3A_40 = arith.constant 10240 : i32
    %mul3A_41 = arith.muli %arg0, %mul3A_40 : i32
    %add3A_42 = arith.addi %mul3A_41, %multiple_of3A : i32
    %multiple_of3A_43 = tpu.assume_multiple %add3A_42, 8 : i32
    "tpu.region"() ({
      %run_scoped3A_44 = tpu.sem_alloc : memref<!tpu.dma_semaphore, #tpu.memory_space<semaphore_mem>>
      %dma_start3A_45 = arith.constant 0 : i32
      %dma_start3A_46 = tpu.memref_slice %arg7[%multiple_of3A_43, %dma_start3A_45] : memref<20480x128xf32, #tpu.memory_space<hbm>> -> memref<640x128xf32, #tpu.memory_space<hbm>>
      %dma_start3A_47 = arith.constant 0 : i32
      %dma_start3A_48 = tpu.memref_slice %arg12[%multiple_of3A, %dma_start3A_47] : memref<10240x128xf32, #tpu.memory_space<vmem_shared>> -> memref<640x128xf32, #tpu.memory_space<vmem_shared>>
      tpu.enqueue_dma source(%dma_start3A_48 : memref<640x128xf32, #tpu.memory_space<vmem_shared>>) target(%dma_start3A_46 : memref<640x128xf32, #tpu.memory_space<hbm>>) target_semaphore(%run_scoped3A_44 : memref<!tpu.dma_semaphore, #tpu.memory_space<semaphore_mem>>)
      %dma_wait3A_49 = arith.constant 0 : i32
      %dma_wait3A_50 = tpu.memref_slice %arg7[%multiple_of3A_43, %dma_wait3A_49] : memref<20480x128xf32, #tpu.memory_space<hbm>> -> memref<640x128xf32, #tpu.memory_space<hbm>>
      %dma_wait3A_51 = arith.constant 0 : i32
      %dma_wait3A_52 = tpu.memref_slice %arg12[%multiple_of3A, %dma_wait3A_51] : memref<10240x128xf32, #tpu.memory_space<vmem_shared>> -> memref<640x128xf32, #tpu.memory_space<vmem_shared>>
      tpu.wait_dma2 semaphore(%run_scoped3A_44 : memref<!tpu.dma_semaphore, #tpu.memory_space<semaphore_mem>>) src(%dma_wait3A_52 : memref<640x128xf32, #tpu.memory_space<vmem_shared>>) dst(%dma_wait3A_50 : memref<640x128xf32, #tpu.memory_space<hbm>>)
      tpu.yield
    }) : () -> ()
    return
  }
}

#map = affine_map<(d0, d1) -> (0, 0)>
#map1 = affine_map<(d0, d1) -> (0)>
module attributes {stable_mosaic.version = 14 : i64} {
  func.func @_sc_body(%arg0: i32, %arg1: i32, %arg2: memref<10240x128xf32, #tpu.memory_space<hbm>>, %arg3: memref<10240xf32, #tpu.memory_space<hbm>>, %arg4: memref<2x327680xi32, #tpu.memory_space<hbm>>, %arg5: memref<327680xf32, #tpu.memory_space<hbm>>, %arg6: memref<640x128xf32, #tpu.memory_space<hbm>>, %arg7: memref<20480x128xf32, #tpu.memory_space<hbm>>, %arg8: memref<2x2x144xi32, #tpu.memory_space<vmem>>, %arg9: memref<2x144xf32, #tpu.memory_space<vmem>>, %arg10: memref<2x128x128xf32, #tpu.memory_space<vmem>>, %arg11: memref<10240xf32, #tpu.memory_space<vmem>>, %arg12: memref<10240x128xf32, #tpu.memory_space<vmem_shared>>, %arg13: memref<!tpu.dma_semaphore, #tpu.memory_space<semaphore_mem>>, %arg14: memref<!tpu.dma_semaphore, #tpu.memory_space<semaphore_mem>>) attributes {dimension_semantics = [#tpu.dimension_semantics<core_parallel>, #tpu.dimension_semantics<subcore_parallel>], iteration_bounds = array<i64: 2, 16>, scalar_prefetch = 0 : i64, scratch_operands = 7 : i64, tpu.core_type = #tpu.core_type<sc_vector_subcore>, window_params = [{transform_indices = #map}, {transform_indices = #map1}, {transform_indices = #map}, {transform_indices = #map1}, {transform_indices = #map}, {transform_indices = #map}]} {
    %mul3A = arith.constant 16 : i32
    %mul3A_0 = arith.muli %arg0, %mul3A : i32
    %add3A = arith.addi %mul3A_0, %arg1 : i32
    %mul3A_1 = arith.constant 640 : i32
    %mul3A_2 = arith.muli %arg1, %mul3A_1 : i32
    %multiple_of3A = tpu.assume_multiple %mul3A_2, 8 : i32
    "tpu.region"() ({
      %run_scoped3A_44 = tpu.sem_alloc : memref<!tpu.dma_semaphore, #tpu.memory_space<semaphore_mem>>
      %dma_start3A_45 = arith.constant 0 : i32
      %dma_start3A_46 = tpu.memref_slice %arg12[%multiple_of3A, %dma_start3A_45] : memref<10240x128xf32, #tpu.memory_space<vmem_shared>> -> memref<640x128xf32, #tpu.memory_space<vmem_shared>>
      %dma_start3A_47 = arith.constant 0 : i32
      %dma_start3A_48 = arith.constant 0 : i32
      %dma_start3A_49 = tpu.memref_slice %arg6[%dma_start3A_47, %dma_start3A_48] : memref<640x128xf32, #tpu.memory_space<hbm>> -> memref<640x128xf32, #tpu.memory_space<hbm>>
      tpu.enqueue_dma source(%dma_start3A_49 : memref<640x128xf32, #tpu.memory_space<hbm>>) target(%dma_start3A_46 : memref<640x128xf32, #tpu.memory_space<vmem_shared>>) target_semaphore(%run_scoped3A_44 : memref<!tpu.dma_semaphore, #tpu.memory_space<semaphore_mem>>)
      %dma_wait3A_50 = arith.constant 0 : i32
      %dma_wait3A_51 = tpu.memref_slice %arg12[%multiple_of3A, %dma_wait3A_50] : memref<10240x128xf32, #tpu.memory_space<vmem_shared>> -> memref<640x128xf32, #tpu.memory_space<vmem_shared>>
      %dma_wait3A_52 = arith.constant 0 : i32
      %dma_wait3A_53 = arith.constant 0 : i32
      %dma_wait3A_54 = tpu.memref_slice %arg6[%dma_wait3A_52, %dma_wait3A_53] : memref<640x128xf32, #tpu.memory_space<hbm>> -> memref<640x128xf32, #tpu.memory_space<hbm>>
      tpu.wait_dma2 semaphore(%run_scoped3A_44 : memref<!tpu.dma_semaphore, #tpu.memory_space<semaphore_mem>>) src(%dma_wait3A_54 : memref<640x128xf32, #tpu.memory_space<hbm>>) dst(%dma_wait3A_51 : memref<640x128xf32, #tpu.memory_space<vmem_shared>>)
      tpu.yield
    }) : () -> ()
    "tpu.region"() ({
      %run_scoped3A_44 = tpu.sem_alloc : memref<!tpu.dma_semaphore, #tpu.memory_space<semaphore_mem>>
      tpu.enqueue_dma source(%arg3 : memref<10240xf32, #tpu.memory_space<hbm>>) target(%arg11 : memref<10240xf32, #tpu.memory_space<vmem>>) target_semaphore(%run_scoped3A_44 : memref<!tpu.dma_semaphore, #tpu.memory_space<semaphore_mem>>)
      tpu.wait_dma2 semaphore(%run_scoped3A_44 : memref<!tpu.dma_semaphore, #tpu.memory_space<semaphore_mem>>) src(%arg3 : memref<10240xf32, #tpu.memory_space<hbm>>) dst(%arg11 : memref<10240xf32, #tpu.memory_space<vmem>>)
      tpu.yield
    }) : () -> ()
    %barrier3A = arith.constant 0 : index
    tpu.barrier barrier_id(%barrier3A)
    %mul3A_3 = arith.constant 10240 : i32
    %mul3A_4 = arith.muli %add3A, %mul3A_3 : i32
    %add3A_5 = arith.constant 0 : i32
    %add3A_6 = arith.addi %mul3A_4, %add3A_5 : i32
    %multiple_of3A_7 = tpu.assume_multiple %add3A_6, 128 : i32
    %run_scoped3A = arith.constant 0 : i32
    "tpu.region"() ({
      %run_scoped3A_44 = tpu.sem_alloc : memref<!tpu.dma_semaphore, #tpu.memory_space<semaphore_mem>>
      %dma_start3A_45 = arith.constant 0 : i32
      %dma_start3A_46 = arith.constant 0 : i32
      %dma_start3A_47 = tpu.memref_slice %arg8[%run_scoped3A, %dma_start3A_45, %dma_start3A_46] : memref<2x2x144xi32, #tpu.memory_space<vmem>> -> memref<1x2x128xi32, #tpu.memory_space<vmem>>
      %dma_start3A_48 = tpu.memref_squeeze %dma_start3A_47 : memref<1x2x128xi32, #tpu.memory_space<vmem>> -> memref<2x128xi32, #tpu.memory_space<vmem>>
      %dma_start3A_49 = arith.constant 0 : i32
      %dma_start3A_50 = tpu.memref_slice %arg4[%dma_start3A_49, %multiple_of3A_7] : memref<2x327680xi32, #tpu.memory_space<hbm>> -> memref<2x128xi32, #tpu.memory_space<hbm>>
      %dma_start3A_51 = arith.constant 0 : i32
      %dma_start3A_52 = arith.constant 0 : i32
      %dma_start3A_53 = tpu.memref_slice %arg8[%run_scoped3A, %dma_start3A_51, %dma_start3A_52] : memref<2x2x144xi32, #tpu.memory_space<vmem>> -> memref<1x2x128xi32, #tpu.memory_space<vmem>>
      %dma_start3A_54 = tpu.memref_squeeze %dma_start3A_53 : memref<1x2x128xi32, #tpu.memory_space<vmem>> -> memref<2x128xi32, #tpu.memory_space<vmem>>
      %dma_start3A_55 = arith.constant 0 : i32
      %dma_start3A_56 = tpu.memref_slice %arg4[%dma_start3A_55, %multiple_of3A_7] : memref<2x327680xi32, #tpu.memory_space<hbm>> -> memref<2x128xi32, #tpu.memory_space<hbm>>
      tpu.enqueue_dma source(%dma_start3A_56 : memref<2x128xi32, #tpu.memory_space<hbm>>) target(%dma_start3A_54 : memref<2x128xi32, #tpu.memory_space<vmem>>) target_semaphore(%run_scoped3A_44 : memref<!tpu.dma_semaphore, #tpu.memory_space<semaphore_mem>>)
      %dma_wait3A_57 = arith.constant 0 : i32
      %dma_wait3A_58 = arith.constant 0 : i32
      %dma_wait3A_59 = tpu.memref_slice %arg8[%run_scoped3A, %dma_wait3A_57, %dma_wait3A_58] : memref<2x2x144xi32, #tpu.memory_space<vmem>> -> memref<1x2x128xi32, #tpu.memory_space<vmem>>
      %dma_wait3A_60 = tpu.memref_squeeze %dma_wait3A_59 : memref<1x2x128xi32, #tpu.memory_space<vmem>> -> memref<2x128xi32, #tpu.memory_space<vmem>>
      %dma_wait3A_61 = arith.constant 0 : i32
      %dma_wait3A_62 = tpu.memref_slice %arg4[%dma_wait3A_61, %multiple_of3A_7] : memref<2x327680xi32, #tpu.memory_space<hbm>> -> memref<2x128xi32, #tpu.memory_space<hbm>>
      %dma_wait3A_63 = arith.constant 0 : i32
      %dma_wait3A_64 = arith.constant 0 : i32
      %dma_wait3A_65 = tpu.memref_slice %arg8[%run_scoped3A, %dma_wait3A_63, %dma_wait3A_64] : memref<2x2x144xi32, #tpu.memory_space<vmem>> -> memref<1x2x128xi32, #tpu.memory_space<vmem>>
      %dma_wait3A_66 = tpu.memref_squeeze %dma_wait3A_65 : memref<1x2x128xi32, #tpu.memory_space<vmem>> -> memref<2x128xi32, #tpu.memory_space<vmem>>
      %dma_wait3A_67 = arith.constant 0 : i32
      %dma_wait3A_68 = tpu.memref_slice %arg4[%dma_wait3A_67, %multiple_of3A_7] : memref<2x327680xi32, #tpu.memory_space<hbm>> -> memref<2x128xi32, #tpu.memory_space<hbm>>
      tpu.wait_dma2 semaphore(%run_scoped3A_44 : memref<!tpu.dma_semaphore, #tpu.memory_space<semaphore_mem>>) src(%dma_wait3A_68 : memref<2x128xi32, #tpu.memory_space<hbm>>) dst(%dma_wait3A_66 : memref<2x128xi32, #tpu.memory_space<vmem>>)
      tpu.yield
    }) : () -> ()
    %run_scoped3A_8 = arith.constant 0 : i32
    "tpu.region"() ({
      %run_scoped3A_44 = tpu.sem_alloc : memref<!tpu.dma_semaphore, #tpu.memory_space<semaphore_mem>>
      %dma_start3A_45 = arith.constant 0 : i32
      %dma_start3A_46 = tpu.memref_slice %arg9[%run_scoped3A_8, %dma_start3A_45] : memref<2x144xf32, #tpu.memory_space<vmem>> -> memref<1x128xf32, #tpu.memory_space<vmem>>
      %dma_start3A_47 = tpu.memref_squeeze %dma_start3A_46 : memref<1x128xf32, #tpu.memory_space<vmem>> -> memref<128xf32, #tpu.memory_space<vmem>>
      %dma_start3A_48 = tpu.memref_slice %arg5[%multiple_of3A_7] : memref<327680xf32, #tpu.memory_space<hbm>> -> memref<128xf32, #tpu.memory_space<hbm>>
      %dma_start3A_49 = arith.constant 0 : i32
      %dma_start3A_50 = tpu.memref_slice %arg9[%run_scoped3A_8, %dma_start3A_49] : memref<2x144xf32, #tpu.memory_space<vmem>> -> memref<1x128xf32, #tpu.memory_space<vmem>>
      %dma_start3A_51 = tpu.memref_squeeze %dma_start3A_50 : memref<1x128xf32, #tpu.memory_space<vmem>> -> memref<128xf32, #tpu.memory_space<vmem>>
      %dma_start3A_52 = tpu.memref_slice %arg5[%multiple_of3A_7] : memref<327680xf32, #tpu.memory_space<hbm>> -> memref<128xf32, #tpu.memory_space<hbm>>
      tpu.enqueue_dma source(%dma_start3A_52 : memref<128xf32, #tpu.memory_space<hbm>>) target(%dma_start3A_51 : memref<128xf32, #tpu.memory_space<vmem>>) target_semaphore(%run_scoped3A_44 : memref<!tpu.dma_semaphore, #tpu.memory_space<semaphore_mem>>)
      %dma_wait3A_53 = arith.constant 0 : i32
      %dma_wait3A_54 = tpu.memref_slice %arg9[%run_scoped3A_8, %dma_wait3A_53] : memref<2x144xf32, #tpu.memory_space<vmem>> -> memref<1x128xf32, #tpu.memory_space<vmem>>
      %dma_wait3A_55 = tpu.memref_squeeze %dma_wait3A_54 : memref<1x128xf32, #tpu.memory_space<vmem>> -> memref<128xf32, #tpu.memory_space<vmem>>
      %dma_wait3A_56 = tpu.memref_slice %arg5[%multiple_of3A_7] : memref<327680xf32, #tpu.memory_space<hbm>> -> memref<128xf32, #tpu.memory_space<hbm>>
      %dma_wait3A_57 = arith.constant 0 : i32
      %dma_wait3A_58 = tpu.memref_slice %arg9[%run_scoped3A_8, %dma_wait3A_57] : memref<2x144xf32, #tpu.memory_space<vmem>> -> memref<1x128xf32, #tpu.memory_space<vmem>>
      %dma_wait3A_59 = tpu.memref_squeeze %dma_wait3A_58 : memref<1x128xf32, #tpu.memory_space<vmem>> -> memref<128xf32, #tpu.memory_space<vmem>>
      %dma_wait3A_60 = tpu.memref_slice %arg5[%multiple_of3A_7] : memref<327680xf32, #tpu.memory_space<hbm>> -> memref<128xf32, #tpu.memory_space<hbm>>
      tpu.wait_dma2 semaphore(%run_scoped3A_44 : memref<!tpu.dma_semaphore, #tpu.memory_space<semaphore_mem>>) src(%dma_wait3A_60 : memref<128xf32, #tpu.memory_space<hbm>>) dst(%dma_wait3A_59 : memref<128xf32, #tpu.memory_space<vmem>>)
      tpu.yield
    }) : () -> ()
    %dma_start3A = arith.constant 0 : i32
    %dma_start3A_9 = arith.constant 0 : i32
    %dma_start3A_10 = arith.constant 0 : i32
    %dma_start3A_11 = arith.constant 0 : i32
    %dma_start3A_12 = arith.constant 0 : i32
    %dma_start3A_13 = tpu.memref_slice %arg10[%dma_start3A_10, %dma_start3A_11, %dma_start3A_12] : memref<2x128x128xf32, #tpu.memory_space<vmem>> -> memref<1x128x128xf32, #tpu.memory_space<vmem>>
    %dma_start3A_14 = tpu.memref_squeeze %dma_start3A_13 : memref<1x128x128xf32, #tpu.memory_space<vmem>> -> memref<128x128xf32, #tpu.memory_space<vmem>>
    %dma_start3A_15 = arith.constant 0 : i32
    %dma_start3A_16 = tpu.memref_slice %arg8[%dma_start3A, %dma_start3A_9, %dma_start3A_15] : memref<2x2x144xi32, #tpu.memory_space<vmem>> -> memref<1x1x128xi32, #tpu.memory_space<vmem>>
    %dma_start3A_17 = tpu.memref_squeeze %dma_start3A_16 : memref<1x1x128xi32, #tpu.memory_space<vmem>> -> memref<128xi32, #tpu.memory_space<vmem>>
    %dma_start3A_18 = arith.constant 0 : i32
    %dma_start3A_19 = arith.constant 0 : i32
    %dma_start3A_20 = tpu.memref_slice %arg2[%dma_start3A_18, %dma_start3A_19] : memref<10240x128xf32, #tpu.memory_space<hbm>> -> memref<10240x128xf32, #tpu.memory_space<hbm>>
    tpu.enqueue_indirect_dma source(%dma_start3A_20 : memref<10240x128xf32, #tpu.memory_space<hbm>>) target(%dma_start3A_14 : memref<128x128xf32, #tpu.memory_space<vmem>>) offsets(%dma_start3A_17 : memref<128xi32, #tpu.memory_space<vmem>>) semaphore(%arg13 : memref<!tpu.dma_semaphore, #tpu.memory_space<semaphore_mem>>)
    %scan3A = arith.constant 0 : i32
    %scan3A_21 = arith.constant 0 : i32
    %scan3A_22 = arith.constant 80 : i32
    %scan3A_23 = arith.addi %scan3A_21, %scan3A_22 : i32
    %scan3A_24 = arith.constant 1 : i32
    %scan3A_25 = scf.for %scan3A_44 = %scan3A_21 to %scan3A_23 step %scan3A_24 iter_args(%scan3A_45 = %scan3A) -> (i32)  : i32 {
      %and3A = arith.constant 1 : i32
      %and3A_46 = arith.andi %scan3A_44, %and3A : i32
      %sub3A = arith.constant 1 : i32
      %sub3A_47 = arith.subi %sub3A, %and3A_46 : i32
      %gt3A = arith.constant 0 : i32
      %gt3A_48 = arith.cmpi sgt, %scan3A_44, %gt3A : i32
      %convert_element_type3A = arith.extui %gt3A_48 : i1 to i32
      %cond3A = arith.constant 0 : i32
      %cond3A_49 = arith.cmpi ne, %convert_element_type3A, %cond3A : i32
      scf.if %cond3A_49 {
        %dma_wait3A_77 = arith.constant 1 : i32
        %dma_wait3A_78 = arith.constant 0 : i32
        %dma_wait3A_79 = arith.constant 0 : i32
        %dma_wait3A_80 = tpu.memref_slice %arg10[%sub3A_47, %dma_wait3A_78, %dma_wait3A_79] : memref<2x128x128xf32, #tpu.memory_space<vmem>> -> memref<1x128x128xf32, #tpu.memory_space<vmem>>
        %dma_wait3A_81 = tpu.memref_squeeze %dma_wait3A_80 : memref<1x128x128xf32, #tpu.memory_space<vmem>> -> memref<128x128xf32, #tpu.memory_space<vmem>>
        %dma_wait3A_82 = arith.constant 0 : i32
        %dma_wait3A_83 = tpu.memref_slice %arg8[%sub3A_47, %dma_wait3A_77, %dma_wait3A_82] : memref<2x2x144xi32, #tpu.memory_space<vmem>> -> memref<1x1x128xi32, #tpu.memory_space<vmem>>
        %dma_wait3A_84 = tpu.memref_squeeze %dma_wait3A_83 : memref<1x1x128xi32, #tpu.memory_space<vmem>> -> memref<128xi32, #tpu.memory_space<vmem>>
        %dma_wait3A_85 = arith.constant 0 : i32
        %dma_wait3A_86 = arith.constant 0 : i32
        %dma_wait3A_87 = tpu.memref_slice %arg12[%dma_wait3A_85, %dma_wait3A_86] : memref<10240x128xf32, #tpu.memory_space<vmem_shared>> -> memref<10240x128xf32, #tpu.memory_space<vmem_shared>>
        tpu.wait_indirect_dma semaphore(%arg14 : memref<!tpu.dma_semaphore, #tpu.memory_space<semaphore_mem>>) src(%dma_wait3A_81 : memref<128x128xf32, #tpu.memory_space<vmem>>) dst(%dma_wait3A_87 : memref<10240x128xf32, #tpu.memory_space<vmem_shared>>)
      } else {
      }
      %lt3A = arith.constant 79 : i32
      %lt3A_50 = arith.cmpi slt, %scan3A_44, %lt3A : i32
      %convert_element_type3A_51 = arith.extui %lt3A_50 : i1 to i32
      %cond3A_52 = arith.constant 0 : i32
      %cond3A_53 = arith.cmpi ne, %convert_element_type3A_51, %cond3A_52 : i32
      scf.if %cond3A_53 {
        %add3A_77 = arith.constant 1 : i32
        %add3A_78 = arith.addi %scan3A_44, %add3A_77 : i32
        %mul3A_79 = arith.constant 128 : i32
        %mul3A_80 = arith.muli %add3A_78, %mul3A_79 : i32
        %add3A_81 = arith.addi %mul3A_4, %mul3A_80 : i32
        %multiple_of3A_82 = tpu.assume_multiple %add3A_81, 128 : i32
        "tpu.region"() ({
          %run_scoped3A_94 = tpu.sem_alloc : memref<!tpu.dma_semaphore, #tpu.memory_space<semaphore_mem>>
          %dma_start3A_95 = arith.constant 0 : i32
          %dma_start3A_96 = arith.constant 0 : i32
          %dma_start3A_97 = tpu.memref_slice %arg8[%sub3A_47, %dma_start3A_95, %dma_start3A_96] : memref<2x2x144xi32, #tpu.memory_space<vmem>> -> memref<1x2x128xi32, #tpu.memory_space<vmem>>
          %dma_start3A_98 = tpu.memref_squeeze %dma_start3A_97 : memref<1x2x128xi32, #tpu.memory_space<vmem>> -> memref<2x128xi32, #tpu.memory_space<vmem>>
          %dma_start3A_99 = arith.constant 0 : i32
          %dma_start3A_100 = tpu.memref_slice %arg4[%dma_start3A_99, %multiple_of3A_82] : memref<2x327680xi32, #tpu.memory_space<hbm>> -> memref<2x128xi32, #tpu.memory_space<hbm>>
          %dma_start3A_101 = arith.constant 0 : i32
          %dma_start3A_102 = arith.constant 0 : i32
          %dma_start3A_103 = tpu.memref_slice %arg8[%sub3A_47, %dma_start3A_101, %dma_start3A_102] : memref<2x2x144xi32, #tpu.memory_space<vmem>> -> memref<1x2x128xi32, #tpu.memory_space<vmem>>
          %dma_start3A_104 = tpu.memref_squeeze %dma_start3A_103 : memref<1x2x128xi32, #tpu.memory_space<vmem>> -> memref<2x128xi32, #tpu.memory_space<vmem>>
          %dma_start3A_105 = arith.constant 0 : i32
          %dma_start3A_106 = tpu.memref_slice %arg4[%dma_start3A_105, %multiple_of3A_82] : memref<2x327680xi32, #tpu.memory_space<hbm>> -> memref<2x128xi32, #tpu.memory_space<hbm>>
          tpu.enqueue_dma source(%dma_start3A_106 : memref<2x128xi32, #tpu.memory_space<hbm>>) target(%dma_start3A_104 : memref<2x128xi32, #tpu.memory_space<vmem>>) target_semaphore(%run_scoped3A_94 : memref<!tpu.dma_semaphore, #tpu.memory_space<semaphore_mem>>)
          %dma_wait3A_107 = arith.constant 0 : i32
          %dma_wait3A_108 = arith.constant 0 : i32
          %dma_wait3A_109 = tpu.memref_slice %arg8[%sub3A_47, %dma_wait3A_107, %dma_wait3A_108] : memref<2x2x144xi32, #tpu.memory_space<vmem>> -> memref<1x2x128xi32, #tpu.memory_space<vmem>>
          %dma_wait3A_110 = tpu.memref_squeeze %dma_wait3A_109 : memref<1x2x128xi32, #tpu.memory_space<vmem>> -> memref<2x128xi32, #tpu.memory_space<vmem>>
          %dma_wait3A_111 = arith.constant 0 : i32
          %dma_wait3A_112 = tpu.memref_slice %arg4[%dma_wait3A_111, %multiple_of3A_82] : memref<2x327680xi32, #tpu.memory_space<hbm>> -> memref<2x128xi32, #tpu.memory_space<hbm>>
          %dma_wait3A_113 = arith.constant 0 : i32
          %dma_wait3A_114 = arith.constant 0 : i32
          %dma_wait3A_115 = tpu.memref_slice %arg8[%sub3A_47, %dma_wait3A_113, %dma_wait3A_114] : memref<2x2x144xi32, #tpu.memory_space<vmem>> -> memref<1x2x128xi32, #tpu.memory_space<vmem>>
          %dma_wait3A_116 = tpu.memref_squeeze %dma_wait3A_115 : memref<1x2x128xi32, #tpu.memory_space<vmem>> -> memref<2x128xi32, #tpu.memory_space<vmem>>
          %dma_wait3A_117 = arith.constant 0 : i32
          %dma_wait3A_118 = tpu.memref_slice %arg4[%dma_wait3A_117, %multiple_of3A_82] : memref<2x327680xi32, #tpu.memory_space<hbm>> -> memref<2x128xi32, #tpu.memory_space<hbm>>
          tpu.wait_dma2 semaphore(%run_scoped3A_94 : memref<!tpu.dma_semaphore, #tpu.memory_space<semaphore_mem>>) src(%dma_wait3A_118 : memref<2x128xi32, #tpu.memory_space<hbm>>) dst(%dma_wait3A_116 : memref<2x128xi32, #tpu.memory_space<vmem>>)
          tpu.yield
        }) : () -> ()
        "tpu.region"() ({
          %run_scoped3A_94 = tpu.sem_alloc : memref<!tpu.dma_semaphore, #tpu.memory_space<semaphore_mem>>
          %dma_start3A_95 = arith.constant 0 : i32
          %dma_start3A_96 = tpu.memref_slice %arg9[%sub3A_47, %dma_start3A_95] : memref<2x144xf32, #tpu.memory_space<vmem>> -> memref<1x128xf32, #tpu.memory_space<vmem>>
          %dma_start3A_97 = tpu.memref_squeeze %dma_start3A_96 : memref<1x128xf32, #tpu.memory_space<vmem>> -> memref<128xf32, #tpu.memory_space<vmem>>
          %dma_start3A_98 = tpu.memref_slice %arg5[%multiple_of3A_82] : memref<327680xf32, #tpu.memory_space<hbm>> -> memref<128xf32, #tpu.memory_space<hbm>>
          %dma_start3A_99 = arith.constant 0 : i32
          %dma_start3A_100 = tpu.memref_slice %arg9[%sub3A_47, %dma_start3A_99] : memref<2x144xf32, #tpu.memory_space<vmem>> -> memref<1x128xf32, #tpu.memory_space<vmem>>
          %dma_start3A_101 = tpu.memref_squeeze %dma_start3A_100 : memref<1x128xf32, #tpu.memory_space<vmem>> -> memref<128xf32, #tpu.memory_space<vmem>>
          %dma_start3A_102 = tpu.memref_slice %arg5[%multiple_of3A_82] : memref<327680xf32, #tpu.memory_space<hbm>> -> memref<128xf32, #tpu.memory_space<hbm>>
          tpu.enqueue_dma source(%dma_start3A_102 : memref<128xf32, #tpu.memory_space<hbm>>) target(%dma_start3A_101 : memref<128xf32, #tpu.memory_space<vmem>>) target_semaphore(%run_scoped3A_94 : memref<!tpu.dma_semaphore, #tpu.memory_space<semaphore_mem>>)
          %dma_wait3A_103 = arith.constant 0 : i32
          %dma_wait3A_104 = tpu.memref_slice %arg9[%sub3A_47, %dma_wait3A_103] : memref<2x144xf32, #tpu.memory_space<vmem>> -> memref<1x128xf32, #tpu.memory_space<vmem>>
          %dma_wait3A_105 = tpu.memref_squeeze %dma_wait3A_104 : memref<1x128xf32, #tpu.memory_space<vmem>> -> memref<128xf32, #tpu.memory_space<vmem>>
          %dma_wait3A_106 = tpu.memref_slice %arg5[%multiple_of3A_82] : memref<327680xf32, #tpu.memory_space<hbm>> -> memref<128xf32, #tpu.memory_space<hbm>>
          %dma_wait3A_107 = arith.constant 0 : i32
          %dma_wait3A_108 = tpu.memref_slice %arg9[%sub3A_47, %dma_wait3A_107] : memref<2x144xf32, #tpu.memory_space<vmem>> -> memref<1x128xf32, #tpu.memory_space<vmem>>
          %dma_wait3A_109 = tpu.memref_squeeze %dma_wait3A_108 : memref<1x128xf32, #tpu.memory_space<vmem>> -> memref<128xf32, #tpu.memory_space<vmem>>
          %dma_wait3A_110 = tpu.memref_slice %arg5[%multiple_of3A_82] : memref<327680xf32, #tpu.memory_space<hbm>> -> memref<128xf32, #tpu.memory_space<hbm>>
          tpu.wait_dma2 semaphore(%run_scoped3A_94 : memref<!tpu.dma_semaphore, #tpu.memory_space<semaphore_mem>>) src(%dma_wait3A_110 : memref<128xf32, #tpu.memory_space<hbm>>) dst(%dma_wait3A_109 : memref<128xf32, #tpu.memory_space<vmem>>)
          tpu.yield
        }) : () -> ()
        %dma_start3A_83 = arith.constant 0 : i32
        %dma_start3A_84 = arith.constant 0 : i32
        %dma_start3A_85 = arith.constant 0 : i32
        %dma_start3A_86 = tpu.memref_slice %arg10[%sub3A_47, %dma_start3A_84, %dma_start3A_85] : memref<2x128x128xf32, #tpu.memory_space<vmem>> -> memref<1x128x128xf32, #tpu.memory_space<vmem>>
        %dma_start3A_87 = tpu.memref_squeeze %dma_start3A_86 : memref<1x128x128xf32, #tpu.memory_space<vmem>> -> memref<128x128xf32, #tpu.memory_space<vmem>>
        %dma_start3A_88 = arith.constant 0 : i32
        %dma_start3A_89 = tpu.memref_slice %arg8[%sub3A_47, %dma_start3A_83, %dma_start3A_88] : memref<2x2x144xi32, #tpu.memory_space<vmem>> -> memref<1x1x128xi32, #tpu.memory_space<vmem>>
        %dma_start3A_90 = tpu.memref_squeeze %dma_start3A_89 : memref<1x1x128xi32, #tpu.memory_space<vmem>> -> memref<128xi32, #tpu.memory_space<vmem>>
        %dma_start3A_91 = arith.constant 0 : i32
        %dma_start3A_92 = arith.constant 0 : i32
        %dma_start3A_93 = tpu.memref_slice %arg2[%dma_start3A_91, %dma_start3A_92] : memref<10240x128xf32, #tpu.memory_space<hbm>> -> memref<10240x128xf32, #tpu.memory_space<hbm>>
        tpu.enqueue_indirect_dma source(%dma_start3A_93 : memref<10240x128xf32, #tpu.memory_space<hbm>>) target(%dma_start3A_87 : memref<128x128xf32, #tpu.memory_space<vmem>>) offsets(%dma_start3A_90 : memref<128xi32, #tpu.memory_space<vmem>>) semaphore(%arg13 : memref<!tpu.dma_semaphore, #tpu.memory_space<semaphore_mem>>)
      } else {
      }
      %dma_wait3A_54 = arith.constant 0 : i32
      %dma_wait3A_55 = arith.constant 0 : i32
      %dma_wait3A_56 = arith.constant 0 : i32
      %dma_wait3A_57 = tpu.memref_slice %arg10[%and3A_46, %dma_wait3A_55, %dma_wait3A_56] : memref<2x128x128xf32, #tpu.memory_space<vmem>> -> memref<1x128x128xf32, #tpu.memory_space<vmem>>
      %dma_wait3A_58 = tpu.memref_squeeze %dma_wait3A_57 : memref<1x128x128xf32, #tpu.memory_space<vmem>> -> memref<128x128xf32, #tpu.memory_space<vmem>>
      %dma_wait3A_59 = arith.constant 0 : i32
      %dma_wait3A_60 = tpu.memref_slice %arg8[%and3A_46, %dma_wait3A_54, %dma_wait3A_59] : memref<2x2x144xi32, #tpu.memory_space<vmem>> -> memref<1x1x128xi32, #tpu.memory_space<vmem>>
      %dma_wait3A_61 = tpu.memref_squeeze %dma_wait3A_60 : memref<1x1x128xi32, #tpu.memory_space<vmem>> -> memref<128xi32, #tpu.memory_space<vmem>>
      %dma_wait3A_62 = arith.constant 0 : i32
      %dma_wait3A_63 = arith.constant 0 : i32
      %dma_wait3A_64 = tpu.memref_slice %arg2[%dma_wait3A_62, %dma_wait3A_63] : memref<10240x128xf32, #tpu.memory_space<hbm>> -> memref<10240x128xf32, #tpu.memory_space<hbm>>
      tpu.wait_indirect_dma semaphore(%arg13 : memref<!tpu.dma_semaphore, #tpu.memory_space<semaphore_mem>>) src(%dma_wait3A_64 : memref<10240x128xf32, #tpu.memory_space<hbm>>) dst(%dma_wait3A_58 : memref<128x128xf32, #tpu.memory_space<vmem>>)
      %dma_start3A_65 = arith.constant 1 : i32
      %dma_start3A_66 = arith.constant 0 : i32
      %dma_start3A_67 = arith.constant 0 : i32
      %dma_start3A_68 = tpu.memref_slice %arg10[%and3A_46, %dma_start3A_66, %dma_start3A_67] : memref<2x128x128xf32, #tpu.memory_space<vmem>> -> memref<1x128x128xf32, #tpu.memory_space<vmem>>
      %dma_start3A_69 = tpu.memref_squeeze %dma_start3A_68 : memref<1x128x128xf32, #tpu.memory_space<vmem>> -> memref<128x128xf32, #tpu.memory_space<vmem>>
      %dma_start3A_70 = arith.constant 0 : i32
      %dma_start3A_71 = tpu.memref_slice %arg8[%and3A_46, %dma_start3A_65, %dma_start3A_70] : memref<2x2x144xi32, #tpu.memory_space<vmem>> -> memref<1x1x128xi32, #tpu.memory_space<vmem>>
      %dma_start3A_72 = tpu.memref_squeeze %dma_start3A_71 : memref<1x1x128xi32, #tpu.memory_space<vmem>> -> memref<128xi32, #tpu.memory_space<vmem>>
      %dma_start3A_73 = arith.constant 0 : i32
      %dma_start3A_74 = arith.constant 0 : i32
      %dma_start3A_75 = tpu.memref_slice %arg12[%dma_start3A_73, %dma_start3A_74] : memref<10240x128xf32, #tpu.memory_space<vmem_shared>> -> memref<10240x128xf32, #tpu.memory_space<vmem_shared>>
      tpu.enqueue_indirect_dma source(%dma_start3A_69 : memref<128x128xf32, #tpu.memory_space<vmem>>) target(%dma_start3A_75 : memref<10240x128xf32, #tpu.memory_space<vmem_shared>>) offsets(%dma_start3A_72 : memref<128xi32, #tpu.memory_space<vmem>>) semaphore(%arg14 : memref<!tpu.dma_semaphore, #tpu.memory_space<semaphore_mem>>) {add = true}
      %scan3A_76 = arith.constant 0 : i32
      scf.yield %scan3A_76 : i32
    }
    %scan3A_26 = arith.constant 80 : i32
    %dma_wait3A = arith.constant 1 : i32
    %dma_wait3A_27 = arith.constant 1 : i32
    %dma_wait3A_28 = arith.constant 1 : i32
    %dma_wait3A_29 = arith.constant 0 : i32
    %dma_wait3A_30 = arith.constant 0 : i32
    %dma_wait3A_31 = tpu.memref_slice %arg10[%dma_wait3A, %dma_wait3A_29, %dma_wait3A_30] : memref<2x128x128xf32, #tpu.memory_space<vmem>> -> memref<1x128x128xf32, #tpu.memory_space<vmem>>
    %dma_wait3A_32 = tpu.memref_squeeze %dma_wait3A_31 : memref<1x128x128xf32, #tpu.memory_space<vmem>> -> memref<128x128xf32, #tpu.memory_space<vmem>>
    %dma_wait3A_33 = arith.constant 0 : i32
    %dma_wait3A_34 = tpu.memref_slice %arg8[%dma_wait3A_27, %dma_wait3A_28, %dma_wait3A_33] : memref<2x2x144xi32, #tpu.memory_space<vmem>> -> memref<1x1x128xi32, #tpu.memory_space<vmem>>
    %dma_wait3A_35 = tpu.memref_squeeze %dma_wait3A_34 : memref<1x1x128xi32, #tpu.memory_space<vmem>> -> memref<128xi32, #tpu.memory_space<vmem>>
    %dma_wait3A_36 = arith.constant 0 : i32
    %dma_wait3A_37 = arith.constant 0 : i32
    %dma_wait3A_38 = tpu.memref_slice %arg12[%dma_wait3A_36, %dma_wait3A_37] : memref<10240x128xf32, #tpu.memory_space<vmem_shared>> -> memref<10240x128xf32, #tpu.memory_space<vmem_shared>>
    tpu.wait_indirect_dma semaphore(%arg14 : memref<!tpu.dma_semaphore, #tpu.memory_space<semaphore_mem>>) src(%dma_wait3A_32 : memref<128x128xf32, #tpu.memory_space<vmem>>) dst(%dma_wait3A_38 : memref<10240x128xf32, #tpu.memory_space<vmem_shared>>)
    %barrier3A_39 = arith.constant 0 : index
    tpu.barrier barrier_id(%barrier3A_39)
    %mul3A_40 = arith.constant 10240 : i32
    %mul3A_41 = arith.muli %arg0, %mul3A_40 : i32
    %add3A_42 = arith.addi %mul3A_41, %multiple_of3A : i32
    %multiple_of3A_43 = tpu.assume_multiple %add3A_42, 8 : i32
    "tpu.region"() ({
      %run_scoped3A_44 = tpu.sem_alloc : memref<!tpu.dma_semaphore, #tpu.memory_space<semaphore_mem>>
      %dma_start3A_45 = arith.constant 0 : i32
      %dma_start3A_46 = tpu.memref_slice %arg7[%multiple_of3A_43, %dma_start3A_45] : memref<20480x128xf32, #tpu.memory_space<hbm>> -> memref<640x128xf32, #tpu.memory_space<hbm>>
      %dma_start3A_47 = arith.constant 0 : i32
      %dma_start3A_48 = tpu.memref_slice %arg12[%multiple_of3A, %dma_start3A_47] : memref<10240x128xf32, #tpu.memory_space<vmem_shared>> -> memref<640x128xf32, #tpu.memory_space<vmem_shared>>
      tpu.enqueue_dma source(%dma_start3A_48 : memref<640x128xf32, #tpu.memory_space<vmem_shared>>) target(%dma_start3A_46 : memref<640x128xf32, #tpu.memory_space<hbm>>) target_semaphore(%run_scoped3A_44 : memref<!tpu.dma_semaphore, #tpu.memory_space<semaphore_mem>>)
      %dma_wait3A_49 = arith.constant 0 : i32
      %dma_wait3A_50 = tpu.memref_slice %arg7[%multiple_of3A_43, %dma_wait3A_49] : memref<20480x128xf32, #tpu.memory_space<hbm>> -> memref<640x128xf32, #tpu.memory_space<hbm>>
      %dma_wait3A_51 = arith.constant 0 : i32
      %dma_wait3A_52 = tpu.memref_slice %arg12[%multiple_of3A, %dma_wait3A_51] : memref<10240x128xf32, #tpu.memory_space<vmem_shared>> -> memref<640x128xf32, #tpu.memory_space<vmem_shared>>
      tpu.wait_dma2 semaphore(%run_scoped3A_44 : memref<!tpu.dma_semaphore, #tpu.memory_space<semaphore_mem>>) src(%dma_wait3A_52 : memref<640x128xf32, #tpu.memory_space<vmem_shared>>) dst(%dma_wait3A_50 : memref<640x128xf32, #tpu.memory_space<hbm>>)
      tpu.yield
    }) : () -> ()
    return
  }
}

#map = affine_map<(d0, d1) -> (0, 0)>
#map1 = affine_map<(d0, d1) -> (0)>
module attributes {stable_mosaic.version = 14 : i64} {
  func.func @_sc_body(%arg0: i32, %arg1: i32, %arg2: memref<10240x128xf32, #tpu.memory_space<hbm>>, %arg3: memref<10240xf32, #tpu.memory_space<hbm>>, %arg4: memref<2x327680xi32, #tpu.memory_space<hbm>>, %arg5: memref<327680xf32, #tpu.memory_space<hbm>>, %arg6: memref<640x128xf32, #tpu.memory_space<hbm>>, %arg7: memref<20480x128xf32, #tpu.memory_space<hbm>>, %arg8: memref<2x2x144xi32, #tpu.memory_space<vmem>>, %arg9: memref<2x144xf32, #tpu.memory_space<vmem>>, %arg10: memref<2x128x128xf32, #tpu.memory_space<vmem>>, %arg11: memref<10240xf32, #tpu.memory_space<vmem>>, %arg12: memref<10240x128xf32, #tpu.memory_space<vmem_shared>>, %arg13: memref<!tpu.dma_semaphore, #tpu.memory_space<semaphore_mem>>, %arg14: memref<!tpu.dma_semaphore, #tpu.memory_space<semaphore_mem>>) attributes {dimension_semantics = [#tpu.dimension_semantics<core_parallel>, #tpu.dimension_semantics<subcore_parallel>], iteration_bounds = array<i64: 2, 16>, scalar_prefetch = 0 : i64, scratch_operands = 7 : i64, tpu.core_type = #tpu.core_type<sc_vector_subcore>, window_params = [{transform_indices = #map}, {transform_indices = #map1}, {transform_indices = #map}, {transform_indices = #map1}, {transform_indices = #map}, {transform_indices = #map}]} {
    %mul3A = arith.constant 16 : i32
    %mul3A_0 = arith.muli %arg0, %mul3A : i32
    %add3A = arith.addi %mul3A_0, %arg1 : i32
    %mul3A_1 = arith.constant 640 : i32
    %mul3A_2 = arith.muli %arg1, %mul3A_1 : i32
    %multiple_of3A = tpu.assume_multiple %mul3A_2, 8 : i32
    "tpu.region"() ({
      %run_scoped3A_44 = tpu.sem_alloc : memref<!tpu.dma_semaphore, #tpu.memory_space<semaphore_mem>>
      %dma_start3A_45 = arith.constant 0 : i32
      %dma_start3A_46 = tpu.memref_slice %arg12[%multiple_of3A, %dma_start3A_45] : memref<10240x128xf32, #tpu.memory_space<vmem_shared>> -> memref<640x128xf32, #tpu.memory_space<vmem_shared>>
      %dma_start3A_47 = arith.constant 0 : i32
      %dma_start3A_48 = arith.constant 0 : i32
      %dma_start3A_49 = tpu.memref_slice %arg6[%dma_start3A_47, %dma_start3A_48] : memref<640x128xf32, #tpu.memory_space<hbm>> -> memref<640x128xf32, #tpu.memory_space<hbm>>
      tpu.enqueue_dma source(%dma_start3A_49 : memref<640x128xf32, #tpu.memory_space<hbm>>) target(%dma_start3A_46 : memref<640x128xf32, #tpu.memory_space<vmem_shared>>) target_semaphore(%run_scoped3A_44 : memref<!tpu.dma_semaphore, #tpu.memory_space<semaphore_mem>>)
      %dma_wait3A_50 = arith.constant 0 : i32
      %dma_wait3A_51 = tpu.memref_slice %arg12[%multiple_of3A, %dma_wait3A_50] : memref<10240x128xf32, #tpu.memory_space<vmem_shared>> -> memref<640x128xf32, #tpu.memory_space<vmem_shared>>
      %dma_wait3A_52 = arith.constant 0 : i32
      %dma_wait3A_53 = arith.constant 0 : i32
      %dma_wait3A_54 = tpu.memref_slice %arg6[%dma_wait3A_52, %dma_wait3A_53] : memref<640x128xf32, #tpu.memory_space<hbm>> -> memref<640x128xf32, #tpu.memory_space<hbm>>
      tpu.wait_dma2 semaphore(%run_scoped3A_44 : memref<!tpu.dma_semaphore, #tpu.memory_space<semaphore_mem>>) src(%dma_wait3A_54 : memref<640x128xf32, #tpu.memory_space<hbm>>) dst(%dma_wait3A_51 : memref<640x128xf32, #tpu.memory_space<vmem_shared>>)
      tpu.yield
    }) : () -> ()
    "tpu.region"() ({
      %run_scoped3A_44 = tpu.sem_alloc : memref<!tpu.dma_semaphore, #tpu.memory_space<semaphore_mem>>
      tpu.enqueue_dma source(%arg3 : memref<10240xf32, #tpu.memory_space<hbm>>) target(%arg11 : memref<10240xf32, #tpu.memory_space<vmem>>) target_semaphore(%run_scoped3A_44 : memref<!tpu.dma_semaphore, #tpu.memory_space<semaphore_mem>>)
      tpu.wait_dma2 semaphore(%run_scoped3A_44 : memref<!tpu.dma_semaphore, #tpu.memory_space<semaphore_mem>>) src(%arg3 : memref<10240xf32, #tpu.memory_space<hbm>>) dst(%arg11 : memref<10240xf32, #tpu.memory_space<vmem>>)
      tpu.yield
    }) : () -> ()
    %barrier3A = arith.constant 0 : index
    tpu.barrier barrier_id(%barrier3A)
    %mul3A_3 = arith.constant 10240 : i32
    %mul3A_4 = arith.muli %add3A, %mul3A_3 : i32
    %add3A_5 = arith.constant 0 : i32
    %add3A_6 = arith.addi %mul3A_4, %add3A_5 : i32
    %multiple_of3A_7 = tpu.assume_multiple %add3A_6, 128 : i32
    %run_scoped3A = arith.constant 0 : i32
    "tpu.region"() ({
      %run_scoped3A_44 = tpu.sem_alloc : memref<!tpu.dma_semaphore, #tpu.memory_space<semaphore_mem>>
      %dma_start3A_45 = arith.constant 0 : i32
      %dma_start3A_46 = arith.constant 0 : i32
      %dma_start3A_47 = tpu.memref_slice %arg8[%run_scoped3A, %dma_start3A_45, %dma_start3A_46] : memref<2x2x144xi32, #tpu.memory_space<vmem>> -> memref<1x2x128xi32, #tpu.memory_space<vmem>>
      %dma_start3A_48 = tpu.memref_squeeze %dma_start3A_47 : memref<1x2x128xi32, #tpu.memory_space<vmem>> -> memref<2x128xi32, #tpu.memory_space<vmem>>
      %dma_start3A_49 = arith.constant 0 : i32
      %dma_start3A_50 = tpu.memref_slice %arg4[%dma_start3A_49, %multiple_of3A_7] : memref<2x327680xi32, #tpu.memory_space<hbm>> -> memref<2x128xi32, #tpu.memory_space<hbm>>
      %dma_start3A_51 = arith.constant 0 : i32
      %dma_start3A_52 = arith.constant 0 : i32
      %dma_start3A_53 = tpu.memref_slice %arg8[%run_scoped3A, %dma_start3A_51, %dma_start3A_52] : memref<2x2x144xi32, #tpu.memory_space<vmem>> -> memref<1x2x128xi32, #tpu.memory_space<vmem>>
      %dma_start3A_54 = tpu.memref_squeeze %dma_start3A_53 : memref<1x2x128xi32, #tpu.memory_space<vmem>> -> memref<2x128xi32, #tpu.memory_space<vmem>>
      %dma_start3A_55 = arith.constant 0 : i32
      %dma_start3A_56 = tpu.memref_slice %arg4[%dma_start3A_55, %multiple_of3A_7] : memref<2x327680xi32, #tpu.memory_space<hbm>> -> memref<2x128xi32, #tpu.memory_space<hbm>>
      tpu.enqueue_dma source(%dma_start3A_56 : memref<2x128xi32, #tpu.memory_space<hbm>>) target(%dma_start3A_54 : memref<2x128xi32, #tpu.memory_space<vmem>>) target_semaphore(%run_scoped3A_44 : memref<!tpu.dma_semaphore, #tpu.memory_space<semaphore_mem>>)
      %dma_wait3A_57 = arith.constant 0 : i32
      %dma_wait3A_58 = arith.constant 0 : i32
      %dma_wait3A_59 = tpu.memref_slice %arg8[%run_scoped3A, %dma_wait3A_57, %dma_wait3A_58] : memref<2x2x144xi32, #tpu.memory_space<vmem>> -> memref<1x2x128xi32, #tpu.memory_space<vmem>>
      %dma_wait3A_60 = tpu.memref_squeeze %dma_wait3A_59 : memref<1x2x128xi32, #tpu.memory_space<vmem>> -> memref<2x128xi32, #tpu.memory_space<vmem>>
      %dma_wait3A_61 = arith.constant 0 : i32
      %dma_wait3A_62 = tpu.memref_slice %arg4[%dma_wait3A_61, %multiple_of3A_7] : memref<2x327680xi32, #tpu.memory_space<hbm>> -> memref<2x128xi32, #tpu.memory_space<hbm>>
      %dma_wait3A_63 = arith.constant 0 : i32
      %dma_wait3A_64 = arith.constant 0 : i32
      %dma_wait3A_65 = tpu.memref_slice %arg8[%run_scoped3A, %dma_wait3A_63, %dma_wait3A_64] : memref<2x2x144xi32, #tpu.memory_space<vmem>> -> memref<1x2x128xi32, #tpu.memory_space<vmem>>
      %dma_wait3A_66 = tpu.memref_squeeze %dma_wait3A_65 : memref<1x2x128xi32, #tpu.memory_space<vmem>> -> memref<2x128xi32, #tpu.memory_space<vmem>>
      %dma_wait3A_67 = arith.constant 0 : i32
      %dma_wait3A_68 = tpu.memref_slice %arg4[%dma_wait3A_67, %multiple_of3A_7] : memref<2x327680xi32, #tpu.memory_space<hbm>> -> memref<2x128xi32, #tpu.memory_space<hbm>>
      tpu.wait_dma2 semaphore(%run_scoped3A_44 : memref<!tpu.dma_semaphore, #tpu.memory_space<semaphore_mem>>) src(%dma_wait3A_68 : memref<2x128xi32, #tpu.memory_space<hbm>>) dst(%dma_wait3A_66 : memref<2x128xi32, #tpu.memory_space<vmem>>)
      tpu.yield
    }) : () -> ()
    %run_scoped3A_8 = arith.constant 0 : i32
    "tpu.region"() ({
      %run_scoped3A_44 = tpu.sem_alloc : memref<!tpu.dma_semaphore, #tpu.memory_space<semaphore_mem>>
      %dma_start3A_45 = arith.constant 0 : i32
      %dma_start3A_46 = tpu.memref_slice %arg9[%run_scoped3A_8, %dma_start3A_45] : memref<2x144xf32, #tpu.memory_space<vmem>> -> memref<1x128xf32, #tpu.memory_space<vmem>>
      %dma_start3A_47 = tpu.memref_squeeze %dma_start3A_46 : memref<1x128xf32, #tpu.memory_space<vmem>> -> memref<128xf32, #tpu.memory_space<vmem>>
      %dma_start3A_48 = tpu.memref_slice %arg5[%multiple_of3A_7] : memref<327680xf32, #tpu.memory_space<hbm>> -> memref<128xf32, #tpu.memory_space<hbm>>
      %dma_start3A_49 = arith.constant 0 : i32
      %dma_start3A_50 = tpu.memref_slice %arg9[%run_scoped3A_8, %dma_start3A_49] : memref<2x144xf32, #tpu.memory_space<vmem>> -> memref<1x128xf32, #tpu.memory_space<vmem>>
      %dma_start3A_51 = tpu.memref_squeeze %dma_start3A_50 : memref<1x128xf32, #tpu.memory_space<vmem>> -> memref<128xf32, #tpu.memory_space<vmem>>
      %dma_start3A_52 = tpu.memref_slice %arg5[%multiple_of3A_7] : memref<327680xf32, #tpu.memory_space<hbm>> -> memref<128xf32, #tpu.memory_space<hbm>>
      tpu.enqueue_dma source(%dma_start3A_52 : memref<128xf32, #tpu.memory_space<hbm>>) target(%dma_start3A_51 : memref<128xf32, #tpu.memory_space<vmem>>) target_semaphore(%run_scoped3A_44 : memref<!tpu.dma_semaphore, #tpu.memory_space<semaphore_mem>>)
      %dma_wait3A_53 = arith.constant 0 : i32
      %dma_wait3A_54 = tpu.memref_slice %arg9[%run_scoped3A_8, %dma_wait3A_53] : memref<2x144xf32, #tpu.memory_space<vmem>> -> memref<1x128xf32, #tpu.memory_space<vmem>>
      %dma_wait3A_55 = tpu.memref_squeeze %dma_wait3A_54 : memref<1x128xf32, #tpu.memory_space<vmem>> -> memref<128xf32, #tpu.memory_space<vmem>>
      %dma_wait3A_56 = tpu.memref_slice %arg5[%multiple_of3A_7] : memref<327680xf32, #tpu.memory_space<hbm>> -> memref<128xf32, #tpu.memory_space<hbm>>
      %dma_wait3A_57 = arith.constant 0 : i32
      %dma_wait3A_58 = tpu.memref_slice %arg9[%run_scoped3A_8, %dma_wait3A_57] : memref<2x144xf32, #tpu.memory_space<vmem>> -> memref<1x128xf32, #tpu.memory_space<vmem>>
      %dma_wait3A_59 = tpu.memref_squeeze %dma_wait3A_58 : memref<1x128xf32, #tpu.memory_space<vmem>> -> memref<128xf32, #tpu.memory_space<vmem>>
      %dma_wait3A_60 = tpu.memref_slice %arg5[%multiple_of3A_7] : memref<327680xf32, #tpu.memory_space<hbm>> -> memref<128xf32, #tpu.memory_space<hbm>>
      tpu.wait_dma2 semaphore(%run_scoped3A_44 : memref<!tpu.dma_semaphore, #tpu.memory_space<semaphore_mem>>) src(%dma_wait3A_60 : memref<128xf32, #tpu.memory_space<hbm>>) dst(%dma_wait3A_59 : memref<128xf32, #tpu.memory_space<vmem>>)
      tpu.yield
    }) : () -> ()
    %dma_start3A = arith.constant 0 : i32
    %dma_start3A_9 = arith.constant 0 : i32
    %dma_start3A_10 = arith.constant 0 : i32
    %dma_start3A_11 = arith.constant 0 : i32
    %dma_start3A_12 = arith.constant 0 : i32
    %dma_start3A_13 = tpu.memref_slice %arg10[%dma_start3A_10, %dma_start3A_11, %dma_start3A_12] : memref<2x128x128xf32, #tpu.memory_space<vmem>> -> memref<1x128x128xf32, #tpu.memory_space<vmem>>
    %dma_start3A_14 = tpu.memref_squeeze %dma_start3A_13 : memref<1x128x128xf32, #tpu.memory_space<vmem>> -> memref<128x128xf32, #tpu.memory_space<vmem>>
    %dma_start3A_15 = arith.constant 0 : i32
    %dma_start3A_16 = tpu.memref_slice %arg8[%dma_start3A, %dma_start3A_9, %dma_start3A_15] : memref<2x2x144xi32, #tpu.memory_space<vmem>> -> memref<1x1x128xi32, #tpu.memory_space<vmem>>
    %dma_start3A_17 = tpu.memref_squeeze %dma_start3A_16 : memref<1x1x128xi32, #tpu.memory_space<vmem>> -> memref<128xi32, #tpu.memory_space<vmem>>
    %dma_start3A_18 = arith.constant 0 : i32
    %dma_start3A_19 = arith.constant 0 : i32
    %dma_start3A_20 = tpu.memref_slice %arg2[%dma_start3A_18, %dma_start3A_19] : memref<10240x128xf32, #tpu.memory_space<hbm>> -> memref<10240x128xf32, #tpu.memory_space<hbm>>
    tpu.enqueue_indirect_dma source(%dma_start3A_20 : memref<10240x128xf32, #tpu.memory_space<hbm>>) target(%dma_start3A_14 : memref<128x128xf32, #tpu.memory_space<vmem>>) offsets(%dma_start3A_17 : memref<128xi32, #tpu.memory_space<vmem>>) semaphore(%arg13 : memref<!tpu.dma_semaphore, #tpu.memory_space<semaphore_mem>>)
    %scan3A = arith.constant 0 : i32
    %scan3A_21 = arith.constant 0 : i32
    %scan3A_22 = arith.constant 80 : i32
    %scan3A_23 = arith.addi %scan3A_21, %scan3A_22 : i32
    %scan3A_24 = arith.constant 1 : i32
    %scan3A_25 = scf.for %scan3A_44 = %scan3A_21 to %scan3A_23 step %scan3A_24 iter_args(%scan3A_45 = %scan3A) -> (i32)  : i32 {
      %and3A = arith.constant 1 : i32
      %and3A_46 = arith.andi %scan3A_44, %and3A : i32
      %sub3A = arith.constant 1 : i32
      %sub3A_47 = arith.subi %sub3A, %and3A_46 : i32
      %gt3A = arith.constant 0 : i32
      %gt3A_48 = arith.cmpi sgt, %scan3A_44, %gt3A : i32
      %convert_element_type3A = arith.extui %gt3A_48 : i1 to i32
      %cond3A = arith.constant 0 : i32
      %cond3A_49 = arith.cmpi ne, %convert_element_type3A, %cond3A : i32
      scf.if %cond3A_49 {
        %dma_wait3A_77 = arith.constant 1 : i32
        %dma_wait3A_78 = arith.constant 0 : i32
        %dma_wait3A_79 = arith.constant 0 : i32
        %dma_wait3A_80 = tpu.memref_slice %arg10[%sub3A_47, %dma_wait3A_78, %dma_wait3A_79] : memref<2x128x128xf32, #tpu.memory_space<vmem>> -> memref<1x128x128xf32, #tpu.memory_space<vmem>>
        %dma_wait3A_81 = tpu.memref_squeeze %dma_wait3A_80 : memref<1x128x128xf32, #tpu.memory_space<vmem>> -> memref<128x128xf32, #tpu.memory_space<vmem>>
        %dma_wait3A_82 = arith.constant 0 : i32
        %dma_wait3A_83 = tpu.memref_slice %arg8[%sub3A_47, %dma_wait3A_77, %dma_wait3A_82] : memref<2x2x144xi32, #tpu.memory_space<vmem>> -> memref<1x1x128xi32, #tpu.memory_space<vmem>>
        %dma_wait3A_84 = tpu.memref_squeeze %dma_wait3A_83 : memref<1x1x128xi32, #tpu.memory_space<vmem>> -> memref<128xi32, #tpu.memory_space<vmem>>
        %dma_wait3A_85 = arith.constant 0 : i32
        %dma_wait3A_86 = arith.constant 0 : i32
        %dma_wait3A_87 = tpu.memref_slice %arg12[%dma_wait3A_85, %dma_wait3A_86] : memref<10240x128xf32, #tpu.memory_space<vmem_shared>> -> memref<10240x128xf32, #tpu.memory_space<vmem_shared>>
        tpu.wait_indirect_dma semaphore(%arg14 : memref<!tpu.dma_semaphore, #tpu.memory_space<semaphore_mem>>) src(%dma_wait3A_81 : memref<128x128xf32, #tpu.memory_space<vmem>>) dst(%dma_wait3A_87 : memref<10240x128xf32, #tpu.memory_space<vmem_shared>>)
      } else {
      }
      %lt3A = arith.constant 79 : i32
      %lt3A_50 = arith.cmpi slt, %scan3A_44, %lt3A : i32
      %convert_element_type3A_51 = arith.extui %lt3A_50 : i1 to i32
      %cond3A_52 = arith.constant 0 : i32
      %cond3A_53 = arith.cmpi ne, %convert_element_type3A_51, %cond3A_52 : i32
      scf.if %cond3A_53 {
        %add3A_77 = arith.constant 1 : i32
        %add3A_78 = arith.addi %scan3A_44, %add3A_77 : i32
        %mul3A_79 = arith.constant 128 : i32
        %mul3A_80 = arith.muli %add3A_78, %mul3A_79 : i32
        %add3A_81 = arith.addi %mul3A_4, %mul3A_80 : i32
        %multiple_of3A_82 = tpu.assume_multiple %add3A_81, 128 : i32
        "tpu.region"() ({
          %run_scoped3A_94 = tpu.sem_alloc : memref<!tpu.dma_semaphore, #tpu.memory_space<semaphore_mem>>
          %dma_start3A_95 = arith.constant 0 : i32
          %dma_start3A_96 = arith.constant 0 : i32
          %dma_start3A_97 = tpu.memref_slice %arg8[%sub3A_47, %dma_start3A_95, %dma_start3A_96] : memref<2x2x144xi32, #tpu.memory_space<vmem>> -> memref<1x2x128xi32, #tpu.memory_space<vmem>>
          %dma_start3A_98 = tpu.memref_squeeze %dma_start3A_97 : memref<1x2x128xi32, #tpu.memory_space<vmem>> -> memref<2x128xi32, #tpu.memory_space<vmem>>
          %dma_start3A_99 = arith.constant 0 : i32
          %dma_start3A_100 = tpu.memref_slice %arg4[%dma_start3A_99, %multiple_of3A_82] : memref<2x327680xi32, #tpu.memory_space<hbm>> -> memref<2x128xi32, #tpu.memory_space<hbm>>
          %dma_start3A_101 = arith.constant 0 : i32
          %dma_start3A_102 = arith.constant 0 : i32
          %dma_start3A_103 = tpu.memref_slice %arg8[%sub3A_47, %dma_start3A_101, %dma_start3A_102] : memref<2x2x144xi32, #tpu.memory_space<vmem>> -> memref<1x2x128xi32, #tpu.memory_space<vmem>>
          %dma_start3A_104 = tpu.memref_squeeze %dma_start3A_103 : memref<1x2x128xi32, #tpu.memory_space<vmem>> -> memref<2x128xi32, #tpu.memory_space<vmem>>
          %dma_start3A_105 = arith.constant 0 : i32
          %dma_start3A_106 = tpu.memref_slice %arg4[%dma_start3A_105, %multiple_of3A_82] : memref<2x327680xi32, #tpu.memory_space<hbm>> -> memref<2x128xi32, #tpu.memory_space<hbm>>
          tpu.enqueue_dma source(%dma_start3A_106 : memref<2x128xi32, #tpu.memory_space<hbm>>) target(%dma_start3A_104 : memref<2x128xi32, #tpu.memory_space<vmem>>) target_semaphore(%run_scoped3A_94 : memref<!tpu.dma_semaphore, #tpu.memory_space<semaphore_mem>>)
          %dma_wait3A_107 = arith.constant 0 : i32
          %dma_wait3A_108 = arith.constant 0 : i32
          %dma_wait3A_109 = tpu.memref_slice %arg8[%sub3A_47, %dma_wait3A_107, %dma_wait3A_108] : memref<2x2x144xi32, #tpu.memory_space<vmem>> -> memref<1x2x128xi32, #tpu.memory_space<vmem>>
          %dma_wait3A_110 = tpu.memref_squeeze %dma_wait3A_109 : memref<1x2x128xi32, #tpu.memory_space<vmem>> -> memref<2x128xi32, #tpu.memory_space<vmem>>
          %dma_wait3A_111 = arith.constant 0 : i32
          %dma_wait3A_112 = tpu.memref_slice %arg4[%dma_wait3A_111, %multiple_of3A_82] : memref<2x327680xi32, #tpu.memory_space<hbm>> -> memref<2x128xi32, #tpu.memory_space<hbm>>
          %dma_wait3A_113 = arith.constant 0 : i32
          %dma_wait3A_114 = arith.constant 0 : i32
          %dma_wait3A_115 = tpu.memref_slice %arg8[%sub3A_47, %dma_wait3A_113, %dma_wait3A_114] : memref<2x2x144xi32, #tpu.memory_space<vmem>> -> memref<1x2x128xi32, #tpu.memory_space<vmem>>
          %dma_wait3A_116 = tpu.memref_squeeze %dma_wait3A_115 : memref<1x2x128xi32, #tpu.memory_space<vmem>> -> memref<2x128xi32, #tpu.memory_space<vmem>>
          %dma_wait3A_117 = arith.constant 0 : i32
          %dma_wait3A_118 = tpu.memref_slice %arg4[%dma_wait3A_117, %multiple_of3A_82] : memref<2x327680xi32, #tpu.memory_space<hbm>> -> memref<2x128xi32, #tpu.memory_space<hbm>>
          tpu.wait_dma2 semaphore(%run_scoped3A_94 : memref<!tpu.dma_semaphore, #tpu.memory_space<semaphore_mem>>) src(%dma_wait3A_118 : memref<2x128xi32, #tpu.memory_space<hbm>>) dst(%dma_wait3A_116 : memref<2x128xi32, #tpu.memory_space<vmem>>)
          tpu.yield
        }) : () -> ()
        "tpu.region"() ({
          %run_scoped3A_94 = tpu.sem_alloc : memref<!tpu.dma_semaphore, #tpu.memory_space<semaphore_mem>>
          %dma_start3A_95 = arith.constant 0 : i32
          %dma_start3A_96 = tpu.memref_slice %arg9[%sub3A_47, %dma_start3A_95] : memref<2x144xf32, #tpu.memory_space<vmem>> -> memref<1x128xf32, #tpu.memory_space<vmem>>
          %dma_start3A_97 = tpu.memref_squeeze %dma_start3A_96 : memref<1x128xf32, #tpu.memory_space<vmem>> -> memref<128xf32, #tpu.memory_space<vmem>>
          %dma_start3A_98 = tpu.memref_slice %arg5[%multiple_of3A_82] : memref<327680xf32, #tpu.memory_space<hbm>> -> memref<128xf32, #tpu.memory_space<hbm>>
          %dma_start3A_99 = arith.constant 0 : i32
          %dma_start3A_100 = tpu.memref_slice %arg9[%sub3A_47, %dma_start3A_99] : memref<2x144xf32, #tpu.memory_space<vmem>> -> memref<1x128xf32, #tpu.memory_space<vmem>>
          %dma_start3A_101 = tpu.memref_squeeze %dma_start3A_100 : memref<1x128xf32, #tpu.memory_space<vmem>> -> memref<128xf32, #tpu.memory_space<vmem>>
          %dma_start3A_102 = tpu.memref_slice %arg5[%multiple_of3A_82] : memref<327680xf32, #tpu.memory_space<hbm>> -> memref<128xf32, #tpu.memory_space<hbm>>
          tpu.enqueue_dma source(%dma_start3A_102 : memref<128xf32, #tpu.memory_space<hbm>>) target(%dma_start3A_101 : memref<128xf32, #tpu.memory_space<vmem>>) target_semaphore(%run_scoped3A_94 : memref<!tpu.dma_semaphore, #tpu.memory_space<semaphore_mem>>)
          %dma_wait3A_103 = arith.constant 0 : i32
          %dma_wait3A_104 = tpu.memref_slice %arg9[%sub3A_47, %dma_wait3A_103] : memref<2x144xf32, #tpu.memory_space<vmem>> -> memref<1x128xf32, #tpu.memory_space<vmem>>
          %dma_wait3A_105 = tpu.memref_squeeze %dma_wait3A_104 : memref<1x128xf32, #tpu.memory_space<vmem>> -> memref<128xf32, #tpu.memory_space<vmem>>
          %dma_wait3A_106 = tpu.memref_slice %arg5[%multiple_of3A_82] : memref<327680xf32, #tpu.memory_space<hbm>> -> memref<128xf32, #tpu.memory_space<hbm>>
          %dma_wait3A_107 = arith.constant 0 : i32
          %dma_wait3A_108 = tpu.memref_slice %arg9[%sub3A_47, %dma_wait3A_107] : memref<2x144xf32, #tpu.memory_space<vmem>> -> memref<1x128xf32, #tpu.memory_space<vmem>>
          %dma_wait3A_109 = tpu.memref_squeeze %dma_wait3A_108 : memref<1x128xf32, #tpu.memory_space<vmem>> -> memref<128xf32, #tpu.memory_space<vmem>>
          %dma_wait3A_110 = tpu.memref_slice %arg5[%multiple_of3A_82] : memref<327680xf32, #tpu.memory_space<hbm>> -> memref<128xf32, #tpu.memory_space<hbm>>
          tpu.wait_dma2 semaphore(%run_scoped3A_94 : memref<!tpu.dma_semaphore, #tpu.memory_space<semaphore_mem>>) src(%dma_wait3A_110 : memref<128xf32, #tpu.memory_space<hbm>>) dst(%dma_wait3A_109 : memref<128xf32, #tpu.memory_space<vmem>>)
          tpu.yield
        }) : () -> ()
        %dma_start3A_83 = arith.constant 0 : i32
        %dma_start3A_84 = arith.constant 0 : i32
        %dma_start3A_85 = arith.constant 0 : i32
        %dma_start3A_86 = tpu.memref_slice %arg10[%sub3A_47, %dma_start3A_84, %dma_start3A_85] : memref<2x128x128xf32, #tpu.memory_space<vmem>> -> memref<1x128x128xf32, #tpu.memory_space<vmem>>
        %dma_start3A_87 = tpu.memref_squeeze %dma_start3A_86 : memref<1x128x128xf32, #tpu.memory_space<vmem>> -> memref<128x128xf32, #tpu.memory_space<vmem>>
        %dma_start3A_88 = arith.constant 0 : i32
        %dma_start3A_89 = tpu.memref_slice %arg8[%sub3A_47, %dma_start3A_83, %dma_start3A_88] : memref<2x2x144xi32, #tpu.memory_space<vmem>> -> memref<1x1x128xi32, #tpu.memory_space<vmem>>
        %dma_start3A_90 = tpu.memref_squeeze %dma_start3A_89 : memref<1x1x128xi32, #tpu.memory_space<vmem>> -> memref<128xi32, #tpu.memory_space<vmem>>
        %dma_start3A_91 = arith.constant 0 : i32
        %dma_start3A_92 = arith.constant 0 : i32
        %dma_start3A_93 = tpu.memref_slice %arg2[%dma_start3A_91, %dma_start3A_92] : memref<10240x128xf32, #tpu.memory_space<hbm>> -> memref<10240x128xf32, #tpu.memory_space<hbm>>
        tpu.enqueue_indirect_dma source(%dma_start3A_93 : memref<10240x128xf32, #tpu.memory_space<hbm>>) target(%dma_start3A_87 : memref<128x128xf32, #tpu.memory_space<vmem>>) offsets(%dma_start3A_90 : memref<128xi32, #tpu.memory_space<vmem>>) semaphore(%arg13 : memref<!tpu.dma_semaphore, #tpu.memory_space<semaphore_mem>>)
      } else {
      }
      %dma_wait3A_54 = arith.constant 0 : i32
      %dma_wait3A_55 = arith.constant 0 : i32
      %dma_wait3A_56 = arith.constant 0 : i32
      %dma_wait3A_57 = tpu.memref_slice %arg10[%and3A_46, %dma_wait3A_55, %dma_wait3A_56] : memref<2x128x128xf32, #tpu.memory_space<vmem>> -> memref<1x128x128xf32, #tpu.memory_space<vmem>>
      %dma_wait3A_58 = tpu.memref_squeeze %dma_wait3A_57 : memref<1x128x128xf32, #tpu.memory_space<vmem>> -> memref<128x128xf32, #tpu.memory_space<vmem>>
      %dma_wait3A_59 = arith.constant 0 : i32
      %dma_wait3A_60 = tpu.memref_slice %arg8[%and3A_46, %dma_wait3A_54, %dma_wait3A_59] : memref<2x2x144xi32, #tpu.memory_space<vmem>> -> memref<1x1x128xi32, #tpu.memory_space<vmem>>
      %dma_wait3A_61 = tpu.memref_squeeze %dma_wait3A_60 : memref<1x1x128xi32, #tpu.memory_space<vmem>> -> memref<128xi32, #tpu.memory_space<vmem>>
      %dma_wait3A_62 = arith.constant 0 : i32
      %dma_wait3A_63 = arith.constant 0 : i32
      %dma_wait3A_64 = tpu.memref_slice %arg2[%dma_wait3A_62, %dma_wait3A_63] : memref<10240x128xf32, #tpu.memory_space<hbm>> -> memref<10240x128xf32, #tpu.memory_space<hbm>>
      tpu.wait_indirect_dma semaphore(%arg13 : memref<!tpu.dma_semaphore, #tpu.memory_space<semaphore_mem>>) src(%dma_wait3A_64 : memref<10240x128xf32, #tpu.memory_space<hbm>>) dst(%dma_wait3A_58 : memref<128x128xf32, #tpu.memory_space<vmem>>)
      %dma_start3A_65 = arith.constant 1 : i32
      %dma_start3A_66 = arith.constant 0 : i32
      %dma_start3A_67 = arith.constant 0 : i32
      %dma_start3A_68 = tpu.memref_slice %arg10[%and3A_46, %dma_start3A_66, %dma_start3A_67] : memref<2x128x128xf32, #tpu.memory_space<vmem>> -> memref<1x128x128xf32, #tpu.memory_space<vmem>>
      %dma_start3A_69 = tpu.memref_squeeze %dma_start3A_68 : memref<1x128x128xf32, #tpu.memory_space<vmem>> -> memref<128x128xf32, #tpu.memory_space<vmem>>
      %dma_start3A_70 = arith.constant 0 : i32
      %dma_start3A_71 = tpu.memref_slice %arg8[%and3A_46, %dma_start3A_65, %dma_start3A_70] : memref<2x2x144xi32, #tpu.memory_space<vmem>> -> memref<1x1x128xi32, #tpu.memory_space<vmem>>
      %dma_start3A_72 = tpu.memref_squeeze %dma_start3A_71 : memref<1x1x128xi32, #tpu.memory_space<vmem>> -> memref<128xi32, #tpu.memory_space<vmem>>
      %dma_start3A_73 = arith.constant 0 : i32
      %dma_start3A_74 = arith.constant 0 : i32
      %dma_start3A_75 = tpu.memref_slice %arg12[%dma_start3A_73, %dma_start3A_74] : memref<10240x128xf32, #tpu.memory_space<vmem_shared>> -> memref<10240x128xf32, #tpu.memory_space<vmem_shared>>
      tpu.enqueue_indirect_dma source(%dma_start3A_69 : memref<128x128xf32, #tpu.memory_space<vmem>>) target(%dma_start3A_75 : memref<10240x128xf32, #tpu.memory_space<vmem_shared>>) offsets(%dma_start3A_72 : memref<128xi32, #tpu.memory_space<vmem>>) semaphore(%arg14 : memref<!tpu.dma_semaphore, #tpu.memory_space<semaphore_mem>>) {add = true}
      %scan3A_76 = arith.constant 0 : i32
      scf.yield %scan3A_76 : i32
    }
    %scan3A_26 = arith.constant 80 : i32
    %dma_wait3A = arith.constant 1 : i32
    %dma_wait3A_27 = arith.constant 1 : i32
    %dma_wait3A_28 = arith.constant 1 : i32
    %dma_wait3A_29 = arith.constant 0 : i32
    %dma_wait3A_30 = arith.constant 0 : i32
    %dma_wait3A_31 = tpu.memref_slice %arg10[%dma_wait3A, %dma_wait3A_29, %dma_wait3A_30] : memref<2x128x128xf32, #tpu.memory_space<vmem>> -> memref<1x128x128xf32, #tpu.memory_space<vmem>>
    %dma_wait3A_32 = tpu.memref_squeeze %dma_wait3A_31 : memref<1x128x128xf32, #tpu.memory_space<vmem>> -> memref<128x128xf32, #tpu.memory_space<vmem>>
    %dma_wait3A_33 = arith.constant 0 : i32
    %dma_wait3A_34 = tpu.memref_slice %arg8[%dma_wait3A_27, %dma_wait3A_28, %dma_wait3A_33] : memref<2x2x144xi32, #tpu.memory_space<vmem>> -> memref<1x1x128xi32, #tpu.memory_space<vmem>>
    %dma_wait3A_35 = tpu.memref_squeeze %dma_wait3A_34 : memref<1x1x128xi32, #tpu.memory_space<vmem>> -> memref<128xi32, #tpu.memory_space<vmem>>
    %dma_wait3A_36 = arith.constant 0 : i32
    %dma_wait3A_37 = arith.constant 0 : i32
    %dma_wait3A_38 = tpu.memref_slice %arg12[%dma_wait3A_36, %dma_wait3A_37] : memref<10240x128xf32, #tpu.memory_space<vmem_shared>> -> memref<10240x128xf32, #tpu.memory_space<vmem_shared>>
    tpu.wait_indirect_dma semaphore(%arg14 : memref<!tpu.dma_semaphore, #tpu.memory_space<semaphore_mem>>) src(%dma_wait3A_32 : memref<128x128xf32, #tpu.memory_space<vmem>>) dst(%dma_wait3A_38 : memref<10240x128xf32, #tpu.memory_space<vmem_shared>>)
    %barrier3A_39 = arith.constant 0 : index
    tpu.barrier barrier_id(%barrier3A_39)
    %mul3A_40 = arith.constant 10240 : i32
    %mul3A_41 = arith.muli %arg0, %mul3A_40 : i32
    %add3A_42 = arith.addi %mul3A_41, %multiple_of3A : i32
    %multiple_of3A_43 = tpu.assume_multiple %add3A_42, 8 : i32
    "tpu.region"() ({
      %run_scoped3A_44 = tpu.sem_alloc : memref<!tpu.dma_semaphore, #tpu.memory_space<semaphore_mem>>
      %dma_start3A_45 = arith.constant 0 : i32
      %dma_start3A_46 = tpu.memref_slice %arg7[%multiple_of3A_43, %dma_start3A_45] : memref<20480x128xf32, #tpu.memory_space<hbm>> -> memref<640x128xf32, #tpu.memory_space<hbm>>
      %dma_start3A_47 = arith.constant 0 : i32
      %dma_start3A_48 = tpu.memref_slice %arg12[%multiple_of3A, %dma_start3A_47] : memref<10240x128xf32, #tpu.memory_space<vmem_shared>> -> memref<640x128xf32, #tpu.memory_space<vmem_shared>>
      tpu.enqueue_dma source(%dma_start3A_48 : memref<640x128xf32, #tpu.memory_space<vmem_shared>>) target(%dma_start3A_46 : memref<640x128xf32, #tpu.memory_space<hbm>>) target_semaphore(%run_scoped3A_44 : memref<!tpu.dma_semaphore, #tpu.memory_space<semaphore_mem>>)
      %dma_wait3A_49 = arith.constant 0 : i32
      %dma_wait3A_50 = tpu.memref_slice %arg7[%multiple_of3A_43, %dma_wait3A_49] : memref<20480x128xf32, #tpu.memory_space<hbm>> -> memref<640x128xf32, #tpu.memory_space<hbm>>
      %dma_wait3A_51 = arith.constant 0 : i32
      %dma_wait3A_52 = tpu.memref_slice %arg12[%multiple_of3A, %dma_wait3A_51] : memref<10240x128xf32, #tpu.memory_space<vmem_shared>> -> memref<640x128xf32, #tpu.memory_space<vmem_shared>>
      tpu.wait_dma2 semaphore(%run_scoped3A_44 : memref<!tpu.dma_semaphore, #tpu.memory_space<semaphore_mem>>) src(%dma_wait3A_52 : memref<640x128xf32, #tpu.memory_space<vmem_shared>>) dst(%dma_wait3A_50 : memref<640x128xf32, #tpu.memory_space<hbm>>)
      tpu.yield
    }) : () -> ()
    return
  }
}

#map = affine_map<(d0, d1) -> (0, 0)>
#map1 = affine_map<(d0, d1) -> (0)>
module attributes {stable_mosaic.version = 14 : i64} {
  func.func @_sc_body(%arg0: i32, %arg1: i32, %arg2: memref<10240x128xf32, #tpu.memory_space<hbm>>, %arg3: memref<10240xf32, #tpu.memory_space<hbm>>, %arg4: memref<2x327680xi32, #tpu.memory_space<hbm>>, %arg5: memref<327680xf32, #tpu.memory_space<hbm>>, %arg6: memref<640x128xf32, #tpu.memory_space<hbm>>, %arg7: memref<20480x128xf32, #tpu.memory_space<hbm>>, %arg8: memref<2x2x144xi32, #tpu.memory_space<vmem>>, %arg9: memref<2x144xf32, #tpu.memory_space<vmem>>, %arg10: memref<2x128x128xf32, #tpu.memory_space<vmem>>, %arg11: memref<10240xf32, #tpu.memory_space<vmem>>, %arg12: memref<10240x128xf32, #tpu.memory_space<vmem_shared>>, %arg13: memref<!tpu.dma_semaphore, #tpu.memory_space<semaphore_mem>>, %arg14: memref<!tpu.dma_semaphore, #tpu.memory_space<semaphore_mem>>) attributes {dimension_semantics = [#tpu.dimension_semantics<core_parallel>, #tpu.dimension_semantics<subcore_parallel>], iteration_bounds = array<i64: 2, 16>, scalar_prefetch = 0 : i64, scratch_operands = 7 : i64, tpu.core_type = #tpu.core_type<sc_vector_subcore>, window_params = [{transform_indices = #map}, {transform_indices = #map1}, {transform_indices = #map}, {transform_indices = #map1}, {transform_indices = #map}, {transform_indices = #map}]} {
    %mul3A = arith.constant 16 : i32
    %mul3A_0 = arith.muli %arg0, %mul3A : i32
    %add3A = arith.addi %mul3A_0, %arg1 : i32
    %mul3A_1 = arith.constant 640 : i32
    %mul3A_2 = arith.muli %arg1, %mul3A_1 : i32
    %multiple_of3A = tpu.assume_multiple %mul3A_2, 8 : i32
    "tpu.region"() ({
      %run_scoped3A_44 = tpu.sem_alloc : memref<!tpu.dma_semaphore, #tpu.memory_space<semaphore_mem>>
      %dma_start3A_45 = arith.constant 0 : i32
      %dma_start3A_46 = tpu.memref_slice %arg12[%multiple_of3A, %dma_start3A_45] : memref<10240x128xf32, #tpu.memory_space<vmem_shared>> -> memref<640x128xf32, #tpu.memory_space<vmem_shared>>
      %dma_start3A_47 = arith.constant 0 : i32
      %dma_start3A_48 = arith.constant 0 : i32
      %dma_start3A_49 = tpu.memref_slice %arg6[%dma_start3A_47, %dma_start3A_48] : memref<640x128xf32, #tpu.memory_space<hbm>> -> memref<640x128xf32, #tpu.memory_space<hbm>>
      tpu.enqueue_dma source(%dma_start3A_49 : memref<640x128xf32, #tpu.memory_space<hbm>>) target(%dma_start3A_46 : memref<640x128xf32, #tpu.memory_space<vmem_shared>>) target_semaphore(%run_scoped3A_44 : memref<!tpu.dma_semaphore, #tpu.memory_space<semaphore_mem>>)
      %dma_wait3A_50 = arith.constant 0 : i32
      %dma_wait3A_51 = tpu.memref_slice %arg12[%multiple_of3A, %dma_wait3A_50] : memref<10240x128xf32, #tpu.memory_space<vmem_shared>> -> memref<640x128xf32, #tpu.memory_space<vmem_shared>>
      %dma_wait3A_52 = arith.constant 0 : i32
      %dma_wait3A_53 = arith.constant 0 : i32
      %dma_wait3A_54 = tpu.memref_slice %arg6[%dma_wait3A_52, %dma_wait3A_53] : memref<640x128xf32, #tpu.memory_space<hbm>> -> memref<640x128xf32, #tpu.memory_space<hbm>>
      tpu.wait_dma2 semaphore(%run_scoped3A_44 : memref<!tpu.dma_semaphore, #tpu.memory_space<semaphore_mem>>) src(%dma_wait3A_54 : memref<640x128xf32, #tpu.memory_space<hbm>>) dst(%dma_wait3A_51 : memref<640x128xf32, #tpu.memory_space<vmem_shared>>)
      tpu.yield
    }) : () -> ()
    "tpu.region"() ({
      %run_scoped3A_44 = tpu.sem_alloc : memref<!tpu.dma_semaphore, #tpu.memory_space<semaphore_mem>>
      tpu.enqueue_dma source(%arg3 : memref<10240xf32, #tpu.memory_space<hbm>>) target(%arg11 : memref<10240xf32, #tpu.memory_space<vmem>>) target_semaphore(%run_scoped3A_44 : memref<!tpu.dma_semaphore, #tpu.memory_space<semaphore_mem>>)
      tpu.wait_dma2 semaphore(%run_scoped3A_44 : memref<!tpu.dma_semaphore, #tpu.memory_space<semaphore_mem>>) src(%arg3 : memref<10240xf32, #tpu.memory_space<hbm>>) dst(%arg11 : memref<10240xf32, #tpu.memory_space<vmem>>)
      tpu.yield
    }) : () -> ()
    %barrier3A = arith.constant 0 : index
    tpu.barrier barrier_id(%barrier3A)
    %mul3A_3 = arith.constant 10240 : i32
    %mul3A_4 = arith.muli %add3A, %mul3A_3 : i32
    %add3A_5 = arith.constant 0 : i32
    %add3A_6 = arith.addi %mul3A_4, %add3A_5 : i32
    %multiple_of3A_7 = tpu.assume_multiple %add3A_6, 128 : i32
    %run_scoped3A = arith.constant 0 : i32
    "tpu.region"() ({
      %run_scoped3A_44 = tpu.sem_alloc : memref<!tpu.dma_semaphore, #tpu.memory_space<semaphore_mem>>
      %dma_start3A_45 = arith.constant 0 : i32
      %dma_start3A_46 = arith.constant 0 : i32
      %dma_start3A_47 = tpu.memref_slice %arg8[%run_scoped3A, %dma_start3A_45, %dma_start3A_46] : memref<2x2x144xi32, #tpu.memory_space<vmem>> -> memref<1x2x128xi32, #tpu.memory_space<vmem>>
      %dma_start3A_48 = tpu.memref_squeeze %dma_start3A_47 : memref<1x2x128xi32, #tpu.memory_space<vmem>> -> memref<2x128xi32, #tpu.memory_space<vmem>>
      %dma_start3A_49 = arith.constant 0 : i32
      %dma_start3A_50 = tpu.memref_slice %arg4[%dma_start3A_49, %multiple_of3A_7] : memref<2x327680xi32, #tpu.memory_space<hbm>> -> memref<2x128xi32, #tpu.memory_space<hbm>>
      %dma_start3A_51 = arith.constant 0 : i32
      %dma_start3A_52 = arith.constant 0 : i32
      %dma_start3A_53 = tpu.memref_slice %arg8[%run_scoped3A, %dma_start3A_51, %dma_start3A_52] : memref<2x2x144xi32, #tpu.memory_space<vmem>> -> memref<1x2x128xi32, #tpu.memory_space<vmem>>
      %dma_start3A_54 = tpu.memref_squeeze %dma_start3A_53 : memref<1x2x128xi32, #tpu.memory_space<vmem>> -> memref<2x128xi32, #tpu.memory_space<vmem>>
      %dma_start3A_55 = arith.constant 0 : i32
      %dma_start3A_56 = tpu.memref_slice %arg4[%dma_start3A_55, %multiple_of3A_7] : memref<2x327680xi32, #tpu.memory_space<hbm>> -> memref<2x128xi32, #tpu.memory_space<hbm>>
      tpu.enqueue_dma source(%dma_start3A_56 : memref<2x128xi32, #tpu.memory_space<hbm>>) target(%dma_start3A_54 : memref<2x128xi32, #tpu.memory_space<vmem>>) target_semaphore(%run_scoped3A_44 : memref<!tpu.dma_semaphore, #tpu.memory_space<semaphore_mem>>)
      %dma_wait3A_57 = arith.constant 0 : i32
      %dma_wait3A_58 = arith.constant 0 : i32
      %dma_wait3A_59 = tpu.memref_slice %arg8[%run_scoped3A, %dma_wait3A_57, %dma_wait3A_58] : memref<2x2x144xi32, #tpu.memory_space<vmem>> -> memref<1x2x128xi32, #tpu.memory_space<vmem>>
      %dma_wait3A_60 = tpu.memref_squeeze %dma_wait3A_59 : memref<1x2x128xi32, #tpu.memory_space<vmem>> -> memref<2x128xi32, #tpu.memory_space<vmem>>
      %dma_wait3A_61 = arith.constant 0 : i32
      %dma_wait3A_62 = tpu.memref_slice %arg4[%dma_wait3A_61, %multiple_of3A_7] : memref<2x327680xi32, #tpu.memory_space<hbm>> -> memref<2x128xi32, #tpu.memory_space<hbm>>
      %dma_wait3A_63 = arith.constant 0 : i32
      %dma_wait3A_64 = arith.constant 0 : i32
      %dma_wait3A_65 = tpu.memref_slice %arg8[%run_scoped3A, %dma_wait3A_63, %dma_wait3A_64] : memref<2x2x144xi32, #tpu.memory_space<vmem>> -> memref<1x2x128xi32, #tpu.memory_space<vmem>>
      %dma_wait3A_66 = tpu.memref_squeeze %dma_wait3A_65 : memref<1x2x128xi32, #tpu.memory_space<vmem>> -> memref<2x128xi32, #tpu.memory_space<vmem>>
      %dma_wait3A_67 = arith.constant 0 : i32
      %dma_wait3A_68 = tpu.memref_slice %arg4[%dma_wait3A_67, %multiple_of3A_7] : memref<2x327680xi32, #tpu.memory_space<hbm>> -> memref<2x128xi32, #tpu.memory_space<hbm>>
      tpu.wait_dma2 semaphore(%run_scoped3A_44 : memref<!tpu.dma_semaphore, #tpu.memory_space<semaphore_mem>>) src(%dma_wait3A_68 : memref<2x128xi32, #tpu.memory_space<hbm>>) dst(%dma_wait3A_66 : memref<2x128xi32, #tpu.memory_space<vmem>>)
      tpu.yield
    }) : () -> ()
    %run_scoped3A_8 = arith.constant 0 : i32
    "tpu.region"() ({
      %run_scoped3A_44 = tpu.sem_alloc : memref<!tpu.dma_semaphore, #tpu.memory_space<semaphore_mem>>
      %dma_start3A_45 = arith.constant 0 : i32
      %dma_start3A_46 = tpu.memref_slice %arg9[%run_scoped3A_8, %dma_start3A_45] : memref<2x144xf32, #tpu.memory_space<vmem>> -> memref<1x128xf32, #tpu.memory_space<vmem>>
      %dma_start3A_47 = tpu.memref_squeeze %dma_start3A_46 : memref<1x128xf32, #tpu.memory_space<vmem>> -> memref<128xf32, #tpu.memory_space<vmem>>
      %dma_start3A_48 = tpu.memref_slice %arg5[%multiple_of3A_7] : memref<327680xf32, #tpu.memory_space<hbm>> -> memref<128xf32, #tpu.memory_space<hbm>>
      %dma_start3A_49 = arith.constant 0 : i32
      %dma_start3A_50 = tpu.memref_slice %arg9[%run_scoped3A_8, %dma_start3A_49] : memref<2x144xf32, #tpu.memory_space<vmem>> -> memref<1x128xf32, #tpu.memory_space<vmem>>
      %dma_start3A_51 = tpu.memref_squeeze %dma_start3A_50 : memref<1x128xf32, #tpu.memory_space<vmem>> -> memref<128xf32, #tpu.memory_space<vmem>>
      %dma_start3A_52 = tpu.memref_slice %arg5[%multiple_of3A_7] : memref<327680xf32, #tpu.memory_space<hbm>> -> memref<128xf32, #tpu.memory_space<hbm>>
      tpu.enqueue_dma source(%dma_start3A_52 : memref<128xf32, #tpu.memory_space<hbm>>) target(%dma_start3A_51 : memref<128xf32, #tpu.memory_space<vmem>>) target_semaphore(%run_scoped3A_44 : memref<!tpu.dma_semaphore, #tpu.memory_space<semaphore_mem>>)
      %dma_wait3A_53 = arith.constant 0 : i32
      %dma_wait3A_54 = tpu.memref_slice %arg9[%run_scoped3A_8, %dma_wait3A_53] : memref<2x144xf32, #tpu.memory_space<vmem>> -> memref<1x128xf32, #tpu.memory_space<vmem>>
      %dma_wait3A_55 = tpu.memref_squeeze %dma_wait3A_54 : memref<1x128xf32, #tpu.memory_space<vmem>> -> memref<128xf32, #tpu.memory_space<vmem>>
      %dma_wait3A_56 = tpu.memref_slice %arg5[%multiple_of3A_7] : memref<327680xf32, #tpu.memory_space<hbm>> -> memref<128xf32, #tpu.memory_space<hbm>>
      %dma_wait3A_57 = arith.constant 0 : i32
      %dma_wait3A_58 = tpu.memref_slice %arg9[%run_scoped3A_8, %dma_wait3A_57] : memref<2x144xf32, #tpu.memory_space<vmem>> -> memref<1x128xf32, #tpu.memory_space<vmem>>
      %dma_wait3A_59 = tpu.memref_squeeze %dma_wait3A_58 : memref<1x128xf32, #tpu.memory_space<vmem>> -> memref<128xf32, #tpu.memory_space<vmem>>
      %dma_wait3A_60 = tpu.memref_slice %arg5[%multiple_of3A_7] : memref<327680xf32, #tpu.memory_space<hbm>> -> memref<128xf32, #tpu.memory_space<hbm>>
      tpu.wait_dma2 semaphore(%run_scoped3A_44 : memref<!tpu.dma_semaphore, #tpu.memory_space<semaphore_mem>>) src(%dma_wait3A_60 : memref<128xf32, #tpu.memory_space<hbm>>) dst(%dma_wait3A_59 : memref<128xf32, #tpu.memory_space<vmem>>)
      tpu.yield
    }) : () -> ()
    %dma_start3A = arith.constant 0 : i32
    %dma_start3A_9 = arith.constant 0 : i32
    %dma_start3A_10 = arith.constant 0 : i32
    %dma_start3A_11 = arith.constant 0 : i32
    %dma_start3A_12 = arith.constant 0 : i32
    %dma_start3A_13 = tpu.memref_slice %arg10[%dma_start3A_10, %dma_start3A_11, %dma_start3A_12] : memref<2x128x128xf32, #tpu.memory_space<vmem>> -> memref<1x128x128xf32, #tpu.memory_space<vmem>>
    %dma_start3A_14 = tpu.memref_squeeze %dma_start3A_13 : memref<1x128x128xf32, #tpu.memory_space<vmem>> -> memref<128x128xf32, #tpu.memory_space<vmem>>
    %dma_start3A_15 = arith.constant 0 : i32
    %dma_start3A_16 = tpu.memref_slice %arg8[%dma_start3A, %dma_start3A_9, %dma_start3A_15] : memref<2x2x144xi32, #tpu.memory_space<vmem>> -> memref<1x1x128xi32, #tpu.memory_space<vmem>>
    %dma_start3A_17 = tpu.memref_squeeze %dma_start3A_16 : memref<1x1x128xi32, #tpu.memory_space<vmem>> -> memref<128xi32, #tpu.memory_space<vmem>>
    %dma_start3A_18 = arith.constant 0 : i32
    %dma_start3A_19 = arith.constant 0 : i32
    %dma_start3A_20 = tpu.memref_slice %arg2[%dma_start3A_18, %dma_start3A_19] : memref<10240x128xf32, #tpu.memory_space<hbm>> -> memref<10240x128xf32, #tpu.memory_space<hbm>>
    tpu.enqueue_indirect_dma source(%dma_start3A_20 : memref<10240x128xf32, #tpu.memory_space<hbm>>) target(%dma_start3A_14 : memref<128x128xf32, #tpu.memory_space<vmem>>) offsets(%dma_start3A_17 : memref<128xi32, #tpu.memory_space<vmem>>) semaphore(%arg13 : memref<!tpu.dma_semaphore, #tpu.memory_space<semaphore_mem>>)
    %scan3A = arith.constant 0 : i32
    %scan3A_21 = arith.constant 0 : i32
    %scan3A_22 = arith.constant 80 : i32
    %scan3A_23 = arith.addi %scan3A_21, %scan3A_22 : i32
    %scan3A_24 = arith.constant 1 : i32
    %scan3A_25 = scf.for %scan3A_44 = %scan3A_21 to %scan3A_23 step %scan3A_24 iter_args(%scan3A_45 = %scan3A) -> (i32)  : i32 {
      %and3A = arith.constant 1 : i32
      %and3A_46 = arith.andi %scan3A_44, %and3A : i32
      %sub3A = arith.constant 1 : i32
      %sub3A_47 = arith.subi %sub3A, %and3A_46 : i32
      %gt3A = arith.constant 0 : i32
      %gt3A_48 = arith.cmpi sgt, %scan3A_44, %gt3A : i32
      %convert_element_type3A = arith.extui %gt3A_48 : i1 to i32
      %cond3A = arith.constant 0 : i32
      %cond3A_49 = arith.cmpi ne, %convert_element_type3A, %cond3A : i32
      scf.if %cond3A_49 {
        %dma_wait3A_77 = arith.constant 1 : i32
        %dma_wait3A_78 = arith.constant 0 : i32
        %dma_wait3A_79 = arith.constant 0 : i32
        %dma_wait3A_80 = tpu.memref_slice %arg10[%sub3A_47, %dma_wait3A_78, %dma_wait3A_79] : memref<2x128x128xf32, #tpu.memory_space<vmem>> -> memref<1x128x128xf32, #tpu.memory_space<vmem>>
        %dma_wait3A_81 = tpu.memref_squeeze %dma_wait3A_80 : memref<1x128x128xf32, #tpu.memory_space<vmem>> -> memref<128x128xf32, #tpu.memory_space<vmem>>
        %dma_wait3A_82 = arith.constant 0 : i32
        %dma_wait3A_83 = tpu.memref_slice %arg8[%sub3A_47, %dma_wait3A_77, %dma_wait3A_82] : memref<2x2x144xi32, #tpu.memory_space<vmem>> -> memref<1x1x128xi32, #tpu.memory_space<vmem>>
        %dma_wait3A_84 = tpu.memref_squeeze %dma_wait3A_83 : memref<1x1x128xi32, #tpu.memory_space<vmem>> -> memref<128xi32, #tpu.memory_space<vmem>>
        %dma_wait3A_85 = arith.constant 0 : i32
        %dma_wait3A_86 = arith.constant 0 : i32
        %dma_wait3A_87 = tpu.memref_slice %arg12[%dma_wait3A_85, %dma_wait3A_86] : memref<10240x128xf32, #tpu.memory_space<vmem_shared>> -> memref<10240x128xf32, #tpu.memory_space<vmem_shared>>
        tpu.wait_indirect_dma semaphore(%arg14 : memref<!tpu.dma_semaphore, #tpu.memory_space<semaphore_mem>>) src(%dma_wait3A_81 : memref<128x128xf32, #tpu.memory_space<vmem>>) dst(%dma_wait3A_87 : memref<10240x128xf32, #tpu.memory_space<vmem_shared>>)
      } else {
      }
      %lt3A = arith.constant 79 : i32
      %lt3A_50 = arith.cmpi slt, %scan3A_44, %lt3A : i32
      %convert_element_type3A_51 = arith.extui %lt3A_50 : i1 to i32
      %cond3A_52 = arith.constant 0 : i32
      %cond3A_53 = arith.cmpi ne, %convert_element_type3A_51, %cond3A_52 : i32
      scf.if %cond3A_53 {
        %add3A_77 = arith.constant 1 : i32
        %add3A_78 = arith.addi %scan3A_44, %add3A_77 : i32
        %mul3A_79 = arith.constant 128 : i32
        %mul3A_80 = arith.muli %add3A_78, %mul3A_79 : i32
        %add3A_81 = arith.addi %mul3A_4, %mul3A_80 : i32
        %multiple_of3A_82 = tpu.assume_multiple %add3A_81, 128 : i32
        "tpu.region"() ({
          %run_scoped3A_94 = tpu.sem_alloc : memref<!tpu.dma_semaphore, #tpu.memory_space<semaphore_mem>>
          %dma_start3A_95 = arith.constant 0 : i32
          %dma_start3A_96 = arith.constant 0 : i32
          %dma_start3A_97 = tpu.memref_slice %arg8[%sub3A_47, %dma_start3A_95, %dma_start3A_96] : memref<2x2x144xi32, #tpu.memory_space<vmem>> -> memref<1x2x128xi32, #tpu.memory_space<vmem>>
          %dma_start3A_98 = tpu.memref_squeeze %dma_start3A_97 : memref<1x2x128xi32, #tpu.memory_space<vmem>> -> memref<2x128xi32, #tpu.memory_space<vmem>>
          %dma_start3A_99 = arith.constant 0 : i32
          %dma_start3A_100 = tpu.memref_slice %arg4[%dma_start3A_99, %multiple_of3A_82] : memref<2x327680xi32, #tpu.memory_space<hbm>> -> memref<2x128xi32, #tpu.memory_space<hbm>>
          %dma_start3A_101 = arith.constant 0 : i32
          %dma_start3A_102 = arith.constant 0 : i32
          %dma_start3A_103 = tpu.memref_slice %arg8[%sub3A_47, %dma_start3A_101, %dma_start3A_102] : memref<2x2x144xi32, #tpu.memory_space<vmem>> -> memref<1x2x128xi32, #tpu.memory_space<vmem>>
          %dma_start3A_104 = tpu.memref_squeeze %dma_start3A_103 : memref<1x2x128xi32, #tpu.memory_space<vmem>> -> memref<2x128xi32, #tpu.memory_space<vmem>>
          %dma_start3A_105 = arith.constant 0 : i32
          %dma_start3A_106 = tpu.memref_slice %arg4[%dma_start3A_105, %multiple_of3A_82] : memref<2x327680xi32, #tpu.memory_space<hbm>> -> memref<2x128xi32, #tpu.memory_space<hbm>>
          tpu.enqueue_dma source(%dma_start3A_106 : memref<2x128xi32, #tpu.memory_space<hbm>>) target(%dma_start3A_104 : memref<2x128xi32, #tpu.memory_space<vmem>>) target_semaphore(%run_scoped3A_94 : memref<!tpu.dma_semaphore, #tpu.memory_space<semaphore_mem>>)
          %dma_wait3A_107 = arith.constant 0 : i32
          %dma_wait3A_108 = arith.constant 0 : i32
          %dma_wait3A_109 = tpu.memref_slice %arg8[%sub3A_47, %dma_wait3A_107, %dma_wait3A_108] : memref<2x2x144xi32, #tpu.memory_space<vmem>> -> memref<1x2x128xi32, #tpu.memory_space<vmem>>
          %dma_wait3A_110 = tpu.memref_squeeze %dma_wait3A_109 : memref<1x2x128xi32, #tpu.memory_space<vmem>> -> memref<2x128xi32, #tpu.memory_space<vmem>>
          %dma_wait3A_111 = arith.constant 0 : i32
          %dma_wait3A_112 = tpu.memref_slice %arg4[%dma_wait3A_111, %multiple_of3A_82] : memref<2x327680xi32, #tpu.memory_space<hbm>> -> memref<2x128xi32, #tpu.memory_space<hbm>>
          %dma_wait3A_113 = arith.constant 0 : i32
          %dma_wait3A_114 = arith.constant 0 : i32
          %dma_wait3A_115 = tpu.memref_slice %arg8[%sub3A_47, %dma_wait3A_113, %dma_wait3A_114] : memref<2x2x144xi32, #tpu.memory_space<vmem>> -> memref<1x2x128xi32, #tpu.memory_space<vmem>>
          %dma_wait3A_116 = tpu.memref_squeeze %dma_wait3A_115 : memref<1x2x128xi32, #tpu.memory_space<vmem>> -> memref<2x128xi32, #tpu.memory_space<vmem>>
          %dma_wait3A_117 = arith.constant 0 : i32
          %dma_wait3A_118 = tpu.memref_slice %arg4[%dma_wait3A_117, %multiple_of3A_82] : memref<2x327680xi32, #tpu.memory_space<hbm>> -> memref<2x128xi32, #tpu.memory_space<hbm>>
          tpu.wait_dma2 semaphore(%run_scoped3A_94 : memref<!tpu.dma_semaphore, #tpu.memory_space<semaphore_mem>>) src(%dma_wait3A_118 : memref<2x128xi32, #tpu.memory_space<hbm>>) dst(%dma_wait3A_116 : memref<2x128xi32, #tpu.memory_space<vmem>>)
          tpu.yield
        }) : () -> ()
        "tpu.region"() ({
          %run_scoped3A_94 = tpu.sem_alloc : memref<!tpu.dma_semaphore, #tpu.memory_space<semaphore_mem>>
          %dma_start3A_95 = arith.constant 0 : i32
          %dma_start3A_96 = tpu.memref_slice %arg9[%sub3A_47, %dma_start3A_95] : memref<2x144xf32, #tpu.memory_space<vmem>> -> memref<1x128xf32, #tpu.memory_space<vmem>>
          %dma_start3A_97 = tpu.memref_squeeze %dma_start3A_96 : memref<1x128xf32, #tpu.memory_space<vmem>> -> memref<128xf32, #tpu.memory_space<vmem>>
          %dma_start3A_98 = tpu.memref_slice %arg5[%multiple_of3A_82] : memref<327680xf32, #tpu.memory_space<hbm>> -> memref<128xf32, #tpu.memory_space<hbm>>
          %dma_start3A_99 = arith.constant 0 : i32
          %dma_start3A_100 = tpu.memref_slice %arg9[%sub3A_47, %dma_start3A_99] : memref<2x144xf32, #tpu.memory_space<vmem>> -> memref<1x128xf32, #tpu.memory_space<vmem>>
          %dma_start3A_101 = tpu.memref_squeeze %dma_start3A_100 : memref<1x128xf32, #tpu.memory_space<vmem>> -> memref<128xf32, #tpu.memory_space<vmem>>
          %dma_start3A_102 = tpu.memref_slice %arg5[%multiple_of3A_82] : memref<327680xf32, #tpu.memory_space<hbm>> -> memref<128xf32, #tpu.memory_space<hbm>>
          tpu.enqueue_dma source(%dma_start3A_102 : memref<128xf32, #tpu.memory_space<hbm>>) target(%dma_start3A_101 : memref<128xf32, #tpu.memory_space<vmem>>) target_semaphore(%run_scoped3A_94 : memref<!tpu.dma_semaphore, #tpu.memory_space<semaphore_mem>>)
          %dma_wait3A_103 = arith.constant 0 : i32
          %dma_wait3A_104 = tpu.memref_slice %arg9[%sub3A_47, %dma_wait3A_103] : memref<2x144xf32, #tpu.memory_space<vmem>> -> memref<1x128xf32, #tpu.memory_space<vmem>>
          %dma_wait3A_105 = tpu.memref_squeeze %dma_wait3A_104 : memref<1x128xf32, #tpu.memory_space<vmem>> -> memref<128xf32, #tpu.memory_space<vmem>>
          %dma_wait3A_106 = tpu.memref_slice %arg5[%multiple_of3A_82] : memref<327680xf32, #tpu.memory_space<hbm>> -> memref<128xf32, #tpu.memory_space<hbm>>
          %dma_wait3A_107 = arith.constant 0 : i32
          %dma_wait3A_108 = tpu.memref_slice %arg9[%sub3A_47, %dma_wait3A_107] : memref<2x144xf32, #tpu.memory_space<vmem>> -> memref<1x128xf32, #tpu.memory_space<vmem>>
          %dma_wait3A_109 = tpu.memref_squeeze %dma_wait3A_108 : memref<1x128xf32, #tpu.memory_space<vmem>> -> memref<128xf32, #tpu.memory_space<vmem>>
          %dma_wait3A_110 = tpu.memref_slice %arg5[%multiple_of3A_82] : memref<327680xf32, #tpu.memory_space<hbm>> -> memref<128xf32, #tpu.memory_space<hbm>>
          tpu.wait_dma2 semaphore(%run_scoped3A_94 : memref<!tpu.dma_semaphore, #tpu.memory_space<semaphore_mem>>) src(%dma_wait3A_110 : memref<128xf32, #tpu.memory_space<hbm>>) dst(%dma_wait3A_109 : memref<128xf32, #tpu.memory_space<vmem>>)
          tpu.yield
        }) : () -> ()
        %dma_start3A_83 = arith.constant 0 : i32
        %dma_start3A_84 = arith.constant 0 : i32
        %dma_start3A_85 = arith.constant 0 : i32
        %dma_start3A_86 = tpu.memref_slice %arg10[%sub3A_47, %dma_start3A_84, %dma_start3A_85] : memref<2x128x128xf32, #tpu.memory_space<vmem>> -> memref<1x128x128xf32, #tpu.memory_space<vmem>>
        %dma_start3A_87 = tpu.memref_squeeze %dma_start3A_86 : memref<1x128x128xf32, #tpu.memory_space<vmem>> -> memref<128x128xf32, #tpu.memory_space<vmem>>
        %dma_start3A_88 = arith.constant 0 : i32
        %dma_start3A_89 = tpu.memref_slice %arg8[%sub3A_47, %dma_start3A_83, %dma_start3A_88] : memref<2x2x144xi32, #tpu.memory_space<vmem>> -> memref<1x1x128xi32, #tpu.memory_space<vmem>>
        %dma_start3A_90 = tpu.memref_squeeze %dma_start3A_89 : memref<1x1x128xi32, #tpu.memory_space<vmem>> -> memref<128xi32, #tpu.memory_space<vmem>>
        %dma_start3A_91 = arith.constant 0 : i32
        %dma_start3A_92 = arith.constant 0 : i32
        %dma_start3A_93 = tpu.memref_slice %arg2[%dma_start3A_91, %dma_start3A_92] : memref<10240x128xf32, #tpu.memory_space<hbm>> -> memref<10240x128xf32, #tpu.memory_space<hbm>>
        tpu.enqueue_indirect_dma source(%dma_start3A_93 : memref<10240x128xf32, #tpu.memory_space<hbm>>) target(%dma_start3A_87 : memref<128x128xf32, #tpu.memory_space<vmem>>) offsets(%dma_start3A_90 : memref<128xi32, #tpu.memory_space<vmem>>) semaphore(%arg13 : memref<!tpu.dma_semaphore, #tpu.memory_space<semaphore_mem>>)
      } else {
      }
      %dma_wait3A_54 = arith.constant 0 : i32
      %dma_wait3A_55 = arith.constant 0 : i32
      %dma_wait3A_56 = arith.constant 0 : i32
      %dma_wait3A_57 = tpu.memref_slice %arg10[%and3A_46, %dma_wait3A_55, %dma_wait3A_56] : memref<2x128x128xf32, #tpu.memory_space<vmem>> -> memref<1x128x128xf32, #tpu.memory_space<vmem>>
      %dma_wait3A_58 = tpu.memref_squeeze %dma_wait3A_57 : memref<1x128x128xf32, #tpu.memory_space<vmem>> -> memref<128x128xf32, #tpu.memory_space<vmem>>
      %dma_wait3A_59 = arith.constant 0 : i32
      %dma_wait3A_60 = tpu.memref_slice %arg8[%and3A_46, %dma_wait3A_54, %dma_wait3A_59] : memref<2x2x144xi32, #tpu.memory_space<vmem>> -> memref<1x1x128xi32, #tpu.memory_space<vmem>>
      %dma_wait3A_61 = tpu.memref_squeeze %dma_wait3A_60 : memref<1x1x128xi32, #tpu.memory_space<vmem>> -> memref<128xi32, #tpu.memory_space<vmem>>
      %dma_wait3A_62 = arith.constant 0 : i32
      %dma_wait3A_63 = arith.constant 0 : i32
      %dma_wait3A_64 = tpu.memref_slice %arg2[%dma_wait3A_62, %dma_wait3A_63] : memref<10240x128xf32, #tpu.memory_space<hbm>> -> memref<10240x128xf32, #tpu.memory_space<hbm>>
      tpu.wait_indirect_dma semaphore(%arg13 : memref<!tpu.dma_semaphore, #tpu.memory_space<semaphore_mem>>) src(%dma_wait3A_64 : memref<10240x128xf32, #tpu.memory_space<hbm>>) dst(%dma_wait3A_58 : memref<128x128xf32, #tpu.memory_space<vmem>>)
      %dma_start3A_65 = arith.constant 1 : i32
      %dma_start3A_66 = arith.constant 0 : i32
      %dma_start3A_67 = arith.constant 0 : i32
      %dma_start3A_68 = tpu.memref_slice %arg10[%and3A_46, %dma_start3A_66, %dma_start3A_67] : memref<2x128x128xf32, #tpu.memory_space<vmem>> -> memref<1x128x128xf32, #tpu.memory_space<vmem>>
      %dma_start3A_69 = tpu.memref_squeeze %dma_start3A_68 : memref<1x128x128xf32, #tpu.memory_space<vmem>> -> memref<128x128xf32, #tpu.memory_space<vmem>>
      %dma_start3A_70 = arith.constant 0 : i32
      %dma_start3A_71 = tpu.memref_slice %arg8[%and3A_46, %dma_start3A_65, %dma_start3A_70] : memref<2x2x144xi32, #tpu.memory_space<vmem>> -> memref<1x1x128xi32, #tpu.memory_space<vmem>>
      %dma_start3A_72 = tpu.memref_squeeze %dma_start3A_71 : memref<1x1x128xi32, #tpu.memory_space<vmem>> -> memref<128xi32, #tpu.memory_space<vmem>>
      %dma_start3A_73 = arith.constant 0 : i32
      %dma_start3A_74 = arith.constant 0 : i32
      %dma_start3A_75 = tpu.memref_slice %arg12[%dma_start3A_73, %dma_start3A_74] : memref<10240x128xf32, #tpu.memory_space<vmem_shared>> -> memref<10240x128xf32, #tpu.memory_space<vmem_shared>>
      tpu.enqueue_indirect_dma source(%dma_start3A_69 : memref<128x128xf32, #tpu.memory_space<vmem>>) target(%dma_start3A_75 : memref<10240x128xf32, #tpu.memory_space<vmem_shared>>) offsets(%dma_start3A_72 : memref<128xi32, #tpu.memory_space<vmem>>) semaphore(%arg14 : memref<!tpu.dma_semaphore, #tpu.memory_space<semaphore_mem>>) {add = true}
      %scan3A_76 = arith.constant 0 : i32
      scf.yield %scan3A_76 : i32
    }
    %scan3A_26 = arith.constant 80 : i32
    %dma_wait3A = arith.constant 1 : i32
    %dma_wait3A_27 = arith.constant 1 : i32
    %dma_wait3A_28 = arith.constant 1 : i32
    %dma_wait3A_29 = arith.constant 0 : i32
    %dma_wait3A_30 = arith.constant 0 : i32
    %dma_wait3A_31 = tpu.memref_slice %arg10[%dma_wait3A, %dma_wait3A_29, %dma_wait3A_30] : memref<2x128x128xf32, #tpu.memory_space<vmem>> -> memref<1x128x128xf32, #tpu.memory_space<vmem>>
    %dma_wait3A_32 = tpu.memref_squeeze %dma_wait3A_31 : memref<1x128x128xf32, #tpu.memory_space<vmem>> -> memref<128x128xf32, #tpu.memory_space<vmem>>
    %dma_wait3A_33 = arith.constant 0 : i32
    %dma_wait3A_34 = tpu.memref_slice %arg8[%dma_wait3A_27, %dma_wait3A_28, %dma_wait3A_33] : memref<2x2x144xi32, #tpu.memory_space<vmem>> -> memref<1x1x128xi32, #tpu.memory_space<vmem>>
    %dma_wait3A_35 = tpu.memref_squeeze %dma_wait3A_34 : memref<1x1x128xi32, #tpu.memory_space<vmem>> -> memref<128xi32, #tpu.memory_space<vmem>>
    %dma_wait3A_36 = arith.constant 0 : i32
    %dma_wait3A_37 = arith.constant 0 : i32
    %dma_wait3A_38 = tpu.memref_slice %arg12[%dma_wait3A_36, %dma_wait3A_37] : memref<10240x128xf32, #tpu.memory_space<vmem_shared>> -> memref<10240x128xf32, #tpu.memory_space<vmem_shared>>
    tpu.wait_indirect_dma semaphore(%arg14 : memref<!tpu.dma_semaphore, #tpu.memory_space<semaphore_mem>>) src(%dma_wait3A_32 : memref<128x128xf32, #tpu.memory_space<vmem>>) dst(%dma_wait3A_38 : memref<10240x128xf32, #tpu.memory_space<vmem_shared>>)
    %barrier3A_39 = arith.constant 0 : index
    tpu.barrier barrier_id(%barrier3A_39)
    %mul3A_40 = arith.constant 10240 : i32
    %mul3A_41 = arith.muli %arg0, %mul3A_40 : i32
    %add3A_42 = arith.addi %mul3A_41, %multiple_of3A : i32
    %multiple_of3A_43 = tpu.assume_multiple %add3A_42, 8 : i32
    "tpu.region"() ({
      %run_scoped3A_44 = tpu.sem_alloc : memref<!tpu.dma_semaphore, #tpu.memory_space<semaphore_mem>>
      %dma_start3A_45 = arith.constant 0 : i32
      %dma_start3A_46 = tpu.memref_slice %arg7[%multiple_of3A_43, %dma_start3A_45] : memref<20480x128xf32, #tpu.memory_space<hbm>> -> memref<640x128xf32, #tpu.memory_space<hbm>>
      %dma_start3A_47 = arith.constant 0 : i32
      %dma_start3A_48 = tpu.memref_slice %arg12[%multiple_of3A, %dma_start3A_47] : memref<10240x128xf32, #tpu.memory_space<vmem_shared>> -> memref<640x128xf32, #tpu.memory_space<vmem_shared>>
      tpu.enqueue_dma source(%dma_start3A_48 : memref<640x128xf32, #tpu.memory_space<vmem_shared>>) target(%dma_start3A_46 : memref<640x128xf32, #tpu.memory_space<hbm>>) target_semaphore(%run_scoped3A_44 : memref<!tpu.dma_semaphore, #tpu.memory_space<semaphore_mem>>)
      %dma_wait3A_49 = arith.constant 0 : i32
      %dma_wait3A_50 = tpu.memref_slice %arg7[%multiple_of3A_43, %dma_wait3A_49] : memref<20480x128xf32, #tpu.memory_space<hbm>> -> memref<640x128xf32, #tpu.memory_space<hbm>>
      %dma_wait3A_51 = arith.constant 0 : i32
      %dma_wait3A_52 = tpu.memref_slice %arg12[%multiple_of3A, %dma_wait3A_51] : memref<10240x128xf32, #tpu.memory_space<vmem_shared>> -> memref<640x128xf32, #tpu.memory_space<vmem_shared>>
      tpu.wait_dma2 semaphore(%run_scoped3A_44 : memref<!tpu.dma_semaphore, #tpu.memory_space<semaphore_mem>>) src(%dma_wait3A_52 : memref<640x128xf32, #tpu.memory_space<vmem_shared>>) dst(%dma_wait3A_50 : memref<640x128xf32, #tpu.memory_space<hbm>>)
      tpu.yield
    }) : () -> ()
    return
  }
}

module attributes {stable_mosaic.version = 14 : i64} {
  func.func @_tc_pre_body(%arg0: memref<10000x128xf32, #tpu.memory_space<vmem>>, %arg1: memref<128x64xf32, #tpu.memory_space<vmem>>, %arg2: memref<1x64xf32, #tpu.memory_space<vmem>>, %arg3: memref<64x64xf32, #tpu.memory_space<vmem>>, %arg4: memref<1x64xf32, #tpu.memory_space<vmem>>, %arg5: memref<64x2xf32, #tpu.memory_space<vmem>>, %arg6: memref<1x2xf32, #tpu.memory_space<vmem>>, %arg7: memref<10000x64xf32, #tpu.memory_space<vmem>>, %arg8: memref<10240x128xf32, #tpu.memory_space<vmem>>, %arg9: memref<10000x2xf32, #tpu.memory_space<vmem>>) attributes {dimension_semantics = [], scalar_prefetch = 0 : i64, scratch_operands = 0 : i64, tpu.core_type = #tpu.core_type<tc>} {
    %get3A = arith.constant 0 : index
    %get3A_0 = arith.constant 0 : index
    %get3A_1 = vector.load %arg0[%get3A, %get3A_0] : memref<10000x128xf32, #tpu.memory_space<vmem>>, vector<10000x128xf32>
    %get3A_2 = arith.constant 0 : index
    %get3A_3 = arith.constant 0 : index
    %get3A_4 = vector.load %arg1[%get3A_2, %get3A_3] : memref<128x64xf32, #tpu.memory_space<vmem>>, vector<128x64xf32>
    %dot_general3A = arith.constant dense<0.000000e+00> : vector<10000x64xf32>
    %dot_general3A_5 = tpu.matmul %get3A_1, %get3A_4, %dot_general3A {dimension_numbers = #tpu.dot_dimension_numbers<[1], [0], [0], [1], [0, 0, 1, 1], [], []>, precision = #tpu.contract_precision<fp32>, transpose_lhs_hint = false} : vector<10000x128xf32>, vector<128x64xf32>, vector<10000x64xf32> -> vector<10000x64xf32>
    %get3A_6 = arith.constant 0 : index
    %get3A_7 = arith.constant 0 : index
    %get3A_8 = vector.load %arg2[%get3A_6, %get3A_7] : memref<1x64xf32, #tpu.memory_space<vmem>>, vector<1x64xf32>
    %add3A = vector.broadcast %get3A_8 : vector<1x64xf32> to vector<10000x64xf32>
    %add3A_9 = arith.addf %dot_general3A_5, %add3A : vector<10000x64xf32>
    %swap3A = arith.constant 0 : index
    %swap3A_10 = arith.constant 0 : index
    %swap3A_11 = vector.load %arg7[%swap3A, %swap3A_10] : memref<10000x64xf32, #tpu.memory_space<vmem>>, vector<10000x64xf32>
    tpu.vector_store %arg7[%swap3A, %swap3A_10], %add3A_9 {strides = array<i32>} : memref<10000x64xf32, #tpu.memory_space<vmem>>, vector<10000x64xf32>,
    %get3A_12 = arith.constant 0 : index
    %get3A_13 = arith.constant 0 : index
    %get3A_14 = vector.load %arg3[%get3A_12, %get3A_13] : memref<64x64xf32, #tpu.memory_space<vmem>>, vector<64x64xf32>
    %dot_general3A_15 = arith.constant dense<0.000000e+00> : vector<10000x64xf32>
    %dot_general3A_16 = tpu.matmul %add3A_9, %get3A_14, %dot_general3A_15 {dimension_numbers = #tpu.dot_dimension_numbers<[1], [0], [0], [1], [0, 0, 1, 1], [], []>, precision = #tpu.contract_precision<fp32>, transpose_lhs_hint = false} : vector<10000x64xf32>, vector<64x64xf32>, vector<10000x64xf32> -> vector<10000x64xf32>
    %get3A_17 = arith.constant 0 : index
    %get3A_18 = arith.constant 0 : index
    %get3A_19 = vector.load %arg4[%get3A_17, %get3A_18] : memref<1x64xf32, #tpu.memory_space<vmem>>, vector<1x64xf32>
    %add3A_20 = vector.broadcast %get3A_19 : vector<1x64xf32> to vector<10000x64xf32>
    %add3A_21 = arith.addf %dot_general3A_16, %add3A_20 : vector<10000x64xf32>
    %get3A_22 = arith.constant 0 : index
    %get3A_23 = arith.constant 0 : index
    %get3A_24 = vector.load %arg5[%get3A_22, %get3A_23] : memref<64x2xf32, #tpu.memory_space<vmem>>, vector<64x2xf32>
    %dot_general3A_25 = arith.constant dense<0.000000e+00> : vector<10000x2xf32>
    %dot_general3A_26 = tpu.matmul %add3A_9, %get3A_24, %dot_general3A_25 {dimension_numbers = #tpu.dot_dimension_numbers<[1], [0], [0], [1], [0, 0, 1, 1], [], []>, precision = #tpu.contract_precision<fp32>, transpose_lhs_hint = false} : vector<10000x64xf32>, vector<64x2xf32>, vector<10000x2xf32> -> vector<10000x2xf32>
    %get3A_27 = arith.constant 0 : index
    %get3A_28 = arith.constant 0 : index
    %get3A_29 = vector.load %arg6[%get3A_27, %get3A_28] : memref<1x2xf32, #tpu.memory_space<vmem>>, vector<1x2xf32>
    %add3A_30 = vector.broadcast %get3A_29 : vector<1x2xf32> to vector<10000x2xf32>
    %add3A_31 = arith.addf %dot_general3A_26, %add3A_30 : vector<10000x2xf32>
    %slice3A = vector.extract_strided_slice %add3A_31 {offsets = [0, 1], sizes = [10000, 1], strides = [1, 1]} : vector<10000x2xf32> to vector<10000x1xf32>
    %broadcast_in_dim3A = arith.constant 0.000000e+00 : f32
    %broadcast_in_dim3A_32 = vector.broadcast %broadcast_in_dim3A : f32 to vector<10000x63xf32>
    %concatenate3A = tpu.concatenate %add3A_21, %slice3A, %broadcast_in_dim3A_32 in 1 : vector<10000x64xf32>, vector<10000x1xf32>, vector<10000x63xf32> -> vector<10000x128xf32>
    %jit3A = arith.constant 0 : i32
    %convert_element_type3A = arith.sitofp %jit3A : i32 to f32
    %pad3A = vector.broadcast %convert_element_type3A : f32 to vector<240x128xf32>
    %pad3A_33 = tpu.concatenate %concatenate3A, %pad3A in 0 : vector<10000x128xf32>, vector<240x128xf32> -> vector<10240x128xf32>
    %swap3A_34 = arith.constant 0 : index
    %swap3A_35 = arith.constant 0 : index
    %swap3A_36 = vector.load %arg8[%swap3A_34, %swap3A_35] : memref<10240x128xf32, #tpu.memory_space<vmem>>, vector<10240x128xf32>
    tpu.vector_store %arg8[%swap3A_34, %swap3A_35], %pad3A_33 {strides = array<i32>} : memref<10240x128xf32, #tpu.memory_space<vmem>>, vector<10240x128xf32>,
    %swap3A_37 = arith.constant 0 : index
    %swap3A_38 = arith.constant 0 : index
    %swap3A_39 = vector.load %arg9[%swap3A_37, %swap3A_38] : memref<10000x2xf32, #tpu.memory_space<vmem>>, vector<10000x2xf32>
    tpu.vector_store %arg9[%swap3A_37, %swap3A_38], %add3A_31 {strides = array<i32>} : memref<10000x2xf32, #tpu.memory_space<vmem>>, vector<10000x2xf32>,
    return
  }
}

module attributes {stable_mosaic.version = 14 : i64} {
  func.func @_tc_mid_body(%arg0: memref<10000x64xf32, #tpu.memory_space<vmem>>, %arg1: memref<10000x64xf32, #tpu.memory_space<vmem>>, %arg2: memref<10000x64xf32, #tpu.memory_space<vmem>>, %arg3: memref<10000x64xf32, #tpu.memory_space<vmem>>, %arg4: memref<1x64xf32, #tpu.memory_space<vmem>>, %arg5: memref<1x64xf32, #tpu.memory_space<vmem>>, %arg6: memref<64x64xf32, #tpu.memory_space<vmem>>, %arg7: memref<1x64xf32, #tpu.memory_space<vmem>>, %arg8: memref<64x2xf32, #tpu.memory_space<vmem>>, %arg9: memref<1x2xf32, #tpu.memory_space<vmem>>, %arg10: memref<10000x64xf32, #tpu.memory_space<vmem>>, %arg11: memref<10240x128xf32, #tpu.memory_space<vmem>>, %arg12: memref<10000x2xf32, #tpu.memory_space<vmem>>) attributes {dimension_semantics = [], scalar_prefetch = 0 : i64, scratch_operands = 0 : i64, tpu.core_type = #tpu.core_type<tc>} {
    %get3A = arith.constant 0 : index
    %get3A_0 = arith.constant 0 : index
    %get3A_1 = vector.load %arg0[%get3A, %get3A_0] : memref<10000x64xf32, #tpu.memory_space<vmem>>, vector<10000x64xf32>
    %get3A_2 = arith.constant 0 : index
    %get3A_3 = arith.constant 0 : index
    %get3A_4 = vector.load %arg1[%get3A_2, %get3A_3] : memref<10000x64xf32, #tpu.memory_space<vmem>>, vector<10000x64xf32>
    %add3A = arith.addf %get3A_1, %get3A_4 : vector<10000x64xf32>
    %get3A_5 = arith.constant 0 : index
    %get3A_6 = arith.constant 0 : index
    %get3A_7 = vector.load %arg2[%get3A_5, %get3A_6] : memref<10000x64xf32, #tpu.memory_space<vmem>>, vector<10000x64xf32>
    %add3A_8 = arith.addf %add3A, %get3A_7 : vector<10000x64xf32>
    %reduce_sum3A = arith.constant dense<0.000000e+00> : vector<10000xf32>
    %reduce_sum3A_9 = vector.multi_reduction <add>, %add3A_8, %reduce_sum3A [1] : vector<10000x64xf32> to vector<10000xf32>
    %broadcast_in_dim3A = vector.shape_cast %reduce_sum3A_9 : vector<10000xf32> to vector<10000x1xf32>
    %div3A = arith.constant 6.400000e+01 : f32
    %div3A_10 = vector.broadcast %div3A : f32 to vector<10000x1xf32>
    %div3A_11 = arith.divf %broadcast_in_dim3A, %div3A_10 : vector<10000x1xf32>
    %sub3A = vector.broadcast %div3A_11 : vector<10000x1xf32> to vector<10000x64xf32>
    %sub3A_12 = arith.subf %add3A_8, %sub3A : vector<10000x64xf32>
    %integer_pow3A = arith.mulf %sub3A_12, %sub3A_12 : vector<10000x64xf32>
    %reduce_sum3A_13 = arith.constant dense<0.000000e+00> : vector<10000xf32>
    %reduce_sum3A_14 = vector.multi_reduction <add>, %integer_pow3A, %reduce_sum3A_13 [1] : vector<10000x64xf32> to vector<10000xf32>
    %broadcast_in_dim3A_15 = vector.shape_cast %reduce_sum3A_14 : vector<10000xf32> to vector<10000x1xf32>
    %div3A_16 = arith.constant 6.400000e+01 : f32
    %div3A_17 = vector.broadcast %div3A_16 : f32 to vector<10000x1xf32>
    %div3A_18 = arith.divf %broadcast_in_dim3A_15, %div3A_17 : vector<10000x1xf32>
    %sub3A_19 = vector.broadcast %div3A_11 : vector<10000x1xf32> to vector<10000x64xf32>
    %sub3A_20 = arith.subf %add3A_8, %sub3A_19 : vector<10000x64xf32>
    %add3A_21 = arith.constant 9.99999974E-6 : f32
    %add3A_22 = vector.broadcast %add3A_21 : f32 to vector<10000x1xf32>
    %add3A_23 = arith.addf %div3A_18, %add3A_22 : vector<10000x1xf32>
    %sqrt3A = math.sqrt %add3A_23 : vector<10000x1xf32>
    %div3A_24 = vector.broadcast %sqrt3A : vector<10000x1xf32> to vector<10000x64xf32>
    %div3A_25 = arith.divf %sub3A_20, %div3A_24 : vector<10000x64xf32>
    %get3A_26 = arith.constant 0 : index
    %get3A_27 = arith.constant 0 : index
    %get3A_28 = vector.load %arg4[%get3A_26, %get3A_27] : memref<1x64xf32, #tpu.memory_space<vmem>>, vector<1x64xf32>
    %mul3A = vector.broadcast %get3A_28 : vector<1x64xf32> to vector<10000x64xf32>
    %mul3A_29 = arith.mulf %div3A_25, %mul3A : vector<10000x64xf32>
    %get3A_30 = arith.constant 0 : index
    %get3A_31 = arith.constant 0 : index
    %get3A_32 = vector.load %arg5[%get3A_30, %get3A_31] : memref<1x64xf32, #tpu.memory_space<vmem>>, vector<1x64xf32>
    %add3A_33 = vector.broadcast %get3A_32 : vector<1x64xf32> to vector<10000x64xf32>
    %add3A_34 = arith.addf %mul3A_29, %add3A_33 : vector<10000x64xf32>
    %max3A = arith.constant 0.000000e+00 : f32
    %max3A_35 = vector.broadcast %max3A : f32 to vector<10000x64xf32>
    %max3A_36 = arith.maximumf %add3A_34, %max3A_35 : vector<10000x64xf32>
    %get3A_37 = arith.constant 0 : index
    %get3A_38 = arith.constant 0 : index
    %get3A_39 = vector.load %arg3[%get3A_37, %get3A_38] : memref<10000x64xf32, #tpu.memory_space<vmem>>, vector<10000x64xf32>
    %add3A_40 = arith.addf %max3A_36, %get3A_39 : vector<10000x64xf32>
    %swap3A = arith.constant 0 : index
    %swap3A_41 = arith.constant 0 : index
    %swap3A_42 = vector.load %arg10[%swap3A, %swap3A_41] : memref<10000x64xf32, #tpu.memory_space<vmem>>, vector<10000x64xf32>
    tpu.vector_store %arg10[%swap3A, %swap3A_41], %add3A_40 {strides = array<i32>} : memref<10000x64xf32, #tpu.memory_space<vmem>>, vector<10000x64xf32>,
    %get3A_43 = arith.constant 0 : index
    %get3A_44 = arith.constant 0 : index
    %get3A_45 = vector.load %arg6[%get3A_43, %get3A_44] : memref<64x64xf32, #tpu.memory_space<vmem>>, vector<64x64xf32>
    %dot_general3A = arith.constant dense<0.000000e+00> : vector<10000x64xf32>
    %dot_general3A_46 = tpu.matmul %add3A_40, %get3A_45, %dot_general3A {dimension_numbers = #tpu.dot_dimension_numbers<[1], [0], [0], [1], [0, 0, 1, 1], [], []>, precision = #tpu.contract_precision<fp32>, transpose_lhs_hint = false} : vector<10000x64xf32>, vector<64x64xf32>, vector<10000x64xf32> -> vector<10000x64xf32>
    %get3A_47 = arith.constant 0 : index
    %get3A_48 = arith.constant 0 : index
    %get3A_49 = vector.load %arg7[%get3A_47, %get3A_48] : memref<1x64xf32, #tpu.memory_space<vmem>>, vector<1x64xf32>
    %add3A_50 = vector.broadcast %get3A_49 : vector<1x64xf32> to vector<10000x64xf32>
    %add3A_51 = arith.addf %dot_general3A_46, %add3A_50 : vector<10000x64xf32>
    %get3A_52 = arith.constant 0 : index
    %get3A_53 = arith.constant 0 : index
    %get3A_54 = vector.load %arg8[%get3A_52, %get3A_53] : memref<64x2xf32, #tpu.memory_space<vmem>>, vector<64x2xf32>
    %dot_general3A_55 = arith.constant dense<0.000000e+00> : vector<10000x2xf32>
    %dot_general3A_56 = tpu.matmul %add3A_40, %get3A_54, %dot_general3A_55 {dimension_numbers = #tpu.dot_dimension_numbers<[1], [0], [0], [1], [0, 0, 1, 1], [], []>, precision = #tpu.contract_precision<fp32>, transpose_lhs_hint = false} : vector<10000x64xf32>, vector<64x2xf32>, vector<10000x2xf32> -> vector<10000x2xf32>
    %get3A_57 = arith.constant 0 : index
    %get3A_58 = arith.constant 0 : index
    %get3A_59 = vector.load %arg9[%get3A_57, %get3A_58] : memref<1x2xf32, #tpu.memory_space<vmem>>, vector<1x2xf32>
    %add3A_60 = vector.broadcast %get3A_59 : vector<1x2xf32> to vector<10000x2xf32>
    %add3A_61 = arith.addf %dot_general3A_56, %add3A_60 : vector<10000x2xf32>
    %slice3A = vector.extract_strided_slice %add3A_61 {offsets = [0, 1], sizes = [10000, 1], strides = [1, 1]} : vector<10000x2xf32> to vector<10000x1xf32>
    %broadcast_in_dim3A_62 = arith.constant 0.000000e+00 : f32
    %broadcast_in_dim3A_63 = vector.broadcast %broadcast_in_dim3A_62 : f32 to vector<10000x63xf32>
    %concatenate3A = tpu.concatenate %add3A_51, %slice3A, %broadcast_in_dim3A_63 in 1 : vector<10000x64xf32>, vector<10000x1xf32>, vector<10000x63xf32> -> vector<10000x128xf32>
    %jit3A = arith.constant 0 : i32
    %convert_element_type3A = arith.sitofp %jit3A : i32 to f32
    %pad3A = vector.broadcast %convert_element_type3A : f32 to vector<240x128xf32>
    %pad3A_64 = tpu.concatenate %concatenate3A, %pad3A in 0 : vector<10000x128xf32>, vector<240x128xf32> -> vector<10240x128xf32>
    %swap3A_65 = arith.constant 0 : index
    %swap3A_66 = arith.constant 0 : index
    %swap3A_67 = vector.load %arg11[%swap3A_65, %swap3A_66] : memref<10240x128xf32, #tpu.memory_space<vmem>>, vector<10240x128xf32>
    tpu.vector_store %arg11[%swap3A_65, %swap3A_66], %pad3A_64 {strides = array<i32>} : memref<10240x128xf32, #tpu.memory_space<vmem>>, vector<10240x128xf32>,
    %swap3A_68 = arith.constant 0 : index
    %swap3A_69 = arith.constant 0 : index
    %swap3A_70 = vector.load %arg12[%swap3A_68, %swap3A_69] : memref<10000x2xf32, #tpu.memory_space<vmem>>, vector<10000x2xf32>
    tpu.vector_store %arg12[%swap3A_68, %swap3A_69], %add3A_61 {strides = array<i32>} : memref<10000x2xf32, #tpu.memory_space<vmem>>, vector<10000x2xf32>,
    return
  }
}

module attributes {stable_mosaic.version = 14 : i64} {
  func.func @_tc_post_body(%arg0: i32, %arg1: memref<1000x64xf32, #tpu.memory_space<vmem>>, %arg2: memref<1000x64xf32, #tpu.memory_space<vmem>>, %arg3: memref<1000x64xf32, #tpu.memory_space<vmem>>, %arg4: memref<1000x64xf32, #tpu.memory_space<vmem>>, %arg5: memref<1x64xf32, #tpu.memory_space<vmem>>, %arg6: memref<1x64xf32, #tpu.memory_space<vmem>>, %arg7: memref<64x128xf32, #tpu.memory_space<vmem>>, %arg8: memref<1x128xf32, #tpu.memory_space<vmem>>, %arg9: memref<128x8xf32, #tpu.memory_space<vmem>>, %arg10: memref<1x8xf32, #tpu.memory_space<vmem>>, %arg11: memref<64x32xf32, #tpu.memory_space<vmem>>, %arg12: memref<1x32xf32, #tpu.memory_space<vmem>>, %arg13: memref<1000x64xf32, #tpu.memory_space<vmem>>, %arg14: memref<1000x8xf32, #tpu.memory_space<vmem>>, %arg15: memref<1000x32xf32, #tpu.memory_space<vmem>>, %arg16: memref<1x64xf32, #tpu.memory_space<vmem>>) attributes {dimension_semantics = [#tpu.dimension_semantics<arbitrary>], iteration_bounds = array<i64: 10>, scalar_prefetch = 0 : i64, scratch_operands = 0 : i64, tpu.core_type = #tpu.core_type<tc>, window_params = [{transform_indices = @transform_0, window_bounds = array<i64: 1000, 64>}, {transform_indices = @transform_1, window_bounds = array<i64: 1000, 64>}, {transform_indices = @transform_2, window_bounds = array<i64: 1000, 64>}, {transform_indices = @transform_3, window_bounds = array<i64: 1000, 64>}, {pipeline_mode = #tpu.pipeline_mode<synchronous>, transform_indices = @transform_4, window_bounds = array<i64: 1, 64>}, {pipeline_mode = #tpu.pipeline_mode<synchronous>, transform_indices = @transform_5, window_bounds = array<i64: 1, 64>}, {pipeline_mode = #tpu.pipeline_mode<synchronous>, transform_indices = @transform_6, window_bounds = array<i64: 64, 128>}, {pipeline_mode = #tpu.pipeline_mode<synchronous>, transform_indices = @transform_7, window_bounds = array<i64: 1, 128>}, {pipeline_mode = #tpu.pipeline_mode<synchronous>, transform_indices = @transform_8, window_bounds = array<i64: 128, 8>}, {pipeline_mode = #tpu.pipeline_mode<synchronous>, transform_indices = @transform_9, window_bounds = array<i64: 1, 8>}, {pipeline_mode = #tpu.pipeline_mode<synchronous>, transform_indices = @transform_10, window_bounds = array<i64: 64, 32>}, {pipeline_mode = #tpu.pipeline_mode<synchronous>, transform_indices = @transform_11, window_bounds = array<i64: 1, 32>}, {transform_indices = @transform_12, window_bounds = array<i64: 1000, 64>}, {transform_indices = @transform_13, window_bounds = array<i64: 1000, 8>}, {transform_indices = @transform_14, window_bounds = array<i64: 1000, 32>}, {pipeline_mode = #tpu.pipeline_mode<synchronous>, transform_indices = @transform_15, window_bounds = array<i64: 1, 64>}]} {
    %get3A = arith.constant 0 : index
    %get3A_0 = arith.constant 0 : index
    %get3A_1 = vector.load %arg1[%get3A, %get3A_0] : memref<1000x64xf32, #tpu.memory_space<vmem>>, vector<1000x64xf32>
    %get3A_2 = arith.constant 0 : index
    %get3A_3 = arith.constant 0 : index
    %get3A_4 = vector.load %arg2[%get3A_2, %get3A_3] : memref<1000x64xf32, #tpu.memory_space<vmem>>, vector<1000x64xf32>
    %add3A = arith.addf %get3A_1, %get3A_4 : vector<1000x64xf32>
    %get3A_5 = arith.constant 0 : index
    %get3A_6 = arith.constant 0 : index
    %get3A_7 = vector.load %arg3[%get3A_5, %get3A_6] : memref<1000x64xf32, #tpu.memory_space<vmem>>, vector<1000x64xf32>
    %add3A_8 = arith.addf %add3A, %get3A_7 : vector<1000x64xf32>
    %reduce_sum3A = arith.constant dense<0.000000e+00> : vector<1000xf32>
    %reduce_sum3A_9 = vector.multi_reduction <add>, %add3A_8, %reduce_sum3A [1] : vector<1000x64xf32> to vector<1000xf32>
    %broadcast_in_dim3A = vector.shape_cast %reduce_sum3A_9 : vector<1000xf32> to vector<1000x1xf32>
    %div3A = arith.constant 6.400000e+01 : f32
    %div3A_10 = vector.broadcast %div3A : f32 to vector<1000x1xf32>
    %div3A_11 = arith.divf %broadcast_in_dim3A, %div3A_10 : vector<1000x1xf32>
    %sub3A = vector.broadcast %div3A_11 : vector<1000x1xf32> to vector<1000x64xf32>
    %sub3A_12 = arith.subf %add3A_8, %sub3A : vector<1000x64xf32>
    %integer_pow3A = arith.mulf %sub3A_12, %sub3A_12 : vector<1000x64xf32>
    %reduce_sum3A_13 = arith.constant dense<0.000000e+00> : vector<1000xf32>
    %reduce_sum3A_14 = vector.multi_reduction <add>, %integer_pow3A, %reduce_sum3A_13 [1] : vector<1000x64xf32> to vector<1000xf32>
    %broadcast_in_dim3A_15 = vector.shape_cast %reduce_sum3A_14 : vector<1000xf32> to vector<1000x1xf32>
    %div3A_16 = arith.constant 6.400000e+01 : f32
    %div3A_17 = vector.broadcast %div3A_16 : f32 to vector<1000x1xf32>
    %div3A_18 = arith.divf %broadcast_in_dim3A_15, %div3A_17 : vector<1000x1xf32>
    %sub3A_19 = vector.broadcast %div3A_11 : vector<1000x1xf32> to vector<1000x64xf32>
    %sub3A_20 = arith.subf %add3A_8, %sub3A_19 : vector<1000x64xf32>
    %add3A_21 = arith.constant 9.99999974E-6 : f32
    %add3A_22 = vector.broadcast %add3A_21 : f32 to vector<1000x1xf32>
    %add3A_23 = arith.addf %div3A_18, %add3A_22 : vector<1000x1xf32>
    %sqrt3A = math.sqrt %add3A_23 : vector<1000x1xf32>
    %div3A_24 = vector.broadcast %sqrt3A : vector<1000x1xf32> to vector<1000x64xf32>
    %div3A_25 = arith.divf %sub3A_20, %div3A_24 : vector<1000x64xf32>
    %get3A_26 = arith.constant 0 : index
    %get3A_27 = arith.constant 0 : index
    %get3A_28 = vector.load %arg5[%get3A_26, %get3A_27] : memref<1x64xf32, #tpu.memory_space<vmem>>, vector<1x64xf32>
    %mul3A = vector.broadcast %get3A_28 : vector<1x64xf32> to vector<1000x64xf32>
    %mul3A_29 = arith.mulf %div3A_25, %mul3A : vector<1000x64xf32>
    %get3A_30 = arith.constant 0 : index
    %get3A_31 = arith.constant 0 : index
    %get3A_32 = vector.load %arg6[%get3A_30, %get3A_31] : memref<1x64xf32, #tpu.memory_space<vmem>>, vector<1x64xf32>
    %add3A_33 = vector.broadcast %get3A_32 : vector<1x64xf32> to vector<1000x64xf32>
    %add3A_34 = arith.addf %mul3A_29, %add3A_33 : vector<1000x64xf32>
    %max3A = arith.constant 0.000000e+00 : f32
    %max3A_35 = vector.broadcast %max3A : f32 to vector<1000x64xf32>
    %max3A_36 = arith.maximumf %add3A_34, %max3A_35 : vector<1000x64xf32>
    %get3A_37 = arith.constant 0 : index
    %get3A_38 = arith.constant 0 : index
    %get3A_39 = vector.load %arg4[%get3A_37, %get3A_38] : memref<1000x64xf32, #tpu.memory_space<vmem>>, vector<1000x64xf32>
    %add3A_40 = arith.addf %max3A_36, %get3A_39 : vector<1000x64xf32>
    %swap3A = arith.constant 0 : index
    %swap3A_41 = arith.constant 0 : index
    %swap3A_42 = vector.load %arg13[%swap3A, %swap3A_41] : memref<1000x64xf32, #tpu.memory_space<vmem>>, vector<1000x64xf32>
    tpu.vector_store %arg13[%swap3A, %swap3A_41], %add3A_40 {strides = array<i32>} : memref<1000x64xf32, #tpu.memory_space<vmem>>, vector<1000x64xf32>,
    %reduce_sum3A_43 = arith.constant dense<0.000000e+00> : vector<64xf32>
    %reduce_sum3A_44 = vector.multi_reduction <add>, %add3A_40, %reduce_sum3A_43 [0] : vector<1000x64xf32> to vector<64xf32>
    %broadcast_in_dim3A_45 = vector.shape_cast %reduce_sum3A_44 : vector<64xf32> to vector<1x64xf32>
    %mul3A_46 = arith.constant 9.99999974E-5 : f32
    %mul3A_47 = vector.broadcast %mul3A_46 : f32 to vector<1x64xf32>
    %mul3A_48 = arith.mulf %broadcast_in_dim3A_45, %mul3A_47 : vector<1x64xf32>
    %eq3A = arith.constant 0 : i32
    %eq3A_49 = arith.cmpi eq, %arg0, %eq3A : i32
    %convert_element_type3A = arith.extui %eq3A_49 : i1 to i32
    %cond3A = arith.constant 0 : i32
    %cond3A_50 = arith.cmpi ne, %convert_element_type3A, %cond3A : i32
    scf.if %cond3A_50 {
      %swap3A_118 = arith.constant 0 : index
      %swap3A_119 = arith.constant 0 : index
      %swap3A_120 = vector.load %arg16[%swap3A_118, %swap3A_119] : memref<1x64xf32, #tpu.memory_space<vmem>>, vector<1x64xf32>
      tpu.vector_store %arg16[%swap3A_118, %swap3A_119], %mul3A_48 {strides = array<i32>} : memref<1x64xf32, #tpu.memory_space<vmem>>, vector<1x64xf32>,
    } else {
    }
    %gt3A = arith.constant 0 : i32
    %gt3A_51 = arith.cmpi sgt, %arg0, %gt3A : i32
    %convert_element_type3A_52 = arith.extui %gt3A_51 : i1 to i32
    %cond3A_53 = arith.constant 0 : i32
    %cond3A_54 = arith.cmpi ne, %convert_element_type3A_52, %cond3A_53 : i32
    scf.if %cond3A_54 {
      %get3A_118 = arith.constant 0 : index
      %get3A_119 = arith.constant 0 : index
      %get3A_120 = vector.load %arg16[%get3A_118, %get3A_119] : memref<1x64xf32, #tpu.memory_space<vmem>>, vector<1x64xf32>
      %add3A_121 = arith.addf %get3A_120, %mul3A_48 : vector<1x64xf32>
      %swap3A_122 = arith.constant 0 : index
      %swap3A_123 = arith.constant 0 : index
      %swap3A_124 = vector.load %arg16[%swap3A_122, %swap3A_123] : memref<1x64xf32, #tpu.memory_space<vmem>>, vector<1x64xf32>
      tpu.vector_store %arg16[%swap3A_122, %swap3A_123], %add3A_121 {strides = array<i32>} : memref<1x64xf32, #tpu.memory_space<vmem>>, vector<1x64xf32>,
    } else {
    }
    %get3A_55 = arith.constant 0 : index
    %get3A_56 = arith.constant 0 : index
    %get3A_57 = vector.load %arg7[%get3A_55, %get3A_56] : memref<64x128xf32, #tpu.memory_space<vmem>>, vector<64x128xf32>
    %dot_general3A = arith.constant dense<0.000000e+00> : vector<1000x128xf32>
    %dot_general3A_58 = tpu.matmul %add3A_40, %get3A_57, %dot_general3A {dimension_numbers = #tpu.dot_dimension_numbers<[1], [0], [0], [1], [0, 0, 1, 1], [], []>, precision = #tpu.contract_precision<fp32>, transpose_lhs_hint = false} : vector<1000x64xf32>, vector<64x128xf32>, vector<1000x128xf32> -> vector<1000x128xf32>
    %get3A_59 = arith.constant 0 : index
    %get3A_60 = arith.constant 0 : index
    %get3A_61 = vector.load %arg8[%get3A_59, %get3A_60] : memref<1x128xf32, #tpu.memory_space<vmem>>, vector<1x128xf32>
    %add3A_62 = vector.broadcast %get3A_61 : vector<1x128xf32> to vector<1000x128xf32>
    %add3A_63 = arith.addf %dot_general3A_58, %add3A_62 : vector<1000x128xf32>
    %max3A_64 = arith.constant 0.000000e+00 : f32
    %max3A_65 = vector.broadcast %max3A_64 : f32 to vector<1000x128xf32>
    %max3A_66 = arith.maximumf %add3A_63, %max3A_65 : vector<1000x128xf32>
    %get3A_67 = arith.constant 0 : index
    %get3A_68 = arith.constant 0 : index
    %get3A_69 = vector.load %arg9[%get3A_67, %get3A_68] : memref<128x8xf32, #tpu.memory_space<vmem>>, vector<128x8xf32>
    %dot_general3A_70 = arith.constant dense<0.000000e+00> : vector<1000x8xf32>
    %dot_general3A_71 = tpu.matmul %max3A_66, %get3A_69, %dot_general3A_70 {dimension_numbers = #tpu.dot_dimension_numbers<[1], [0], [0], [1], [0, 0, 1, 1], [], []>, precision = #tpu.contract_precision<fp32>, transpose_lhs_hint = false} : vector<1000x128xf32>, vector<128x8xf32>, vector<1000x8xf32> -> vector<1000x8xf32>
    %get3A_72 = arith.constant 0 : index
    %get3A_73 = arith.constant 0 : index
    %get3A_74 = vector.load %arg10[%get3A_72, %get3A_73] : memref<1x8xf32, #tpu.memory_space<vmem>>, vector<1x8xf32>
    %add3A_75 = vector.broadcast %get3A_74 : vector<1x8xf32> to vector<1000x8xf32>
    %add3A_76 = arith.addf %dot_general3A_71, %add3A_75 : vector<1000x8xf32>
    %neg3A = arith.constant 0.000000e+00 : f32
    %neg3A_77 = vector.broadcast %neg3A : f32 to vector<1000x8xf32>
    %neg3A_78 = arith.subf %neg3A_77, %add3A_76 : vector<1000x8xf32>
    %exp3A = math.exp %neg3A_78 : vector<1000x8xf32>
    %add3A_79 = arith.constant 1.000000e+00 : f32
    %add3A_80 = vector.broadcast %add3A_79 : f32 to vector<1000x8xf32>
    %add3A_81 = arith.addf %add3A_80, %exp3A : vector<1000x8xf32>
    %div3A_82 = arith.constant 1.000000e+00 : f32
    %div3A_83 = vector.broadcast %div3A_82 : f32 to vector<1000x8xf32>
    %div3A_84 = arith.divf %div3A_83, %add3A_81 : vector<1000x8xf32>
    %iota3A = tpu.iota {dimensions = array<i32: 1>} : vector<1000x8xi32>
    %ge3A = arith.constant 3 : i32
    %ge3A_85 = vector.broadcast %ge3A : i32 to vector<1000x8xi32>
    %ge3A_86 = arith.cmpi sge, %iota3A, %ge3A_85 : vector<1000x8xi32>
    %jit3A = arith.constant 0xFF800000 : f32
    %broadcast_in_dim3A_87 = vector.broadcast %jit3A : f32 to vector<1000x8xf32>
    %select_n3A = arith.select %ge3A_86, %add3A_76, %broadcast_in_dim3A_87 : vector<1000x8xi1>, vector<1000x8xf32>
    %reduce_max3A = arith.constant dense<0xFF800000> : vector<1000xf32>
    %reduce_max3A_88 = vector.multi_reduction <maximumf>, %select_n3A, %reduce_max3A [1] : vector<1000x8xf32> to vector<1000xf32>
    %broadcast_in_dim3A_89 = vector.shape_cast %reduce_max3A_88 : vector<1000xf32> to vector<1000x1xf32>
    %sub3A_90 = vector.broadcast %broadcast_in_dim3A_89 : vector<1000x1xf32> to vector<1000x8xf32>
    %sub3A_91 = arith.subf %add3A_76, %sub3A_90 : vector<1000x8xf32>
    %exp3A_92 = math.exp %sub3A_91 : vector<1000x8xf32>
    %jit3A_93 = arith.constant 0.000000e+00 : f32
    %broadcast_in_dim3A_94 = vector.broadcast %jit3A_93 : f32 to vector<1000x8xf32>
    %select_n3A_95 = arith.select %ge3A_86, %exp3A_92, %broadcast_in_dim3A_94 : vector<1000x8xi1>, vector<1000x8xf32>
    %reduce_sum3A_96 = arith.constant dense<0.000000e+00> : vector<1000xf32>
    %reduce_sum3A_97 = vector.multi_reduction <add>, %select_n3A_95, %reduce_sum3A_96 [1] : vector<1000x8xf32> to vector<1000xf32>
    %broadcast_in_dim3A_98 = vector.shape_cast %reduce_sum3A_97 : vector<1000xf32> to vector<1000x1xf32>
    %div3A_99 = vector.broadcast %broadcast_in_dim3A_98 : vector<1000x1xf32> to vector<1000x8xf32>
    %div3A_100 = arith.divf %select_n3A_95, %div3A_99 : vector<1000x8xf32>
    %select_n3A_101 = arith.select %ge3A_86, %div3A_100, %div3A_84 : vector<1000x8xi1>, vector<1000x8xf32>
    %swap3A_102 = arith.constant 0 : index
    %swap3A_103 = arith.constant 0 : index
    %swap3A_104 = vector.load %arg14[%swap3A_102, %swap3A_103] : memref<1000x8xf32, #tpu.memory_space<vmem>>, vector<1000x8xf32>
    tpu.vector_store %arg14[%swap3A_102, %swap3A_103], %select_n3A_101 {strides = array<i32>} : memref<1000x8xf32, #tpu.memory_space<vmem>>, vector<1000x8xf32>,
    %get3A_105 = arith.constant 0 : index
    %get3A_106 = arith.constant 0 : index
    %get3A_107 = vector.load %arg11[%get3A_105, %get3A_106] : memref<64x32xf32, #tpu.memory_space<vmem>>, vector<64x32xf32>
    %dot_general3A_108 = arith.constant dense<0.000000e+00> : vector<1000x32xf32>
    %dot_general3A_109 = tpu.matmul %add3A_40, %get3A_107, %dot_general3A_108 {dimension_numbers = #tpu.dot_dimension_numbers<[1], [0], [0], [1], [0, 0, 1, 1], [], []>, precision = #tpu.contract_precision<fp32>, transpose_lhs_hint = false} : vector<1000x64xf32>, vector<64x32xf32>, vector<1000x32xf32> -> vector<1000x32xf32>
    %get3A_110 = arith.constant 0 : index
    %get3A_111 = arith.constant 0 : index
    %get3A_112 = vector.load %arg12[%get3A_110, %get3A_111] : memref<1x32xf32, #tpu.memory_space<vmem>>, vector<1x32xf32>
    %add3A_113 = vector.broadcast %get3A_112 : vector<1x32xf32> to vector<1000x32xf32>
    %add3A_114 = arith.addf %dot_general3A_109, %add3A_113 : vector<1000x32xf32>
    %swap3A_115 = arith.constant 0 : index
    %swap3A_116 = arith.constant 0 : index
    %swap3A_117 = vector.load %arg15[%swap3A_115, %swap3A_116] : memref<1000x32xf32, #tpu.memory_space<vmem>>, vector<1000x32xf32>
    tpu.vector_store %arg15[%swap3A_115, %swap3A_116], %add3A_114 {strides = array<i32>} : memref<1000x32xf32, #tpu.memory_space<vmem>>, vector<1000x32xf32>,
    return
  }
  func.func @transform_0(%arg0: i32) -> (i32, i32) {
    %c0_i32 = arith.constant 0 : i32
    %c0_i32_0 = arith.constant 0 : i32
    return %arg0, %c0_i32 : i32, i32
  }
  func.func @transform_1(%arg0: i32) -> (i32, i32) {
    %c0_i32 = arith.constant 0 : i32
    %c0_i32_0 = arith.constant 0 : i32
    return %arg0, %c0_i32 : i32, i32
  }
  func.func @transform_2(%arg0: i32) -> (i32, i32) {
    %c0_i32 = arith.constant 0 : i32
    %c0_i32_0 = arith.constant 0 : i32
    return %arg0, %c0_i32 : i32, i32
  }
  func.func @transform_3(%arg0: i32) -> (i32, i32) {
    %c0_i32 = arith.constant 0 : i32
    %c0_i32_0 = arith.constant 0 : i32
    return %arg0, %c0_i32 : i32, i32
  }
  func.func @transform_4(%arg0: i32) -> (i32, i32) {
    %c0_i32 = arith.constant 0 : i32
    %c0_i32_0 = arith.constant 0 : i32
    %c0_i32_1 = arith.constant 0 : i32
    return %c0_i32, %c0_i32_0 : i32, i32
  }
  func.func @transform_5(%arg0: i32) -> (i32, i32) {
    %c0_i32 = arith.constant 0 : i32
    %c0_i32_0 = arith.constant 0 : i32
    %c0_i32_1 = arith.constant 0 : i32
    return %c0_i32, %c0_i32_0 : i32, i32
  }
  func.func @transform_6(%arg0: i32) -> (i32, i32) {
    %c0_i32 = arith.constant 0 : i32
    %c0_i32_0 = arith.constant 0 : i32
    %c0_i32_1 = arith.constant 0 : i32
    return %c0_i32, %c0_i32_0 : i32, i32
  }
  func.func @transform_7(%arg0: i32) -> (i32, i32) {
    %c0_i32 = arith.constant 0 : i32
    %c0_i32_0 = arith.constant 0 : i32
    %c0_i32_1 = arith.constant 0 : i32
    return %c0_i32, %c0_i32_0 : i32, i32
  }
  func.func @transform_8(%arg0: i32) -> (i32, i32) {
    %c0_i32 = arith.constant 0 : i32
    %c0_i32_0 = arith.constant 0 : i32
    %c0_i32_1 = arith.constant 0 : i32
    return %c0_i32, %c0_i32_0 : i32, i32
  }
  func.func @transform_9(%arg0: i32) -> (i32, i32) {
    %c0_i32 = arith.constant 0 : i32
    %c0_i32_0 = arith.constant 0 : i32
    %c0_i32_1 = arith.constant 0 : i32
    return %c0_i32, %c0_i32_0 : i32, i32
  }
  func.func @transform_10(%arg0: i32) -> (i32, i32) {
    %c0_i32 = arith.constant 0 : i32
    %c0_i32_0 = arith.constant 0 : i32
    %c0_i32_1 = arith.constant 0 : i32
    return %c0_i32, %c0_i32_0 : i32, i32
  }
  func.func @transform_11(%arg0: i32) -> (i32, i32) {
    %c0_i32 = arith.constant 0 : i32
    %c0_i32_0 = arith.constant 0 : i32
    %c0_i32_1 = arith.constant 0 : i32
    return %c0_i32, %c0_i32_0 : i32, i32
  }
  func.func @transform_12(%arg0: i32) -> (i32, i32) {
    %c0_i32 = arith.constant 0 : i32
    %c0_i32_0 = arith.constant 0 : i32
    return %arg0, %c0_i32 : i32, i32
  }
  func.func @transform_13(%arg0: i32) -> (i32, i32) {
    %c0_i32 = arith.constant 0 : i32
    %c0_i32_0 = arith.constant 0 : i32
    return %arg0, %c0_i32 : i32, i32
  }
  func.func @transform_14(%arg0: i32) -> (i32, i32) {
    %c0_i32 = arith.constant 0 : i32
    %c0_i32_0 = arith.constant 0 : i32
    return %arg0, %c0_i32 : i32, i32
  }
  func.func @transform_15(%arg0: i32) -> (i32, i32) {
    %c0_i32 = arith.constant 0 : i32
    %c0_i32_0 = arith.constant 0 : i32
    %c0_i32_1 = arith.constant 0 : i32
    return %c0_i32, %c0_i32_0 : i32, i32
  }
}

</mosaic_0001>

<sc_bundles>
// kernel: kernel.11.cloned.1.call-start
scs
__scs_entry_jumppad:
0x0: {  	(pc) =	sbr.rel $0x88, $3  }
0x1: {  	(tag) =	ssettag $0x0;
	lr =	simm.s32 $0x1  }
0x2: {  	[smem:$0x3F72] =	sst lr;
	_ =	strace $0xD0000000  }
0x3: {  	_ = 	snop  }
0x4: {  	_ = 	snop  }
0x5: {  	_ = 	snop  }
0x6: {  	_ = 	snop  }
0x7: {  	_ = 	snop  }
__scs_overlays_trampoline_lowered:
0x8: {  	[smem:$0x3F81] =	sst s0  }
0x9: {  	[smem:$0x3F82] =	sst s1  }
0xa: {  	[smem:$0x3F83] =	sst s2  }
0xb: {  	[smem:$0x3F84] =	sst s3  }
0xc: {  	[smem:$0x3F85] =	sst s4  }
0xd: {  	[smem:$0x3F86] =	sst s5  }
0xe: {  	[smem:$0x3F87] =	sst s6  }
0xf: {  	[smem:$0x3F88] =	sst s7  }
0x10: {  	[smem:$0x3F89] =	sst s8  }
0x11: {  	[smem:$0x3F8A] =	sst s9;
	s0 =	simm.s32 @!p0 $0x0  }
0x12: {  	s1 =	sld [smem:$0x3F70];
	s0 =	simm.s32 @p0 $0x1  }
0x13: {  	[smem:$0x3F8B] =	sst s0;
	s0 =	simm.s32 @!p1 $0x0  }
0x14: {  	s2 =	sld [smem:$0x3F6F];
	s0 =	simm.s32 @p1 $0x1  }
0x15: {  	[smem:$0x3F8C] =	sst s0;
	s0 =	simm.s32 @!p2 $0x0  }
0x16: {  	s3 =	sld [smem:$0x3FDB];
	s0 =	simm.s32 @p2 $0x1  }
0x17: {  	s4 =	simm.s32 $0x1BF5;
	[smem:$0x3F8E] =	sst s0  }
0x18: {  	s0 =	sld [smem:$0x3F71];
	_ =	swait.ge [sflag:s4], $0x0  }
0x19: {  	s7 =	sld [smem:$0x3F72]  }
0x1a: {  	s8 =	sadd.s32 $0xFFFFE003, lr  }
0x1b: {  	s9 =	sadd.s32 $0xFFFFFEF7, lr;
	s5 =	simm.s32 $0xFFFFFFFF;
	p2 =	slt.u32 s8, $0xFFFFF086  }
0x1c: {  	p1 =	slt.u32 s9, $0xF7A;
	s5 =	simm.s32 @!p2 $0x0  }
0x1d: {  	s5 =	simm.s32 @p1 $0x1;
	p0 =	seq.s32 s7, s2  }
0x1e: {  	s7 =	smul.u32 @!p0 $0xF7A, s2;
	p2 =	seq.s32 @!p0 s5, $0x0  }
0x1f: {  	s9 =	smul.u32 $0xF7A, s1;
	s8 =	simm.s32 @!p0 $0x1BF5;
	p2 =	por !p2, p0  }
0x20: {  	[sflag:s8] =	ssyncset.s32 @!p0 $0xFFFFF086;
	s6 =	sadd.s32 @!p0 s3, s7;
	s7 =	simm.s32 @!p0 $0x108  }
0x21: {  	s3 =	sadd.s32 s3, s9;
	s6 =	sadd.s32 @!p0 $0x88, s6;
	s7 =	simm.s32 @p2 $0x1082  }
0x22: {  	[simem:s7], [sflag:s8] =	dma.local @!p0 [hbm:s6], $0xF7A  }
0x23: {  	s9 =	sor.u32 $0xD0000000, s2;
	s6 =	simm.s32 $0x108;
	_ =	swait.ge @!p0 [sflag:s8], $0x0  }
0x24: {  	s3 =	sadd.s32 $0x88, s3;
	s6 =	simm.s32 @!p1 $0x1082;
	[sflag:s4] =	ssyncset.s32 $0xFFFFF086  }
0x25: {  	[simem:s6], [sflag:s4] =	dma.local [hbm:s3], $0xF7A  }
0x26: {  	[smem:$0x3F72] =	sst s1;
	(tag) =	ssettag s2;
	_ =	strace s9  }
0x27: {  	s1 =	sld [smem:$0x3F82]  }
0x28: {  	s2 =	sld [smem:$0x3F83]  }
0x29: {  	s4 =	sld [smem:$0x3F85]  }
0x2a: {  	p0 =	seq.s32 s5, $0x0;
	s5 =	sld [smem:$0x3F86]  }
0x2b: {  	s6 =	sld [smem:$0x3F87]  }
0x2c: {  	s7 =	sld [smem:$0x3F88]  }
0x2d: {  	s3 =	simm.s32 $0x108;
	s8 =	sld [smem:$0x3F89]  }
0x2e: {  	s3 =	simm.s32 @!p0 $0x1082;
	s9 =	sld [smem:$0x3F8A]  }
0x2f: {  	lr =	sadd.s32 s0, s3;
	s0 =	sld [smem:$0x3F81]  }
0x30: {  	s3 =	sld [smem:$0x3F84]  }
0x31: {  	[smem:$0x3F8D] =	sst s10  }
0x32: {  	s10 =	sld [smem:$0x3F8B];
	_ =	sdelay $0x3  }
0x33: {  	p0 =	seq.s32 s10, $0x1;
	s10 =	sld [smem:$0x3F8D];
	_ =	sdelay $0x3  }
0x34: {  	[smem:$0x3F8D] =	sst s10  }
0x35: {  	s10 =	sld [smem:$0x3F8C];
	_ =	sdelay $0x3  }
0x36: {  	p1 =	seq.s32 s10, $0x1;
	s10 =	sld [smem:$0x3F8D];
	_ =	sdelay $0x3  }
0x37: {  	[smem:$0x3F8D] =	sst s10  }
0x38: {  	s10 =	sld [smem:$0x3F8E]  }
0x39: {  	_ = 	snop;
	(pc) =	sbr.ind lr, $3  }
0x3a: {  	_ = 	snop  }
0x3b: {  	_ = 	snop  }
0x3c: {  	p2 =	seq.s32 s10, $0x1;
	s10 =	sld [smem:$0x3F8D]  }
0x3d: {  	_ =	shalt  }
0x3e: {  	_ =	shalt  }
0x3f: {  	_ =	shalt  }
0x40: {  	_ =	shalt  }
0x41: {  	_ =	shalt  }
0x42: {  	_ =	shalt  }
0x43: {  	_ =	shalt  }
0x44: {  	_ =	shalt  }
0x45: {  	_ =	shalt  }
0x46: {  	_ =	shalt  }
0x47: {  	_ =	shalt  }
0x48: {  	_ =	shalt  }
0x49: {  	_ =	shalt  }
0x4a: {  	_ =	shalt  }
0x4b: {  	_ =	shalt  }
0x4c: {  	_ =	shalt  }
0x4d: {  	_ =	shalt  }
0x4e: {  	_ =	shalt  }
0x4f: {  	_ =	shalt  }
0x50: {  	_ =	shalt  }
0x51: {  	_ =	shalt  }
0x52: {  	_ =	shalt  }
0x53: {  	_ =	shalt  }
0x54: {  	_ =	shalt  }
0x55: {  	_ =	shalt  }
0x56: {  	_ =	shalt  }
0x57: {  	_ =	shalt  }
0x58: {  	_ =	shalt  }
0x59: {  	_ =	shalt  }
0x5a: {  	_ =	shalt  }
0x5b: {  	_ =	shalt  }
0x5c: {  	_ =	shalt  }
0x5d: {  	_ =	shalt  }
0x5e: {  	_ =	shalt  }
0x5f: {  	_ =	shalt  }
0x60: {  	_ =	shalt  }
0x61: {  	_ =	shalt  }
0x62: {  	_ =	shalt  }
0x63: {  	_ =	shalt  }
0x64: {  	_ =	shalt  }
0x65: {  	_ =	shalt  }
0x66: {  	_ =	shalt  }
0x67: {  	_ =	shalt  }
0x68: {  	_ =	shalt  }
0x69: {  	_ =	shalt  }
0x6a: {  	_ =	shalt  }
0x6b: {  	_ =	shalt  }
0x6c: {  	_ =	shalt  }
0x6d: {  	_ =	shalt  }
0x6e: {  	_ =	shalt  }
0x6f: {  	_ =	shalt  }
0x70: {  	_ =	shalt  }
0x71: {  	_ =	shalt  }
0x72: {  	_ =	shalt  }
0x73: {  	_ =	shalt  }
0x74: {  	_ =	shalt  }
0x75: {  	_ =	shalt  }
0x76: {  	_ =	shalt  }
0x77: {  	_ =	shalt  }
0x78: {  	_ =	shalt  }
0x79: {  	_ =	shalt  }
0x7a: {  	_ =	shalt  }
0x7b: {  	_ =	shalt  }
0x7c: {  	_ =	shalt  }
0x7d: {  	_ =	shalt  }
0x7e: {  	_ =	shalt  }
0x7f: {  	_ =	shalt  }
0x80: {  	_ =	shalt  }
0x81: {  	_ =	shalt  }
0x82: {  	_ =	shalt  }
0x83: {  	_ =	shalt  }
0x84: {  	_ =	shalt  }
0x85: {  	_ =	shalt  }
0x86: {  	_ =	shalt  }
0x87: {  	_ =	shalt  }
.Lfunc_end0:
.L_simem_size_0:
called_computation_lowered:
.L_overlay_start_0:
0x88: {  	s2 =	sld [smem:$0x3FD9]  }
0x89: {  	s3 =	sld [smem:$0x3FFE];
	_ =	sdelay $0x1  }
0x8a: {  	s1 =	srdreg.scid  }
0x8b: {  	s0 =	sand.u32 $0x1, s1  }
0x8c: {  	s14 =	sshll.u32 s0, $0xA;
	s2 =	sadd.s32 s3, s2  }
0x8d: {  	s2 =	sadd.s32 s2, s14  }
0x8e: {  	[smem:$0x3F99] =	sst s2  }
0x8f: {  	_ = 	snop  }
0x90: {  	s2 =	sld [smem:$0x3FD0];
	_ =	sdelay $0x2  }
0x91: {  	s15 =	simm.s32 $0xA;
	s4 =	simm.s32 $0x10  }
0x92: {  	[smem:s4], [sflag:s15] =	dma.local [hbm:s2], $0x1  }
0x93: {  	_ =	swait.eq [sflag:s15], $0x1  }
0x94: {  	s16 =	sld [smem:$0x13];
	[sflag:s15] =	ssyncset.done $0x0  }
0x95: {  	s17 =	sld [smem:$0x15];
	[sflag:s15] =	ssyncadd.s32 $0xFFFFFFFF  }
0x96: {  	s18 =	sld [smem:$0x16];
	(tm) =	ssettm $0x1  }
0x97: {  	s5 =	sld [smem:$0x3FFB];
	_ =	sdelay $0x3  }
0x98: {  	_ =	strace s5  }
0x99: {  	s5 =	sld [smem:$0x3FFC];
	_ =	sdelay $0x3  }
0x9a: {  	_ =	strace s5  }
0x9b: {  	s5 =	sld [smem:$0x3FFD];
	_ =	sdelay $0x3  }
0x9c: {  	_ =	strace s5  }
0x9d: {  	_ =	strace $0x8FFFFFFF  }
0x9e: {  	s19 =	sld [smem:$0x3FDB];
	_ =	sdelay $0x1  }
0x9f: {  	s6 =	simm.s32 $_scs_section_size  }
0xa0: {  	s7 =	simm.s32 $_size__tile_overlayer_lowered;
	s8 =	simm.s32 $_tile_overlayer_lowered  }
0xa1: {  	s22 =	simm.s32 $0x1BFF;
	s21 =	sshll.u32 s8, $0x1;
	s5 =	sadd.s32 s6, s19  }
0xa2: {  	s9 =	simm.s32 $0x0;
	s20 =	sshll.u32 s7, $0x1;
	s7 =	sadd.s32 s21, s5  }
0xa3: {  	[timem:s9], [sflag:s22] =	dma.local [hbm:s7], s20  }
0xa4: {  	_ =	swait.ge [sflag:s22], s20  }
0xa5: {  	s6 =	ssub.s32 $0x0, s20;
	[sflag:s22] =	ssyncset.done $0x0  }
0xa6: {  	[sflag:s22] =	ssyncadd.s32 s6;
	_ =	sdelay $0x1  }
0xa7: {  	s23 =	simm.s32 $0x1B8B  }
0xa8: {  	_ =	swait.ge [sflag:s23], $0x1  }
0xa9: {  	[sflag:s23] =	ssyncset.done $0x0  }
0xaa: {  	s25 =	simm.s32 $0x1B8E;
	s24 =	sld [smem:$0x3FFE];
	[sflag:s23] =	ssyncadd.s32 $0xFFFFFFFF  }
0xab: {  	s26 =	simm.s32 $execute0_lowered;
	[smem:$0x3FD2] =	sst s25  }
0xac: {  	s7 =	sshll.u32 s26, $0x1;
	_ =	strace $0x80000046;
	[dreg:$0x1] =	wrdreg $0xFFFFFFFF  }
0xad: {  	s28 =	simm.s32 $_size_execute0_lowered;
	s5 =	sadd.s32 s5, s7;
	[dreg:$0x0] =	wrdreg $0x0  }
0xae: {  	s7 =	sshll.u32 s28, $0x1;
	[dreg:$0x2] =	wrdreg s5  }
0xaf: {  	[dreg:$0x3] =	wrdreg s7  }
0xb0: {  	[dreg:$0x4] =	wrdreg $0xC0  }
0xb1: {  	_ =	task [dreg:s9], $0x5FFFF  }
0xb2: {  	[dreg:$0x1] =	wrdreg $0xFFFFFFFF  }
0xb3: {  	[dreg:$0x0] =	wrdreg $0x60  }
0xb4: {  	[dreg:$0x2] =	wrdreg s24  }
0xb5: {  	[dreg:$0x3] =	wrdreg s18  }
0xb6: {  	[dreg:$0x4] =	wrdreg s16  }
0xb7: {  	[dreg:$0x5] =	wrdreg s17  }
0xb8: {  	[dreg:$0x6] =	wrdreg $0xAE000  }
0xb9: {  	[dreg:$0x7] =	wrdreg $0x9  }
0xba: {  	_ =	task.clear_ibuf [dreg:s9], $0x8FFFF;
	_ =	strace $0x90000046  }
0xbb: {  	s29 =	simm.s32 $0x9;
	_ =	strace $0x80000048  }
0xbc: {  	_ =	swait.ge [sflag:s29], $0x1  }
0xbd: {  	[sflag:s29] =	ssyncadd.s32 $0xFFFFFFFF  }
0xbe: {  	_ =	strace $0x90000048  }
0xbf: {  	_ =	sfence  }
0xc0: {  	s30 =	sld [smem:$0x0];
	_ =	sdelay $0x2  }
0xc1: {  	s31 =	sshll.u32 s1, $0xD;
	s1 =	sshrl.u32 s1, $0x2  }
0xc2: {  	s3 =	sand.u32 $0x4000, s31;
	s1 =	sadd.s32 s1, s30  }
0xc3: {  	s0 =	sor.u32 s3, s0;
	s1 =	sshll.u32 s1, $0x11  }
0xc4: {  	s0 =	sor.u32 s1, s0  }
0xc5: {  	s0 =	sadd.s32 $0x8F2B, s0  }
0xc6: {  	[sflag:s0] =	ssyncadd.remote.s32 $0x1  }
0xc7: {  	_ =	sfence.sel $0xFFFF  }
0xc8: {  	[dreg:$0x0] =	wrdreg $0xFFFFFFFF;
	(pc) =	sbr.abs _section_cstart, $3  }
0xc9: {  	[dreg:$0x1] =	wrdreg $0xFFFFFFFF  }
0xca: {  	_ =	task.clear_ibuf [dreg:s9], $0x2FFFF;
	_ =	strace $0x9FFFFFFF  }
0xcb: {  	(tm) =	ssettm $0x7FFFFFFF  }
tec
execute0_lowered:
.L_overlay_start_1:
0x0: {  	(tag) =	ssettag $0x1  }
0x1: {  	s0 =	rddreg [dreg:$0x0]  }
0x2: {  	s1 =	rddreg [dreg:$0x2]  }
0x3: {  	s4 =	rddreg [dreg:$0x4]  }
0x4: {  	s2 =	srdreg.scid;
	s3 =	stileid.u32  }
0x5: {  	s5 =	simm.s32 $0x0;
	s17 =	simm.s32 $0x3;
	s28 =	simm.s32 $0x280  }
0x6: {  	s29 =	simm.s32 $0x0;
	s2 =	sand.u32 $0x1, s2;
	s7 =	smul.u32 $0x2800, s3  }
0x7: {  	[smem:$0x7FF] =	sst s5;
	s6 =	sadd.s32 $0x2DC00, s0;
	s9 =	smul.u32 $0x50000, s3  }
0x8: {  	s15 =	sadd.s32 $0x6A00, s0;
	s22 =	sshll.u32 s3, $0x6;
	s8 =	smul.u32 $0x28000, s2  }
0x9: {  	_ =	strace $0x80000047;
	s19 =	ssub.s32 $0x2, s2;
	s2 =	sshll.u32 s2, $0x4  }
0xa: {  	s20 =	sshrl.u32 s19, $0x1;
	s2 =	sor.u32 s3, s2;
	s21 =	sshrl.u32 s9, $0x2  }
0xb: {  	s13 =	sadd.s32 s7, s8;
	s11 =	ssub.s32 s19, s20;
	s10 =	smul.u32 $0x2800, s2  }
0xc: {  	s2 =	smul.u32 $0xA00, s2;
	s16 =	sadd.s32 s21, s4;
	s7 =	sor.u32 $0x1C03, s22  }
0xd: {  	s20 =	simm.s32 $0x80;
	s21 =	simm.s32 $0x600;
	s22 =	simm.s32 $0x200  }
0xe: {  	s0 =	sadd.s32 s13, s0;
	s11 =	smax.u32 s11, $0x1;
	s30 =	sor.u32 $0x100, s13  }
0xf: {  	s16 =	sshrl.u32 s16, $0x3;
	s23 =	sshrl.u32 s10, $0x3;
	s8 =	sadd.s32 s15, s2  }
0x10: {  	s24 =	sor.u32 $0x80, s10;
	s10 =	sadd.s32 $0x7CE00, s0;
	s31 =	sshrl.u32 s30, $0x3  }
0x11: {  	s2 =	sshrl.u32 s30, $0x2;
	s9 =	sadd.s32 s1, s23;
	s25 =	sshrl.u32 s24, $0x2  }
0x12: {  	s26 =	sshrl.u32 s24, $0x3;
	s14 =	sadd.s32 s31, s1;
	s23 =	simm.s32 $0x480  }
0x13: {  	s24 =	simm.s32 $0x4600;
	s12 =	sadd.s32 s15, s25;
	s13 =	sadd.s32 s1, s26  }
0x14: {  	s15 =	sadd.s32 s2, s15;
	s25 =	simm.s32 $0x2;
	s26 =	simm.s32 $0x1  }
.LBB2_1:
0x15: {  	s0 =	rddreg [dreg:$0x3]  }
0x16: {  	[spmem:s16], [sflag:s7] =	dma.local [hbm:s0], $0x2800  }
0x17: {  	_ =	swait.ge [sflag:s17], $0x2800  }
0x18: {  	[sflag:s17] =	ssyncset.done $0x0  }
0x19: {  	[sflag:s17] =	ssyncadd.s32 $0xFFFFD800  }
0x1a: {  	s1 =	simm.s32 $0x8600;
	s3 =	rddreg [dreg:$0x1]  }
0x1b: {  	[tilespmem:s1], [sflag:$0x3] =	stream.linear.gather [hbm4b:s3+s5], $0x2800, $0x38;
	[tilespmem:$0x1EE00] =	vst v63  }
0x1c: {  	_ =	swait.ge [sflag:s17], $0x2800  }
0x1d: {  	[sflag:s17] =	ssyncset.done $0x0  }
0x1e: {  	[sflag:s17] =	ssyncadd.s32 $0xFFFFD800  }
0x1f: {  	[bflag:$0x0] =	sbarrier.arrive $0xFFFF  }
0x20: {  	[tilespmem:s5], [sflag:$0x3] =	stream.linear.gather [hbm4b:s8+s5], $0x100, $0x38;
	[tilespmem:$0x1EE00] =	vst v63  }
0x21: {  	_ =	swait.ge [sflag:s17], $0x100  }
0x22: {  	[sflag:s17] =	ssyncset.done $0x0  }
0x23: {  	s18 =	simm.s32 $0x400;
	[sflag:s17] =	ssyncadd.s32 $0xFFFFFF00  }
0x24: {  	[tilespmem:s18], [sflag:$0x3] =	stream.linear.gather [hbm4b:s9+s5], $0x80, $0x38;
	[tilespmem:$0x1EE00] =	vst v63  }
0x25: {  	_ =	swait.ge [sflag:s17], $0x80  }
0x26: {  	[sflag:s17] =	ssyncset.done $0x0  }
0x27: {  	[sflag:s17] =	ssyncadd.s32 $0xFFFFFF80  }
0x28: {  	[tilespmem:s21], [sflag:$0x1] =	stream.indirect.gather [hbm4b:s6+s20], $0x80, s5, s20, $0xb8;
	[tilespmem:$0x1EE00] =	vst v63  }
0x29: {  	_ = 	snop  }
0x2a: {  	[tilespmem:s22], [sflag:$0x3] =	stream.linear.gather [hbm4b:s12+s5], $0x100, $0x38;
	[tilespmem:$0x1EE00] =	vst v63  }
0x2b: {  	_ =	swait.ge [sflag:s17], $0x100  }
0x2c: {  	[sflag:s17] =	ssyncset.done $0x0  }
0x2d: {  	[sflag:s17] =	ssyncadd.s32 $0xFFFFFF00  }
0x2e: {  	[tilespmem:s23], [sflag:$0x3] =	stream.linear.gather [hbm4b:s13+s5], $0x80, $0x38;
	[tilespmem:$0x1EE00] =	vst v63  }
0x2f: {  	_ =	swait.ge [sflag:s17], $0x80  }
0x30: {  	[sflag:s17] =	ssyncset.done $0x0  }
0x31: {  	[sflag:s17] =	ssyncadd.s32 $0xFFFFFF80  }
0x32: {  	[tilespmem:s24], [sflag:$0x1] =	stream.indirect.gather [hbm4b:s6+s20], $0x80, s22, s20, $0xb8;
	[tilespmem:$0x1EE00] =	vst v63  }
0x33: {  	_ =	swait.ge [sflag:s26], $0x4000  }
0x34: {  	[sflag:s26] =	ssyncset.done $0x0  }
0x35: {  	[sflag:s26] =	ssyncadd.s32 $0xFFFFC000  }
0x36: {  	[spmem:s4] =	stream.indirect.scatter.add.f32 [tilespmem:s21], [sflag:$0x2], $0x80, s20, s20, $0xb8;
	[tilespmem:$0x1EE00] =	vst v63  }
0x37: {  	s19 =	sand.u32 $0x1, s26;
	_ =	swait.ge [sflag:s25], $0x4000  }
0x38: {  	s18 =	sxor.u32 $0x1, s19;
	[sflag:s25] =	ssyncset.done $0x0  }
0x39: {  	s2 =	sshll.u32 s18, $0x9;
	[sflag:s25] =	ssyncadd.s32 $0xFFFFC000  }
0x3a: {  	[tilespmem:s2], [sflag:$0x3] =	stream.linear.gather [hbm4b:s15+s5], $0x100, $0x38;
	[tilespmem:$0x1EE00] =	vst v63  }
0x3b: {  	_ =	swait.ge [sflag:s17], $0x100  }
0x3c: {  	s30 =	sshll.u32 s18, $0x7;
	[sflag:s17] =	ssyncset.done $0x0  }
0x3d: {  	s30 =	sor.u32 $0x400, s30;
	[sflag:s17] =	ssyncadd.s32 $0xFFFFFF00  }
0x3e: {  	[tilespmem:s30], [sflag:$0x3] =	stream.linear.gather [hbm4b:s14+s5], $0x80, $0x38;
	[tilespmem:$0x1EE00] =	vst v63  }
0x3f: {  	_ =	swait.ge [sflag:s17], $0x80  }
0x40: {  	s1 =	sshll.u32 s18, $0xE;
	[sflag:s17] =	ssyncset.done $0x0  }
0x41: {  	s31 =	sadd.s32 $0x10, s14;
	s1 =	sor.u32 $0x600, s1;
	[sflag:s17] =	ssyncadd.s32 $0xFFFFFF80  }
0x42: {  	[tilespmem:s1], [sflag:$0x1] =	stream.indirect.gather [hbm4b:s6+s20], $0x80, s2, s20, $0xb8;
	[tilespmem:$0x1EE00] =	vst v63  }
0x43: {  	s0 =	sadd.s32 $0x20, s15;
	s3 =	sshll.u32 s19, $0xE;
	_ =	swait.ge [sflag:s26], $0x4000  }
0x44: {  	s19 =	sshll.u32 s19, $0x9;
	s30 =	simm.s32 $0x2;
	[sflag:s26] =	ssyncset.done $0x0  }
0x45: {  	s2 =	sor.u32 $0x600, s3;
	s1 =	sor.u32 $0x80, s19;
	[sflag:s26] =	ssyncadd.s32 $0xFFFFC000  }
.LBB2_2:
0x46: {  	[spmem:s4] =	stream.indirect.scatter.add.f32 [tilespmem:s2], [sflag:$0x2], $0x80, s1, s20, $0xb8;
	[tilespmem:$0x1EE00] =	vst v63  }
0x47: {  	s1 =	sand.u32 $0x1, s30;
	p0 =	sne.s32 s30, $0x4E;
	_ =	swait.ge [sflag:s25], $0x4000  }
0x48: {  	s2 =	sxor.u32 $0x1, s1;
	s3 =	sshll.u32 s1, $0xE;
	[sflag:s25] =	ssyncset.done $0x0  }
0x49: {  	s18 =	sshll.u32 s2, $0x9;
	s19 =	sshll.u32 s2, $0x7;
	[sflag:s25] =	ssyncadd.s32 $0xFFFFC000  }
0x4a: {  	[tilespmem:s18], [sflag:$0x3] =	stream.linear.gather [hbm4b:s0+s5], $0x100, $0x38;
	[tilespmem:$0x1EE00] =	vst v63  }
0x4b: {  	s1 =	sshll.u32 s1, $0x9;
	s2 =	sshll.u32 s2, $0xE;
	_ =	swait.ge [sflag:s17], $0x100  }
0x4c: {  	s30 =	sadd.s32 $0x1, s30;
	[sflag:s17] =	ssyncset.done $0x0  }
0x4d: {  	s19 =	sor.u32 $0x400, s19;
	[sflag:s17] =	ssyncadd.s32 $0xFFFFFF00  }
0x4e: {  	[tilespmem:s19], [sflag:$0x3] =	stream.linear.gather [hbm4b:s31+s5], $0x80, $0x38;
	[tilespmem:$0x1EE00] =	vst v63  }
0x4f: {  	_ =	swait.ge [sflag:s17], $0x80  }
0x50: {  	[sflag:s17] =	ssyncset.done $0x0  }
.Ltmp0:
0x51: {  	s2 =	sor.u32 $0x600, s2;
	[sflag:s17] =	ssyncadd.s32 $0xFFFFFF80;
	(pc) =	sbr.rel @p0 .LBB2_2-.Ltmp0, $4  }
0x52: {  	[tilespmem:s2], [sflag:$0x1] =	stream.indirect.gather [hbm4b:s6+s20], $0x80, s18, s20, $0xb8;
	[tilespmem:$0x1EE00] =	vst v63  }
0x53: {  	_ =	swait.ge [sflag:s26], $0x4000  }
0x54: {  	s0 =	sadd.s32 $0x20, s0;
	s31 =	sadd.s32 $0x10, s31;
	[sflag:s26] =	ssyncset.done $0x0  }
0x55: {  	s1 =	sor.u32 $0x80, s1;
	s2 =	sor.u32 $0x600, s3;
	[sflag:s26] =	ssyncadd.s32 $0xFFFFC000  }
0x56: {  	[spmem:s4] =	stream.indirect.scatter.add.f32 [tilespmem:s2], [sflag:$0x2], $0x80, s1, s20, $0xb8;
	[tilespmem:$0x1EE00] =	vst v63  }
0x57: {  	_ =	swait.ge [sflag:s25], $0x4000  }
0x58: {  	[sflag:s25] =	ssyncset.done $0x0  }
0x59: {  	[sflag:s25] =	ssyncadd.s32 $0xFFFFC000  }
0x5a: {  	_ =	swait.ge [sflag:s26], $0x4000  }
0x5b: {  	[sflag:s26] =	ssyncset.done $0x0  }
0x5c: {  	[sflag:s26] =	ssyncadd.s32 $0xFFFFC000  }
0x5d: {  	[spmem:s4] =	stream.indirect.scatter.add.f32 [tilespmem:s24], [sflag:$0x2], $0x80, s28, s20, $0xb8;
	[tilespmem:$0x1EE00] =	vst v63  }
0x5e: {  	_ =	swait.ge [sflag:s25], $0x4000  }
0x5f: {  	s29 =	sadd.s32 $0x1, s29;
	[sflag:s25] =	ssyncset.done $0x0  }
0x60: {  	p0 =	sne.s32 s29, s11;
	[sflag:s25] =	ssyncadd.s32 $0xFFFFC000  }
.Ltmp1:
0x61: {  	[bflag:$0x0] =	sbarrier.arrive $0xFFFF;
	(pc) =	sbr.rel @p0 .LBB2_1-.Ltmp1, $4  }
0x62: {  	[hbm:s10], [sflag:s7] =	dma.local [spmem:s16], $0x2800  }
0x63: {  	_ =	swait.ge [sflag:s17], $0x2800  }
0x64: {  	[sflag:s17] =	ssyncset.done $0x0  }
0x65: {  	[sflag:s17] =	ssyncadd.s32 $0xFFFFD800  }
0x66: {  	_ =	sfence.sel $0x180000  }
0x67: {  	[bflag:$0x0] =	sbarrier.arrive $0xFFFF  }
0x68: {  	_ =	strace $0x90000047  }
0x69: {  	s0 =	stileid.u32;
	[bflag:$0x2] =	sbarrier.arrive $0xFFFF  }
0x6a: {  	p0 =	sne.s32 s0, $0x0;
	s0 =	rddreg [dreg:$0x5]  }
0x6b: {  	s0 =	sadd.s32 @!p0 $0x100000, s0  }
0x6c: {  	[sflag:s0] =	ssyncadd.tile.s32 @!p0 $0x1;
	_ =	shalt  }
.Lfunc_end2:
_tile_overlayer_lowered:
.L_overlay_start_2:
0x6d: {  	(tag) =	ssettag $0x2  }
0x6e: {  	s0 =	rddreg [dreg:$0x0];
	s2 =	stileid.u32  }
0x6f: {  	s1 =	rddreg [dreg:$0x1];
	p0 =	sne.s32 s2, $0x0  }
0x70: {  	s3 =	rddreg [dreg:$0x2];
	[bflag:$0x3] =	sbarrier.arrive $0xFFFF;
	s2 =	simm.s32 @!p0 $0x1C03  }
0x71: {  	[timem:s3], [sflag:s2] =	dma.local @!p0 [hbm:s0], s1  }
0x72: {  	s0 =	simm.s32 @!p0 $0x3  }
0x73: {  	_ =	swait.ge @!p0 [sflag:s0], s1  }
0x74: {  	s1 =	ssub.s32 @!p0 $0x0, s1;
	[sflag:s0] =	ssyncset.done @!p0 $0x0  }
0x75: {  	[sflag:s0] =	ssyncadd.s32 @!p0 s1  }
0x76: {  	[bflag:$0x3] =	sbarrier.arrive $0xFFFF  }
0x77: {  	_ =	shalt  }

// kernel: kernel.14.cloned.1.call-start
scs
__scs_entry_jumppad:
0x0: {  	(pc) =	sbr.rel $0x88, $3  }
0x1: {  	(tag) =	ssettag $0x0;
	lr =	simm.s32 $0x1  }
0x2: {  	[smem:$0x3F72] =	sst lr;
	_ =	strace $0xD0000000  }
0x3: {  	_ = 	snop  }
0x4: {  	_ = 	snop  }
0x5: {  	_ = 	snop  }
0x6: {  	_ = 	snop  }
0x7: {  	_ = 	snop  }
__scs_overlays_trampoline_lowered:
0x8: {  	[smem:$0x3F81] =	sst s0  }
0x9: {  	[smem:$0x3F82] =	sst s1  }
0xa: {  	[smem:$0x3F83] =	sst s2  }
0xb: {  	[smem:$0x3F84] =	sst s3  }
0xc: {  	[smem:$0x3F85] =	sst s4  }
0xd: {  	[smem:$0x3F86] =	sst s5  }
0xe: {  	[smem:$0x3F87] =	sst s6  }
0xf: {  	[smem:$0x3F88] =	sst s7  }
0x10: {  	[smem:$0x3F89] =	sst s8  }
0x11: {  	[smem:$0x3F8A] =	sst s9;
	s0 =	simm.s32 @!p0 $0x0  }
0x12: {  	s1 =	sld [smem:$0x3F70];
	s0 =	simm.s32 @p0 $0x1  }
0x13: {  	[smem:$0x3F8B] =	sst s0;
	s0 =	simm.s32 @!p1 $0x0  }
0x14: {  	s2 =	sld [smem:$0x3F6F];
	s0 =	simm.s32 @p1 $0x1  }
0x15: {  	[smem:$0x3F8C] =	sst s0;
	s0 =	simm.s32 @!p2 $0x0  }
0x16: {  	s3 =	sld [smem:$0x3FDB];
	s0 =	simm.s32 @p2 $0x1  }
0x17: {  	s4 =	simm.s32 $0x1BF5;
	[smem:$0x3F8E] =	sst s0  }
0x18: {  	s0 =	sld [smem:$0x3F71];
	_ =	swait.ge [sflag:s4], $0x0  }
0x19: {  	s7 =	sld [smem:$0x3F72]  }
0x1a: {  	s8 =	sadd.s32 $0xFFFFE003, lr  }
0x1b: {  	s9 =	sadd.s32 $0xFFFFFEF7, lr;
	s5 =	simm.s32 $0xFFFFFFFF;
	p2 =	slt.u32 s8, $0xFFFFF086  }
0x1c: {  	p1 =	slt.u32 s9, $0xF7A;
	s5 =	simm.s32 @!p2 $0x0  }
0x1d: {  	s5 =	simm.s32 @p1 $0x1;
	p0 =	seq.s32 s7, s2  }
0x1e: {  	s7 =	smul.u32 @!p0 $0xF7A, s2;
	p2 =	seq.s32 @!p0 s5, $0x0  }
0x1f: {  	s9 =	smul.u32 $0xF7A, s1;
	s8 =	simm.s32 @!p0 $0x1BF5;
	p2 =	por !p2, p0  }
0x20: {  	[sflag:s8] =	ssyncset.s32 @!p0 $0xFFFFF086;
	s6 =	sadd.s32 @!p0 s3, s7;
	s7 =	simm.s32 @!p0 $0x108  }
0x21: {  	s3 =	sadd.s32 s3, s9;
	s6 =	sadd.s32 @!p0 $0x88, s6;
	s7 =	simm.s32 @p2 $0x1082  }
0x22: {  	[simem:s7], [sflag:s8] =	dma.local @!p0 [hbm:s6], $0xF7A  }
0x23: {  	s9 =	sor.u32 $0xD0000000, s2;
	s6 =	simm.s32 $0x108;
	_ =	swait.ge @!p0 [sflag:s8], $0x0  }
0x24: {  	s3 =	sadd.s32 $0x88, s3;
	s6 =	simm.s32 @!p1 $0x1082;
	[sflag:s4] =	ssyncset.s32 $0xFFFFF086  }
0x25: {  	[simem:s6], [sflag:s4] =	dma.local [hbm:s3], $0xF7A  }
0x26: {  	[smem:$0x3F72] =	sst s1;
	(tag) =	ssettag s2;
	_ =	strace s9  }
0x27: {  	s1 =	sld [smem:$0x3F82]  }
0x28: {  	s2 =	sld [smem:$0x3F83]  }
0x29: {  	s4 =	sld [smem:$0x3F85]  }
0x2a: {  	p0 =	seq.s32 s5, $0x0;
	s5 =	sld [smem:$0x3F86]  }
0x2b: {  	s6 =	sld [smem:$0x3F87]  }
0x2c: {  	s7 =	sld [smem:$0x3F88]  }
0x2d: {  	s3 =	simm.s32 $0x108;
	s8 =	sld [smem:$0x3F89]  }
0x2e: {  	s3 =	simm.s32 @!p0 $0x1082;
	s9 =	sld [smem:$0x3F8A]  }
0x2f: {  	lr =	sadd.s32 s0, s3;
	s0 =	sld [smem:$0x3F81]  }
0x30: {  	s3 =	sld [smem:$0x3F84]  }
0x31: {  	[smem:$0x3F8D] =	sst s10  }
0x32: {  	s10 =	sld [smem:$0x3F8B];
	_ =	sdelay $0x3  }
0x33: {  	p0 =	seq.s32 s10, $0x1;
	s10 =	sld [smem:$0x3F8D];
	_ =	sdelay $0x3  }
0x34: {  	[smem:$0x3F8D] =	sst s10  }
0x35: {  	s10 =	sld [smem:$0x3F8C];
	_ =	sdelay $0x3  }
0x36: {  	p1 =	seq.s32 s10, $0x1;
	s10 =	sld [smem:$0x3F8D];
	_ =	sdelay $0x3  }
0x37: {  	[smem:$0x3F8D] =	sst s10  }
0x38: {  	s10 =	sld [smem:$0x3F8E]  }
0x39: {  	_ = 	snop;
	(pc) =	sbr.ind lr, $3  }
0x3a: {  	_ = 	snop  }
0x3b: {  	_ = 	snop  }
0x3c: {  	p2 =	seq.s32 s10, $0x1;
	s10 =	sld [smem:$0x3F8D]  }
0x3d: {  	_ =	shalt  }
0x3e: {  	_ =	shalt  }
0x3f: {  	_ =	shalt  }
0x40: {  	_ =	shalt  }
0x41: {  	_ =	shalt  }
0x42: {  	_ =	shalt  }
0x43: {  	_ =	shalt  }
0x44: {  	_ =	shalt  }
0x45: {  	_ =	shalt  }
0x46: {  	_ =	shalt  }
0x47: {  	_ =	shalt  }
0x48: {  	_ =	shalt  }
0x49: {  	_ =	shalt  }
0x4a: {  	_ =	shalt  }
0x4b: {  	_ =	shalt  }
0x4c: {  	_ =	shalt  }
0x4d: {  	_ =	shalt  }
0x4e: {  	_ =	shalt  }
0x4f: {  	_ =	shalt  }
0x50: {  	_ =	shalt  }
0x51: {  	_ =	shalt  }
0x52: {  	_ =	shalt  }
0x53: {  	_ =	shalt  }
0x54: {  	_ =	shalt  }
0x55: {  	_ =	shalt  }
0x56: {  	_ =	shalt  }
0x57: {  	_ =	shalt  }
0x58: {  	_ =	shalt  }
0x59: {  	_ =	shalt  }
0x5a: {  	_ =	shalt  }
0x5b: {  	_ =	shalt  }
0x5c: {  	_ =	shalt  }
0x5d: {  	_ =	shalt  }
0x5e: {  	_ =	shalt  }
0x5f: {  	_ =	shalt  }
0x60: {  	_ =	shalt  }
0x61: {  	_ =	shalt  }
0x62: {  	_ =	shalt  }
0x63: {  	_ =	shalt  }
0x64: {  	_ =	shalt  }
0x65: {  	_ =	shalt  }
0x66: {  	_ =	shalt  }
0x67: {  	_ =	shalt  }
0x68: {  	_ =	shalt  }
0x69: {  	_ =	shalt  }
0x6a: {  	_ =	shalt  }
0x6b: {  	_ =	shalt  }
0x6c: {  	_ =	shalt  }
0x6d: {  	_ =	shalt  }
0x6e: {  	_ =	shalt  }
0x6f: {  	_ =	shalt  }
0x70: {  	_ =	shalt  }
0x71: {  	_ =	shalt  }
0x72: {  	_ =	shalt  }
0x73: {  	_ =	shalt  }
0x74: {  	_ =	shalt  }
0x75: {  	_ =	shalt  }
0x76: {  	_ =	shalt  }
0x77: {  	_ =	shalt  }
0x78: {  	_ =	shalt  }
0x79: {  	_ =	shalt  }
0x7a: {  	_ =	shalt  }
0x7b: {  	_ =	shalt  }
0x7c: {  	_ =	shalt  }
0x7d: {  	_ =	shalt  }
0x7e: {  	_ =	shalt  }
0x7f: {  	_ =	shalt  }
0x80: {  	_ =	shalt  }
0x81: {  	_ =	shalt  }
0x82: {  	_ =	shalt  }
0x83: {  	_ =	shalt  }
0x84: {  	_ =	shalt  }
0x85: {  	_ =	shalt  }
0x86: {  	_ =	shalt  }
0x87: {  	_ =	shalt  }
.Lfunc_end0:
.L_simem_size_0:
called_computation.1_lowered:
.L_overlay_start_0:
0x88: {  	s2 =	sld [smem:$0x3FD9]  }
0x89: {  	s3 =	sld [smem:$0x3FFE];
	_ =	sdelay $0x1  }
0x8a: {  	s1 =	srdreg.scid  }
0x8b: {  	s0 =	sand.u32 $0x1, s1  }
0x8c: {  	s14 =	sshll.u32 s0, $0xA;
	s2 =	sadd.s32 s3, s2  }
0x8d: {  	s2 =	sadd.s32 s2, s14  }
0x8e: {  	[smem:$0x3F99] =	sst s2  }
0x8f: {  	_ = 	snop  }
0x90: {  	s2 =	sld [smem:$0x3FD0];
	_ =	sdelay $0x2  }
0x91: {  	s15 =	simm.s32 $0xA;
	s4 =	simm.s32 $0x10  }
0x92: {  	[smem:s4], [sflag:s15] =	dma.local [hbm:s2], $0x1  }
0x93: {  	_ =	swait.eq [sflag:s15], $0x1  }
0x94: {  	s16 =	sld [smem:$0x13];
	[sflag:s15] =	ssyncset.done $0x0  }
0x95: {  	s17 =	sld [smem:$0x15];
	[sflag:s15] =	ssyncadd.s32 $0xFFFFFFFF  }
0x96: {  	s18 =	sld [smem:$0x16];
	(tm) =	ssettm $0x1  }
0x97: {  	s5 =	sld [smem:$0x3FFB];
	_ =	sdelay $0x3  }
0x98: {  	_ =	strace s5  }
0x99: {  	s5 =	sld [smem:$0x3FFC];
	_ =	sdelay $0x3  }
0x9a: {  	_ =	strace s5  }
0x9b: {  	s5 =	sld [smem:$0x3FFD];
	_ =	sdelay $0x3  }
0x9c: {  	_ =	strace s5  }
0x9d: {  	_ =	strace $0x8FFFFFFF  }
0x9e: {  	s19 =	sld [smem:$0x3FDB];
	_ =	sdelay $0x1  }
0x9f: {  	s6 =	simm.s32 $_scs_section_size  }
0xa0: {  	s7 =	simm.s32 $_size__tile_overlayer_lowered;
	s8 =	simm.s32 $_tile_overlayer_lowered  }
0xa1: {  	s22 =	simm.s32 $0x1BFF;
	s21 =	sshll.u32 s8, $0x1;
	s5 =	sadd.s32 s6, s19  }
0xa2: {  	s9 =	simm.s32 $0x0;
	s20 =	sshll.u32 s7, $0x1;
	s7 =	sadd.s32 s21, s5  }
0xa3: {  	[timem:s9], [sflag:s22] =	dma.local [hbm:s7], s20  }
0xa4: {  	_ =	swait.ge [sflag:s22], s20  }
0xa5: {  	s6 =	ssub.s32 $0x0, s20;
	[sflag:s22] =	ssyncset.done $0x0  }
0xa6: {  	[sflag:s22] =	ssyncadd.s32 s6;
	_ =	sdelay $0x1  }
0xa7: {  	s23 =	simm.s32 $0x1B8B  }
0xa8: {  	_ =	swait.ge [sflag:s23], $0x1  }
0xa9: {  	[sflag:s23] =	ssyncset.done $0x0  }
0xaa: {  	s25 =	simm.s32 $0x1B8E;
	s24 =	sld [smem:$0x3FFE];
	[sflag:s23] =	ssyncadd.s32 $0xFFFFFFFF  }
0xab: {  	s26 =	simm.s32 $execute0_lowered;
	[smem:$0x3FD2] =	sst s25  }
0xac: {  	s7 =	sshll.u32 s26, $0x1;
	_ =	strace $0x80000049;
	[dreg:$0x1] =	wrdreg $0xFFFFFFFF  }
0xad: {  	s28 =	simm.s32 $_size_execute0_lowered;
	s5 =	sadd.s32 s5, s7;
	[dreg:$0x0] =	wrdreg $0x0  }
0xae: {  	s7 =	sshll.u32 s28, $0x1;
	[dreg:$0x2] =	wrdreg s5  }
0xaf: {  	[dreg:$0x3] =	wrdreg s7  }
0xb0: {  	[dreg:$0x4] =	wrdreg $0xC0  }
0xb1: {  	_ =	task [dreg:s9], $0x5FFFF  }
0xb2: {  	[dreg:$0x1] =	wrdreg $0xFFFFFFFF  }
0xb3: {  	[dreg:$0x0] =	wrdreg $0x60  }
0xb4: {  	[dreg:$0x2] =	wrdreg s24  }
0xb5: {  	[dreg:$0x3] =	wrdreg s18  }
0xb6: {  	[dreg:$0x4] =	wrdreg s16  }
0xb7: {  	[dreg:$0x5] =	wrdreg s17  }
0xb8: {  	[dreg:$0x6] =	wrdreg $0xAE000  }
0xb9: {  	[dreg:$0x7] =	wrdreg $0x9  }
0xba: {  	_ =	task.clear_ibuf [dreg:s9], $0x8FFFF;
	_ =	strace $0x90000049  }
0xbb: {  	s29 =	simm.s32 $0x9;
	_ =	strace $0x8000004B  }
0xbc: {  	_ =	swait.ge [sflag:s29], $0x1  }
0xbd: {  	[sflag:s29] =	ssyncadd.s32 $0xFFFFFFFF  }
0xbe: {  	_ =	strace $0x9000004B  }
0xbf: {  	_ =	sfence  }
0xc0: {  	s30 =	sld [smem:$0x0];
	_ =	sdelay $0x2  }
0xc1: {  	s31 =	sshll.u32 s1, $0xD;
	s1 =	sshrl.u32 s1, $0x2  }
0xc2: {  	s3 =	sand.u32 $0x4000, s31;
	s1 =	sadd.s32 s1, s30  }
0xc3: {  	s0 =	sor.u32 s3, s0;
	s1 =	sshll.u32 s1, $0x11  }
0xc4: {  	s0 =	sor.u32 s1, s0  }
0xc5: {  	s0 =	sadd.s32 $0x8F2B, s0  }
0xc6: {  	[sflag:s0] =	ssyncadd.remote.s32 $0x1  }
0xc7: {  	_ =	sfence.sel $0xFFFF  }
0xc8: {  	[dreg:$0x0] =	wrdreg $0xFFFFFFFF;
	(pc) =	sbr.abs _section_cstart, $3  }
0xc9: {  	[dreg:$0x1] =	wrdreg $0xFFFFFFFF  }
0xca: {  	_ =	task.clear_ibuf [dreg:s9], $0x2FFFF;
	_ =	strace $0x9FFFFFFF  }
0xcb: {  	(tm) =	ssettm $0x7FFFFFFF  }
tec
execute0_lowered:
.L_overlay_start_1:
0x0: {  	(tag) =	ssettag $0x1  }
0x1: {  	s0 =	rddreg [dreg:$0x0]  }
0x2: {  	s1 =	rddreg [dreg:$0x2]  }
0x3: {  	s4 =	rddreg [dreg:$0x4]  }
0x4: {  	s2 =	srdreg.scid;
	s3 =	stileid.u32  }
0x5: {  	s5 =	simm.s32 $0x0;
	s17 =	simm.s32 $0x3;
	s28 =	simm.s32 $0x280  }
0x6: {  	s29 =	simm.s32 $0x0;
	s2 =	sand.u32 $0x1, s2;
	s7 =	smul.u32 $0x2800, s3  }
0x7: {  	[smem:$0x7FF] =	sst s5;
	s6 =	sadd.s32 $0xA4000, s0;
	s9 =	smul.u32 $0x50000, s3  }
0x8: {  	s15 =	sadd.s32 $0x6A00, s0;
	s22 =	sshll.u32 s3, $0x6;
	s8 =	smul.u32 $0x28000, s2  }
0x9: {  	_ =	strace $0x8000004A;
	s19 =	ssub.s32 $0x2, s2;
	s2 =	sshll.u32 s2, $0x4  }
0xa: {  	s20 =	sshrl.u32 s19, $0x1;
	s2 =	sor.u32 s3, s2;
	s21 =	sshrl.u32 s9, $0x2  }
0xb: {  	s13 =	sadd.s32 s7, s8;
	s11 =	ssub.s32 s19, s20;
	s10 =	smul.u32 $0x2800, s2  }
0xc: {  	s2 =	smul.u32 $0xA00, s2;
	s16 =	sadd.s32 s21, s4;
	s7 =	sor.u32 $0x1C03, s22  }
0xd: {  	s20 =	simm.s32 $0x80;
	s21 =	simm.s32 $0x600;
	s22 =	simm.s32 $0x200  }
0xe: {  	s0 =	sadd.s32 s13, s0;
	s11 =	smax.u32 s11, $0x1;
	s30 =	sor.u32 $0x100, s13  }
0xf: {  	s16 =	sshrl.u32 s16, $0x3;
	s23 =	sshrl.u32 s10, $0x3;
	s8 =	sadd.s32 s15, s2  }
0x10: {  	s24 =	sor.u32 $0x80, s10;
	s10 =	sadd.s32 $0x1AA00, s0;
	s31 =	sshrl.u32 s30, $0x3  }
0x11: {  	s2 =	sshrl.u32 s30, $0x2;
	s9 =	sadd.s32 s1, s23;
	s25 =	sshrl.u32 s24, $0x2  }
0x12: {  	s26 =	sshrl.u32 s24, $0x3;
	s14 =	sadd.s32 s31, s1;
	s23 =	simm.s32 $0x480  }
0x13: {  	s24 =	simm.s32 $0x4600;
	s12 =	sadd.s32 s15, s25;
	s13 =	sadd.s32 s1, s26  }
0x14: {  	s15 =	sadd.s32 s2, s15;
	s25 =	simm.s32 $0x2;
	s26 =	simm.s32 $0x1  }
.LBB2_1:
0x15: {  	s0 =	rddreg [dreg:$0x3]  }
0x16: {  	[spmem:s16], [sflag:s7] =	dma.local [hbm:s0], $0x2800  }
0x17: {  	_ =	swait.ge [sflag:s17], $0x2800  }
0x18: {  	[sflag:s17] =	ssyncset.done $0x0  }
0x19: {  	[sflag:s17] =	ssyncadd.s32 $0xFFFFD800  }
0x1a: {  	s1 =	simm.s32 $0x8600;
	s3 =	rddreg [dreg:$0x1]  }
0x1b: {  	[tilespmem:s1], [sflag:$0x3] =	stream.linear.gather [hbm4b:s3+s5], $0x2800, $0x38;
	[tilespmem:$0x1EE00] =	vst v63  }
0x1c: {  	_ =	swait.ge [sflag:s17], $0x2800  }
0x1d: {  	[sflag:s17] =	ssyncset.done $0x0  }
0x1e: {  	[sflag:s17] =	ssyncadd.s32 $0xFFFFD800  }
0x1f: {  	[bflag:$0x0] =	sbarrier.arrive $0xFFFF  }
0x20: {  	[tilespmem:s5], [sflag:$0x3] =	stream.linear.gather [hbm4b:s8+s5], $0x100, $0x38;
	[tilespmem:$0x1EE00] =	vst v63  }
0x21: {  	_ =	swait.ge [sflag:s17], $0x100  }
0x22: {  	[sflag:s17] =	ssyncset.done $0x0  }
0x23: {  	s18 =	simm.s32 $0x400;
	[sflag:s17] =	ssyncadd.s32 $0xFFFFFF00  }
0x24: {  	[tilespmem:s18], [sflag:$0x3] =	stream.linear.gather [hbm4b:s9+s5], $0x80, $0x38;
	[tilespmem:$0x1EE00] =	vst v63  }
0x25: {  	_ =	swait.ge [sflag:s17], $0x80  }
0x26: {  	[sflag:s17] =	ssyncset.done $0x0  }
0x27: {  	[sflag:s17] =	ssyncadd.s32 $0xFFFFFF80  }
0x28: {  	[tilespmem:s21], [sflag:$0x1] =	stream.indirect.gather [hbm4b:s6+s20], $0x80, s5, s20, $0xb8;
	[tilespmem:$0x1EE00] =	vst v63  }
0x29: {  	_ = 	snop  }
0x2a: {  	[tilespmem:s22], [sflag:$0x3] =	stream.linear.gather [hbm4b:s12+s5], $0x100, $0x38;
	[tilespmem:$0x1EE00] =	vst v63  }
0x2b: {  	_ =	swait.ge [sflag:s17], $0x100  }
0x2c: {  	[sflag:s17] =	ssyncset.done $0x0  }
0x2d: {  	[sflag:s17] =	ssyncadd.s32 $0xFFFFFF00  }
0x2e: {  	[tilespmem:s23], [sflag:$0x3] =	stream.linear.gather [hbm4b:s13+s5], $0x80, $0x38;
	[tilespmem:$0x1EE00] =	vst v63  }
0x2f: {  	_ =	swait.ge [sflag:s17], $0x80  }
0x30: {  	[sflag:s17] =	ssyncset.done $0x0  }
0x31: {  	[sflag:s17] =	ssyncadd.s32 $0xFFFFFF80  }
0x32: {  	[tilespmem:s24], [sflag:$0x1] =	stream.indirect.gather [hbm4b:s6+s20], $0x80, s22, s20, $0xb8;
	[tilespmem:$0x1EE00] =	vst v63  }
0x33: {  	_ =	swait.ge [sflag:s26], $0x4000  }
0x34: {  	[sflag:s26] =	ssyncset.done $0x0  }
0x35: {  	[sflag:s26] =	ssyncadd.s32 $0xFFFFC000  }
0x36: {  	[spmem:s4] =	stream.indirect.scatter.add.f32 [tilespmem:s21], [sflag:$0x2], $0x80, s20, s20, $0xb8;
	[tilespmem:$0x1EE00] =	vst v63  }
0x37: {  	s19 =	sand.u32 $0x1, s26;
	_ =	swait.ge [sflag:s25], $0x4000  }
0x38: {  	s18 =	sxor.u32 $0x1, s19;
	[sflag:s25] =	ssyncset.done $0x0  }
0x39: {  	s2 =	sshll.u32 s18, $0x9;
	[sflag:s25] =	ssyncadd.s32 $0xFFFFC000  }
0x3a: {  	[tilespmem:s2], [sflag:$0x3] =	stream.linear.gather [hbm4b:s15+s5], $0x100, $0x38;
	[tilespmem:$0x1EE00] =	vst v63  }
0x3b: {  	_ =	swait.ge [sflag:s17], $0x100  }
0x3c: {  	s30 =	sshll.u32 s18, $0x7;
	[sflag:s17] =	ssyncset.done $0x0  }
0x3d: {  	s30 =	sor.u32 $0x400, s30;
	[sflag:s17] =	ssyncadd.s32 $0xFFFFFF00  }
0x3e: {  	[tilespmem:s30], [sflag:$0x3] =	stream.linear.gather [hbm4b:s14+s5], $0x80, $0x38;
	[tilespmem:$0x1EE00] =	vst v63  }
0x3f: {  	_ =	swait.ge [sflag:s17], $0x80  }
0x40: {  	s1 =	sshll.u32 s18, $0xE;
	[sflag:s17] =	ssyncset.done $0x0  }
0x41: {  	s31 =	sadd.s32 $0x10, s14;
	s1 =	sor.u32 $0x600, s1;
	[sflag:s17] =	ssyncadd.s32 $0xFFFFFF80  }
0x42: {  	[tilespmem:s1], [sflag:$0x1] =	stream.indirect.gather [hbm4b:s6+s20], $0x80, s2, s20, $0xb8;
	[tilespmem:$0x1EE00] =	vst v63  }
0x43: {  	s0 =	sadd.s32 $0x20, s15;
	s3 =	sshll.u32 s19, $0xE;
	_ =	swait.ge [sflag:s26], $0x4000  }
0x44: {  	s19 =	sshll.u32 s19, $0x9;
	s30 =	simm.s32 $0x2;
	[sflag:s26] =	ssyncset.done $0x0  }
0x45: {  	s2 =	sor.u32 $0x600, s3;
	s1 =	sor.u32 $0x80, s19;
	[sflag:s26] =	ssyncadd.s32 $0xFFFFC000  }
.LBB2_2:
0x46: {  	[spmem:s4] =	stream.indirect.scatter.add.f32 [tilespmem:s2], [sflag:$0x2], $0x80, s1, s20, $0xb8;
	[tilespmem:$0x1EE00] =	vst v63  }
0x47: {  	s1 =	sand.u32 $0x1, s30;
	p0 =	sne.s32 s30, $0x4E;
	_ =	swait.ge [sflag:s25], $0x4000  }
0x48: {  	s2 =	sxor.u32 $0x1, s1;
	s3 =	sshll.u32 s1, $0xE;
	[sflag:s25] =	ssyncset.done $0x0  }
0x49: {  	s18 =	sshll.u32 s2, $0x9;
	s19 =	sshll.u32 s2, $0x7;
	[sflag:s25] =	ssyncadd.s32 $0xFFFFC000  }
0x4a: {  	[tilespmem:s18], [sflag:$0x3] =	stream.linear.gather [hbm4b:s0+s5], $0x100, $0x38;
	[tilespmem:$0x1EE00] =	vst v63  }
0x4b: {  	s1 =	sshll.u32 s1, $0x9;
	s2 =	sshll.u32 s2, $0xE;
	_ =	swait.ge [sflag:s17], $0x100  }
0x4c: {  	s30 =	sadd.s32 $0x1, s30;
	[sflag:s17] =	ssyncset.done $0x0  }
0x4d: {  	s19 =	sor.u32 $0x400, s19;
	[sflag:s17] =	ssyncadd.s32 $0xFFFFFF00  }
0x4e: {  	[tilespmem:s19], [sflag:$0x3] =	stream.linear.gather [hbm4b:s31+s5], $0x80, $0x38;
	[tilespmem:$0x1EE00] =	vst v63  }
0x4f: {  	_ =	swait.ge [sflag:s17], $0x80  }
0x50: {  	[sflag:s17] =	ssyncset.done $0x0  }
.Ltmp0:
0x51: {  	s2 =	sor.u32 $0x600, s2;
	[sflag:s17] =	ssyncadd.s32 $0xFFFFFF80;
	(pc) =	sbr.rel @p0 .LBB2_2-.Ltmp0, $4  }
0x52: {  	[tilespmem:s2], [sflag:$0x1] =	stream.indirect.gather [hbm4b:s6+s20], $0x80, s18, s20, $0xb8;
	[tilespmem:$0x1EE00] =	vst v63  }
0x53: {  	_ =	swait.ge [sflag:s26], $0x4000  }
0x54: {  	s0 =	sadd.s32 $0x20, s0;
	s31 =	sadd.s32 $0x10, s31;
	[sflag:s26] =	ssyncset.done $0x0  }
0x55: {  	s1 =	sor.u32 $0x80, s1;
	s2 =	sor.u32 $0x600, s3;
	[sflag:s26] =	ssyncadd.s32 $0xFFFFC000  }
0x56: {  	[spmem:s4] =	stream.indirect.scatter.add.f32 [tilespmem:s2], [sflag:$0x2], $0x80, s1, s20, $0xb8;
	[tilespmem:$0x1EE00] =	vst v63  }
0x57: {  	_ =	swait.ge [sflag:s25], $0x4000  }
0x58: {  	[sflag:s25] =	ssyncset.done $0x0  }
0x59: {  	[sflag:s25] =	ssyncadd.s32 $0xFFFFC000  }
0x5a: {  	_ =	swait.ge [sflag:s26], $0x4000  }
0x5b: {  	[sflag:s26] =	ssyncset.done $0x0  }
0x5c: {  	[sflag:s26] =	ssyncadd.s32 $0xFFFFC000  }
0x5d: {  	[spmem:s4] =	stream.indirect.scatter.add.f32 [tilespmem:s24], [sflag:$0x2], $0x80, s28, s20, $0xb8;
	[tilespmem:$0x1EE00] =	vst v63  }
0x5e: {  	_ =	swait.ge [sflag:s25], $0x4000  }
0x5f: {  	s29 =	sadd.s32 $0x1, s29;
	[sflag:s25] =	ssyncset.done $0x0  }
0x60: {  	p0 =	sne.s32 s29, s11;
	[sflag:s25] =	ssyncadd.s32 $0xFFFFC000  }
.Ltmp1:
0x61: {  	[bflag:$0x0] =	sbarrier.arrive $0xFFFF;
	(pc) =	sbr.rel @p0 .LBB2_1-.Ltmp1, $4  }
0x62: {  	[hbm:s10], [sflag:s7] =	dma.local [spmem:s16], $0x2800  }
0x63: {  	_ =	swait.ge [sflag:s17], $0x2800  }
0x64: {  	[sflag:s17] =	ssyncset.done $0x0  }
0x65: {  	[sflag:s17] =	ssyncadd.s32 $0xFFFFD800  }
0x66: {  	_ =	sfence.sel $0x180000  }
0x67: {  	[bflag:$0x0] =	sbarrier.arrive $0xFFFF  }
0x68: {  	_ =	strace $0x9000004A  }
0x69: {  	s0 =	stileid.u32;
	[bflag:$0x2] =	sbarrier.arrive $0xFFFF  }
0x6a: {  	p0 =	sne.s32 s0, $0x0;
	s0 =	rddreg [dreg:$0x5]  }
0x6b: {  	s0 =	sadd.s32 @!p0 $0x100000, s0  }
0x6c: {  	[sflag:s0] =	ssyncadd.tile.s32 @!p0 $0x1;
	_ =	shalt  }
.Lfunc_end2:
_tile_overlayer_lowered:
.L_overlay_start_2:
0x6d: {  	(tag) =	ssettag $0x2  }
0x6e: {  	s0 =	rddreg [dreg:$0x0];
	s2 =	stileid.u32  }
0x6f: {  	s1 =	rddreg [dreg:$0x1];
	p0 =	sne.s32 s2, $0x0  }
0x70: {  	s3 =	rddreg [dreg:$0x2];
	[bflag:$0x3] =	sbarrier.arrive $0xFFFF;
	s2 =	simm.s32 @!p0 $0x1C03  }
0x71: {  	[timem:s3], [sflag:s2] =	dma.local @!p0 [hbm:s0], s1  }
0x72: {  	s0 =	simm.s32 @!p0 $0x3  }
0x73: {  	_ =	swait.ge @!p0 [sflag:s0], s1  }
0x74: {  	s1 =	ssub.s32 @!p0 $0x0, s1;
	[sflag:s0] =	ssyncset.done @!p0 $0x0  }
0x75: {  	[sflag:s0] =	ssyncadd.s32 @!p0 s1  }
0x76: {  	[bflag:$0x3] =	sbarrier.arrive $0xFFFF  }
0x77: {  	_ =	shalt  }

// kernel: kernel.17.cloned.1.call-start
scs
__scs_entry_jumppad:
0x0: {  	(pc) =	sbr.rel $0x88, $3  }
0x1: {  	(tag) =	ssettag $0x0;
	lr =	simm.s32 $0x1  }
0x2: {  	[smem:$0x3F72] =	sst lr;
	_ =	strace $0xD0000000  }
0x3: {  	_ = 	snop  }
0x4: {  	_ = 	snop  }
0x5: {  	_ = 	snop  }
0x6: {  	_ = 	snop  }
0x7: {  	_ = 	snop  }
__scs_overlays_trampoline_lowered:
0x8: {  	[smem:$0x3F81] =	sst s0  }
0x9: {  	[smem:$0x3F82] =	sst s1  }
0xa: {  	[smem:$0x3F83] =	sst s2  }
0xb: {  	[smem:$0x3F84] =	sst s3  }
0xc: {  	[smem:$0x3F85] =	sst s4  }
0xd: {  	[smem:$0x3F86] =	sst s5  }
0xe: {  	[smem:$0x3F87] =	sst s6  }
0xf: {  	[smem:$0x3F88] =	sst s7  }
0x10: {  	[smem:$0x3F89] =	sst s8  }
0x11: {  	[smem:$0x3F8A] =	sst s9;
	s0 =	simm.s32 @!p0 $0x0  }
0x12: {  	s1 =	sld [smem:$0x3F70];
	s0 =	simm.s32 @p0 $0x1  }
0x13: {  	[smem:$0x3F8B] =	sst s0;
	s0 =	simm.s32 @!p1 $0x0  }
0x14: {  	s2 =	sld [smem:$0x3F6F];
	s0 =	simm.s32 @p1 $0x1  }
0x15: {  	[smem:$0x3F8C] =	sst s0;
	s0 =	simm.s32 @!p2 $0x0  }
0x16: {  	s3 =	sld [smem:$0x3FDB];
	s0 =	simm.s32 @p2 $0x1  }
0x17: {  	s4 =	simm.s32 $0x1BF5;
	[smem:$0x3F8E] =	sst s0  }
0x18: {  	s0 =	sld [smem:$0x3F71];
	_ =	swait.ge [sflag:s4], $0x0  }
0x19: {  	s7 =	sld [smem:$0x3F72]  }
0x1a: {  	s8 =	sadd.s32 $0xFFFFE003, lr  }
0x1b: {  	s9 =	sadd.s32 $0xFFFFFEF7, lr;
	s5 =	simm.s32 $0xFFFFFFFF;
	p2 =	slt.u32 s8, $0xFFFFF086  }
0x1c: {  	p1 =	slt.u32 s9, $0xF7A;
	s5 =	simm.s32 @!p2 $0x0  }
0x1d: {  	s5 =	simm.s32 @p1 $0x1;
	p0 =	seq.s32 s7, s2  }
0x1e: {  	s7 =	smul.u32 @!p0 $0xF7A, s2;
	p2 =	seq.s32 @!p0 s5, $0x0  }
0x1f: {  	s9 =	smul.u32 $0xF7A, s1;
	s8 =	simm.s32 @!p0 $0x1BF5;
	p2 =	por !p2, p0  }
0x20: {  	[sflag:s8] =	ssyncset.s32 @!p0 $0xFFFFF086;
	s6 =	sadd.s32 @!p0 s3, s7;
	s7 =	simm.s32 @!p0 $0x108  }
0x21: {  	s3 =	sadd.s32 s3, s9;
	s6 =	sadd.s32 @!p0 $0x88, s6;
	s7 =	simm.s32 @p2 $0x1082  }
0x22: {  	[simem:s7], [sflag:s8] =	dma.local @!p0 [hbm:s6], $0xF7A  }
0x23: {  	s9 =	sor.u32 $0xD0000000, s2;
	s6 =	simm.s32 $0x108;
	_ =	swait.ge @!p0 [sflag:s8], $0x0  }
0x24: {  	s3 =	sadd.s32 $0x88, s3;
	s6 =	simm.s32 @!p1 $0x1082;
	[sflag:s4] =	ssyncset.s32 $0xFFFFF086  }
0x25: {  	[simem:s6], [sflag:s4] =	dma.local [hbm:s3], $0xF7A  }
0x26: {  	[smem:$0x3F72] =	sst s1;
	(tag) =	ssettag s2;
	_ =	strace s9  }
0x27: {  	s1 =	sld [smem:$0x3F82]  }
0x28: {  	s2 =	sld [smem:$0x3F83]  }
0x29: {  	s4 =	sld [smem:$0x3F85]  }
0x2a: {  	p0 =	seq.s32 s5, $0x0;
	s5 =	sld [smem:$0x3F86]  }
0x2b: {  	s6 =	sld [smem:$0x3F87]  }
0x2c: {  	s7 =	sld [smem:$0x3F88]  }
0x2d: {  	s3 =	simm.s32 $0x108;
	s8 =	sld [smem:$0x3F89]  }
0x2e: {  	s3 =	simm.s32 @!p0 $0x1082;
	s9 =	sld [smem:$0x3F8A]  }
0x2f: {  	lr =	sadd.s32 s0, s3;
	s0 =	sld [smem:$0x3F81]  }
0x30: {  	s3 =	sld [smem:$0x3F84]  }
0x31: {  	[smem:$0x3F8D] =	sst s10  }
0x32: {  	s10 =	sld [smem:$0x3F8B];
	_ =	sdelay $0x3  }
0x33: {  	p0 =	seq.s32 s10, $0x1;
	s10 =	sld [smem:$0x3F8D];
	_ =	sdelay $0x3  }
0x34: {  	[smem:$0x3F8D] =	sst s10  }
0x35: {  	s10 =	sld [smem:$0x3F8C];
	_ =	sdelay $0x3  }
0x36: {  	p1 =	seq.s32 s10, $0x1;
	s10 =	sld [smem:$0x3F8D];
	_ =	sdelay $0x3  }
0x37: {  	[smem:$0x3F8D] =	sst s10  }
0x38: {  	s10 =	sld [smem:$0x3F8E]  }
0x39: {  	_ = 	snop;
	(pc) =	sbr.ind lr, $3  }
0x3a: {  	_ = 	snop  }
0x3b: {  	_ = 	snop  }
0x3c: {  	p2 =	seq.s32 s10, $0x1;
	s10 =	sld [smem:$0x3F8D]  }
0x3d: {  	_ =	shalt  }
0x3e: {  	_ =	shalt  }
0x3f: {  	_ =	shalt  }
0x40: {  	_ =	shalt  }
0x41: {  	_ =	shalt  }
0x42: {  	_ =	shalt  }
0x43: {  	_ =	shalt  }
0x44: {  	_ =	shalt  }
0x45: {  	_ =	shalt  }
0x46: {  	_ =	shalt  }
0x47: {  	_ =	shalt  }
0x48: {  	_ =	shalt  }
0x49: {  	_ =	shalt  }
0x4a: {  	_ =	shalt  }
0x4b: {  	_ =	shalt  }
0x4c: {  	_ =	shalt  }
0x4d: {  	_ =	shalt  }
0x4e: {  	_ =	shalt  }
0x4f: {  	_ =	shalt  }
0x50: {  	_ =	shalt  }
0x51: {  	_ =	shalt  }
0x52: {  	_ =	shalt  }
0x53: {  	_ =	shalt  }
0x54: {  	_ =	shalt  }
0x55: {  	_ =	shalt  }
0x56: {  	_ =	shalt  }
0x57: {  	_ =	shalt  }
0x58: {  	_ =	shalt  }
0x59: {  	_ =	shalt  }
0x5a: {  	_ =	shalt  }
0x5b: {  	_ =	shalt  }
0x5c: {  	_ =	shalt  }
0x5d: {  	_ =	shalt  }
0x5e: {  	_ =	shalt  }
0x5f: {  	_ =	shalt  }
0x60: {  	_ =	shalt  }
0x61: {  	_ =	shalt  }
0x62: {  	_ =	shalt  }
0x63: {  	_ =	shalt  }
0x64: {  	_ =	shalt  }
0x65: {  	_ =	shalt  }
0x66: {  	_ =	shalt  }
0x67: {  	_ =	shalt  }
0x68: {  	_ =	shalt  }
0x69: {  	_ =	shalt  }
0x6a: {  	_ =	shalt  }
0x6b: {  	_ =	shalt  }
0x6c: {  	_ =	shalt  }
0x6d: {  	_ =	shalt  }
0x6e: {  	_ =	shalt  }
0x6f: {  	_ =	shalt  }
0x70: {  	_ =	shalt  }
0x71: {  	_ =	shalt  }
0x72: {  	_ =	shalt  }
0x73: {  	_ =	shalt  }
0x74: {  	_ =	shalt  }
0x75: {  	_ =	shalt  }
0x76: {  	_ =	shalt  }
0x77: {  	_ =	shalt  }
0x78: {  	_ =	shalt  }
0x79: {  	_ =	shalt  }
0x7a: {  	_ =	shalt  }
0x7b: {  	_ =	shalt  }
0x7c: {  	_ =	shalt  }
0x7d: {  	_ =	shalt  }
0x7e: {  	_ =	shalt  }
0x7f: {  	_ =	shalt  }
0x80: {  	_ =	shalt  }
0x81: {  	_ =	shalt  }
0x82: {  	_ =	shalt  }
0x83: {  	_ =	shalt  }
0x84: {  	_ =	shalt  }
0x85: {  	_ =	shalt  }
0x86: {  	_ =	shalt  }
0x87: {  	_ =	shalt  }
.Lfunc_end0:
.L_simem_size_0:
called_computation.2_lowered:
.L_overlay_start_0:
0x88: {  	s2 =	sld [smem:$0x3FD9]  }
0x89: {  	s3 =	sld [smem:$0x3FFE];
	_ =	sdelay $0x1  }
0x8a: {  	s1 =	srdreg.scid  }
0x8b: {  	s0 =	sand.u32 $0x1, s1  }
0x8c: {  	s14 =	sshll.u32 s0, $0xA;
	s2 =	sadd.s32 s3, s2  }
0x8d: {  	s2 =	sadd.s32 s2, s14  }
0x8e: {  	[smem:$0x3F99] =	sst s2  }
0x8f: {  	_ = 	snop  }
0x90: {  	s2 =	sld [smem:$0x3FD0];
	_ =	sdelay $0x2  }
0x91: {  	s15 =	simm.s32 $0xA;
	s4 =	simm.s32 $0x10  }
0x92: {  	[smem:s4], [sflag:s15] =	dma.local [hbm:s2], $0x1  }
0x93: {  	_ =	swait.eq [sflag:s15], $0x1  }
0x94: {  	s16 =	sld [smem:$0x13];
	[sflag:s15] =	ssyncset.done $0x0  }
0x95: {  	s17 =	sld [smem:$0x15];
	[sflag:s15] =	ssyncadd.s32 $0xFFFFFFFF  }
0x96: {  	s18 =	sld [smem:$0x16];
	(tm) =	ssettm $0x1  }
0x97: {  	s5 =	sld [smem:$0x3FFB];
	_ =	sdelay $0x3  }
0x98: {  	_ =	strace s5  }
0x99: {  	s5 =	sld [smem:$0x3FFC];
	_ =	sdelay $0x3  }
0x9a: {  	_ =	strace s5  }
0x9b: {  	s5 =	sld [smem:$0x3FFD];
	_ =	sdelay $0x3  }
0x9c: {  	_ =	strace s5  }
0x9d: {  	_ =	strace $0x8FFFFFFF  }
0x9e: {  	s19 =	sld [smem:$0x3FDB];
	_ =	sdelay $0x1  }
0x9f: {  	s6 =	simm.s32 $_scs_section_size  }
0xa0: {  	s7 =	simm.s32 $_size__tile_overlayer_lowered;
	s8 =	simm.s32 $_tile_overlayer_lowered  }
0xa1: {  	s22 =	simm.s32 $0x1BFF;
	s21 =	sshll.u32 s8, $0x1;
	s5 =	sadd.s32 s6, s19  }
0xa2: {  	s9 =	simm.s32 $0x0;
	s20 =	sshll.u32 s7, $0x1;
	s7 =	sadd.s32 s21, s5  }
0xa3: {  	[timem:s9], [sflag:s22] =	dma.local [hbm:s7], s20  }
0xa4: {  	_ =	swait.ge [sflag:s22], s20  }
0xa5: {  	s6 =	ssub.s32 $0x0, s20;
	[sflag:s22] =	ssyncset.done $0x0  }
0xa6: {  	[sflag:s22] =	ssyncadd.s32 s6;
	_ =	sdelay $0x1  }
0xa7: {  	s23 =	simm.s32 $0x1B8B  }
0xa8: {  	_ =	swait.ge [sflag:s23], $0x1  }
0xa9: {  	[sflag:s23] =	ssyncset.done $0x0  }
0xaa: {  	s25 =	simm.s32 $0x1B8E;
	s24 =	sld [smem:$0x3FFE];
	[sflag:s23] =	ssyncadd.s32 $0xFFFFFFFF  }
0xab: {  	s26 =	simm.s32 $execute0_lowered;
	[smem:$0x3FD2] =	sst s25  }
0xac: {  	s7 =	sshll.u32 s26, $0x1;
	_ =	strace $0x8000004C;
	[dreg:$0x1] =	wrdreg $0xFFFFFFFF  }
0xad: {  	s28 =	simm.s32 $_size_execute0_lowered;
	s5 =	sadd.s32 s5, s7;
	[dreg:$0x0] =	wrdreg $0x0  }
0xae: {  	s7 =	sshll.u32 s28, $0x1;
	[dreg:$0x2] =	wrdreg s5  }
0xaf: {  	[dreg:$0x3] =	wrdreg s7  }
0xb0: {  	[dreg:$0x4] =	wrdreg $0xC0  }
0xb1: {  	_ =	task [dreg:s9], $0x5FFFF  }
0xb2: {  	[dreg:$0x1] =	wrdreg $0xFFFFFFFF  }
0xb3: {  	[dreg:$0x0] =	wrdreg $0x60  }
0xb4: {  	[dreg:$0x2] =	wrdreg s24  }
0xb5: {  	[dreg:$0x3] =	wrdreg s18  }
0xb6: {  	[dreg:$0x4] =	wrdreg s16  }
0xb7: {  	[dreg:$0x5] =	wrdreg s17  }
0xb8: {  	[dreg:$0x6] =	wrdreg $0xAE000  }
0xb9: {  	[dreg:$0x7] =	wrdreg $0x9  }
0xba: {  	_ =	task.clear_ibuf [dreg:s9], $0x8FFFF;
	_ =	strace $0x9000004C  }
0xbb: {  	s29 =	simm.s32 $0x9;
	_ =	strace $0x8000004E  }
0xbc: {  	_ =	swait.ge [sflag:s29], $0x1  }
0xbd: {  	[sflag:s29] =	ssyncadd.s32 $0xFFFFFFFF  }
0xbe: {  	_ =	strace $0x9000004E  }
0xbf: {  	_ =	sfence  }
0xc0: {  	s30 =	sld [smem:$0x0];
	_ =	sdelay $0x2  }
0xc1: {  	s31 =	sshll.u32 s1, $0xD;
	s1 =	sshrl.u32 s1, $0x2  }
0xc2: {  	s3 =	sand.u32 $0x4000, s31;
	s1 =	sadd.s32 s1, s30  }
0xc3: {  	s0 =	sor.u32 s3, s0;
	s1 =	sshll.u32 s1, $0x11  }
0xc4: {  	s0 =	sor.u32 s1, s0  }
0xc5: {  	s0 =	sadd.s32 $0x8F2B, s0  }
0xc6: {  	[sflag:s0] =	ssyncadd.remote.s32 $0x1  }
0xc7: {  	_ =	sfence.sel $0xFFFF  }
0xc8: {  	[dreg:$0x0] =	wrdreg $0xFFFFFFFF;
	(pc) =	sbr.abs _section_cstart, $3  }
0xc9: {  	[dreg:$0x1] =	wrdreg $0xFFFFFFFF  }
0xca: {  	_ =	task.clear_ibuf [dreg:s9], $0x2FFFF;
	_ =	strace $0x9FFFFFFF  }
0xcb: {  	(tm) =	ssettm $0x7FFFFFFF  }
tec
execute0_lowered:
.L_overlay_start_1:
0x0: {  	(tag) =	ssettag $0x1  }
0x1: {  	s0 =	rddreg [dreg:$0x0]  }
0x2: {  	s1 =	rddreg [dreg:$0x2]  }
0x3: {  	s4 =	rddreg [dreg:$0x4]  }
0x4: {  	s2 =	srdreg.scid;
	s3 =	stileid.u32  }
0x5: {  	s5 =	simm.s32 $0x0;
	s17 =	simm.s32 $0x3;
	s28 =	simm.s32 $0x280  }
0x6: {  	s29 =	simm.s32 $0x0;
	s2 =	sand.u32 $0x1, s2;
	s7 =	smul.u32 $0x2800, s3  }
0x7: {  	[smem:$0x7FF] =	sst s5;
	s6 =	sadd.s32 $0x1AA00, s0;
	s9 =	smul.u32 $0x50000, s3  }
0x8: {  	s15 =	sadd.s32 $0x6A00, s0;
	s22 =	sshll.u32 s3, $0x6;
	s8 =	smul.u32 $0x28000, s2  }
0x9: {  	_ =	strace $0x8000004D;
	s19 =	ssub.s32 $0x2, s2;
	s2 =	sshll.u32 s2, $0x4  }
0xa: {  	s20 =	sshrl.u32 s19, $0x1;
	s2 =	sor.u32 s3, s2;
	s21 =	sshrl.u32 s9, $0x2  }
0xb: {  	s13 =	sadd.s32 s7, s8;
	s11 =	ssub.s32 s19, s20;
	s10 =	smul.u32 $0x2800, s2  }
0xc: {  	s2 =	smul.u32 $0xA00, s2;
	s16 =	sadd.s32 s21, s4;
	s7 =	sor.u32 $0x1C03, s22  }
0xd: {  	s20 =	simm.s32 $0x80;
	s21 =	simm.s32 $0x600;
	s22 =	simm.s32 $0x200  }
0xe: {  	s0 =	sadd.s32 s13, s0;
	s11 =	smax.u32 s11, $0x1;
	s30 =	sor.u32 $0x100, s13  }
0xf: {  	s16 =	sshrl.u32 s16, $0x3;
	s23 =	sshrl.u32 s10, $0x3;
	s8 =	sadd.s32 s15, s2  }
0x10: {  	s24 =	sor.u32 $0x80, s10;
	s10 =	sadd.s32 $0x69C00, s0;
	s31 =	sshrl.u32 s30, $0x3  }
0x11: {  	s2 =	sshrl.u32 s30, $0x2;
	s9 =	sadd.s32 s1, s23;
	s25 =	sshrl.u32 s24, $0x2  }
0x12: {  	s26 =	sshrl.u32 s24, $0x3;
	s14 =	sadd.s32 s31, s1;
	s23 =	simm.s32 $0x480  }
0x13: {  	s24 =	simm.s32 $0x4600;
	s12 =	sadd.s32 s15, s25;
	s13 =	sadd.s32 s1, s26  }
0x14: {  	s15 =	sadd.s32 s2, s15;
	s25 =	simm.s32 $0x2;
	s26 =	simm.s32 $0x1  }
.LBB2_1:
0x15: {  	s0 =	rddreg [dreg:$0x3]  }
0x16: {  	[spmem:s16], [sflag:s7] =	dma.local [hbm:s0], $0x2800  }
0x17: {  	_ =	swait.ge [sflag:s17], $0x2800  }
0x18: {  	[sflag:s17] =	ssyncset.done $0x0  }
0x19: {  	[sflag:s17] =	ssyncadd.s32 $0xFFFFD800  }
0x1a: {  	s1 =	simm.s32 $0x8600;
	s3 =	rddreg [dreg:$0x1]  }
0x1b: {  	[tilespmem:s1], [sflag:$0x3] =	stream.linear.gather [hbm4b:s3+s5], $0x2800, $0x38;
	[tilespmem:$0x1EE00] =	vst v63  }
0x1c: {  	_ =	swait.ge [sflag:s17], $0x2800  }
0x1d: {  	[sflag:s17] =	ssyncset.done $0x0  }
0x1e: {  	[sflag:s17] =	ssyncadd.s32 $0xFFFFD800  }
0x1f: {  	[bflag:$0x0] =	sbarrier.arrive $0xFFFF  }
0x20: {  	[tilespmem:s5], [sflag:$0x3] =	stream.linear.gather [hbm4b:s8+s5], $0x100, $0x38;
	[tilespmem:$0x1EE00] =	vst v63  }
0x21: {  	_ =	swait.ge [sflag:s17], $0x100  }
0x22: {  	[sflag:s17] =	ssyncset.done $0x0  }
0x23: {  	s18 =	simm.s32 $0x400;
	[sflag:s17] =	ssyncadd.s32 $0xFFFFFF00  }
0x24: {  	[tilespmem:s18], [sflag:$0x3] =	stream.linear.gather [hbm4b:s9+s5], $0x80, $0x38;
	[tilespmem:$0x1EE00] =	vst v63  }
0x25: {  	_ =	swait.ge [sflag:s17], $0x80  }
0x26: {  	[sflag:s17] =	ssyncset.done $0x0  }
0x27: {  	[sflag:s17] =	ssyncadd.s32 $0xFFFFFF80  }
0x28: {  	[tilespmem:s21], [sflag:$0x1] =	stream.indirect.gather [hbm4b:s6+s20], $0x80, s5, s20, $0xb8;
	[tilespmem:$0x1EE00] =	vst v63  }
0x29: {  	_ = 	snop  }
0x2a: {  	[tilespmem:s22], [sflag:$0x3] =	stream.linear.gather [hbm4b:s12+s5], $0x100, $0x38;
	[tilespmem:$0x1EE00] =	vst v63  }
0x2b: {  	_ =	swait.ge [sflag:s17], $0x100  }
0x2c: {  	[sflag:s17] =	ssyncset.done $0x0  }
0x2d: {  	[sflag:s17] =	ssyncadd.s32 $0xFFFFFF00  }
0x2e: {  	[tilespmem:s23], [sflag:$0x3] =	stream.linear.gather [hbm4b:s13+s5], $0x80, $0x38;
	[tilespmem:$0x1EE00] =	vst v63  }
0x2f: {  	_ =	swait.ge [sflag:s17], $0x80  }
0x30: {  	[sflag:s17] =	ssyncset.done $0x0  }
0x31: {  	[sflag:s17] =	ssyncadd.s32 $0xFFFFFF80  }
0x32: {  	[tilespmem:s24], [sflag:$0x1] =	stream.indirect.gather [hbm4b:s6+s20], $0x80, s22, s20, $0xb8;
	[tilespmem:$0x1EE00] =	vst v63  }
0x33: {  	_ =	swait.ge [sflag:s26], $0x4000  }
0x34: {  	[sflag:s26] =	ssyncset.done $0x0  }
0x35: {  	[sflag:s26] =	ssyncadd.s32 $0xFFFFC000  }
0x36: {  	[spmem:s4] =	stream.indirect.scatter.add.f32 [tilespmem:s21], [sflag:$0x2], $0x80, s20, s20, $0xb8;
	[tilespmem:$0x1EE00] =	vst v63  }
0x37: {  	s19 =	sand.u32 $0x1, s26;
	_ =	swait.ge [sflag:s25], $0x4000  }
0x38: {  	s18 =	sxor.u32 $0x1, s19;
	[sflag:s25] =	ssyncset.done $0x0  }
0x39: {  	s2 =	sshll.u32 s18, $0x9;
	[sflag:s25] =	ssyncadd.s32 $0xFFFFC000  }
0x3a: {  	[tilespmem:s2], [sflag:$0x3] =	stream.linear.gather [hbm4b:s15+s5], $0x100, $0x38;
	[tilespmem:$0x1EE00] =	vst v63  }
0x3b: {  	_ =	swait.ge [sflag:s17], $0x100  }
0x3c: {  	s30 =	sshll.u32 s18, $0x7;
	[sflag:s17] =	ssyncset.done $0x0  }
0x3d: {  	s30 =	sor.u32 $0x400, s30;
	[sflag:s17] =	ssyncadd.s32 $0xFFFFFF00  }
0x3e: {  	[tilespmem:s30], [sflag:$0x3] =	stream.linear.gather [hbm4b:s14+s5], $0x80, $0x38;
	[tilespmem:$0x1EE00] =	vst v63  }
0x3f: {  	_ =	swait.ge [sflag:s17], $0x80  }
0x40: {  	s1 =	sshll.u32 s18, $0xE;
	[sflag:s17] =	ssyncset.done $0x0  }
0x41: {  	s31 =	sadd.s32 $0x10, s14;
	s1 =	sor.u32 $0x600, s1;
	[sflag:s17] =	ssyncadd.s32 $0xFFFFFF80  }
0x42: {  	[tilespmem:s1], [sflag:$0x1] =	stream.indirect.gather [hbm4b:s6+s20], $0x80, s2, s20, $0xb8;
	[tilespmem:$0x1EE00] =	vst v63  }
0x43: {  	s0 =	sadd.s32 $0x20, s15;
	s3 =	sshll.u32 s19, $0xE;
	_ =	swait.ge [sflag:s26], $0x4000  }
0x44: {  	s19 =	sshll.u32 s19, $0x9;
	s30 =	simm.s32 $0x2;
	[sflag:s26] =	ssyncset.done $0x0  }
0x45: {  	s2 =	sor.u32 $0x600, s3;
	s1 =	sor.u32 $0x80, s19;
	[sflag:s26] =	ssyncadd.s32 $0xFFFFC000  }
.LBB2_2:
0x46: {  	[spmem:s4] =	stream.indirect.scatter.add.f32 [tilespmem:s2], [sflag:$0x2], $0x80, s1, s20, $0xb8;
	[tilespmem:$0x1EE00] =	vst v63  }
0x47: {  	s1 =	sand.u32 $0x1, s30;
	p0 =	sne.s32 s30, $0x4E;
	_ =	swait.ge [sflag:s25], $0x4000  }
0x48: {  	s2 =	sxor.u32 $0x1, s1;
	s3 =	sshll.u32 s1, $0xE;
	[sflag:s25] =	ssyncset.done $0x0  }
0x49: {  	s18 =	sshll.u32 s2, $0x9;
	s19 =	sshll.u32 s2, $0x7;
	[sflag:s25] =	ssyncadd.s32 $0xFFFFC000  }
0x4a: {  	[tilespmem:s18], [sflag:$0x3] =	stream.linear.gather [hbm4b:s0+s5], $0x100, $0x38;
	[tilespmem:$0x1EE00] =	vst v63  }
0x4b: {  	s1 =	sshll.u32 s1, $0x9;
	s2 =	sshll.u32 s2, $0xE;
	_ =	swait.ge [sflag:s17], $0x100  }
0x4c: {  	s30 =	sadd.s32 $0x1, s30;
	[sflag:s17] =	ssyncset.done $0x0  }
0x4d: {  	s19 =	sor.u32 $0x400, s19;
	[sflag:s17] =	ssyncadd.s32 $0xFFFFFF00  }
0x4e: {  	[tilespmem:s19], [sflag:$0x3] =	stream.linear.gather [hbm4b:s31+s5], $0x80, $0x38;
	[tilespmem:$0x1EE00] =	vst v63  }
0x4f: {  	_ =	swait.ge [sflag:s17], $0x80  }
0x50: {  	[sflag:s17] =	ssyncset.done $0x0  }
.Ltmp0:
0x51: {  	s2 =	sor.u32 $0x600, s2;
	[sflag:s17] =	ssyncadd.s32 $0xFFFFFF80;
	(pc) =	sbr.rel @p0 .LBB2_2-.Ltmp0, $4  }
0x52: {  	[tilespmem:s2], [sflag:$0x1] =	stream.indirect.gather [hbm4b:s6+s20], $0x80, s18, s20, $0xb8;
	[tilespmem:$0x1EE00] =	vst v63  }
0x53: {  	_ =	swait.ge [sflag:s26], $0x4000  }
0x54: {  	s0 =	sadd.s32 $0x20, s0;
	s31 =	sadd.s32 $0x10, s31;
	[sflag:s26] =	ssyncset.done $0x0  }
0x55: {  	s1 =	sor.u32 $0x80, s1;
	s2 =	sor.u32 $0x600, s3;
	[sflag:s26] =	ssyncadd.s32 $0xFFFFC000  }
0x56: {  	[spmem:s4] =	stream.indirect.scatter.add.f32 [tilespmem:s2], [sflag:$0x2], $0x80, s1, s20, $0xb8;
	[tilespmem:$0x1EE00] =	vst v63  }
0x57: {  	_ =	swait.ge [sflag:s25], $0x4000  }
0x58: {  	[sflag:s25] =	ssyncset.done $0x0  }
0x59: {  	[sflag:s25] =	ssyncadd.s32 $0xFFFFC000  }
0x5a: {  	_ =	swait.ge [sflag:s26], $0x4000  }
0x5b: {  	[sflag:s26] =	ssyncset.done $0x0  }
0x5c: {  	[sflag:s26] =	ssyncadd.s32 $0xFFFFC000  }
0x5d: {  	[spmem:s4] =	stream.indirect.scatter.add.f32 [tilespmem:s24], [sflag:$0x2], $0x80, s28, s20, $0xb8;
	[tilespmem:$0x1EE00] =	vst v63  }
0x5e: {  	_ =	swait.ge [sflag:s25], $0x4000  }
0x5f: {  	s29 =	sadd.s32 $0x1, s29;
	[sflag:s25] =	ssyncset.done $0x0  }
0x60: {  	p0 =	sne.s32 s29, s11;
	[sflag:s25] =	ssyncadd.s32 $0xFFFFC000  }
.Ltmp1:
0x61: {  	[bflag:$0x0] =	sbarrier.arrive $0xFFFF;
	(pc) =	sbr.rel @p0 .LBB2_1-.Ltmp1, $4  }
0x62: {  	[hbm:s10], [sflag:s7] =	dma.local [spmem:s16], $0x2800  }
0x63: {  	_ =	swait.ge [sflag:s17], $0x2800  }
0x64: {  	[sflag:s17] =	ssyncset.done $0x0  }
0x65: {  	[sflag:s17] =	ssyncadd.s32 $0xFFFFD800  }
0x66: {  	_ =	sfence.sel $0x180000  }
0x67: {  	[bflag:$0x0] =	sbarrier.arrive $0xFFFF  }
0x68: {  	_ =	strace $0x9000004D  }
0x69: {  	s0 =	stileid.u32;
	[bflag:$0x2] =	sbarrier.arrive $0xFFFF  }
0x6a: {  	p0 =	sne.s32 s0, $0x0;
	s0 =	rddreg [dreg:$0x5]  }
0x6b: {  	s0 =	sadd.s32 @!p0 $0x100000, s0  }
0x6c: {  	[sflag:s0] =	ssyncadd.tile.s32 @!p0 $0x1;
	_ =	shalt  }
.Lfunc_end2:
_tile_overlayer_lowered:
.L_overlay_start_2:
0x6d: {  	(tag) =	ssettag $0x2  }
0x6e: {  	s0 =	rddreg [dreg:$0x0];
	s2 =	stileid.u32  }
0x6f: {  	s1 =	rddreg [dreg:$0x1];
	p0 =	sne.s32 s2, $0x0  }
0x70: {  	s3 =	rddreg [dreg:$0x2];
	[bflag:$0x3] =	sbarrier.arrive $0xFFFF;
	s2 =	simm.s32 @!p0 $0x1C03  }
0x71: {  	[timem:s3], [sflag:s2] =	dma.local @!p0 [hbm:s0], s1  }
0x72: {  	s0 =	simm.s32 @!p0 $0x3  }
0x73: {  	_ =	swait.ge @!p0 [sflag:s0], s1  }
0x74: {  	s1 =	ssub.s32 @!p0 $0x0, s1;
	[sflag:s0] =	ssyncset.done @!p0 $0x0  }
0x75: {  	[sflag:s0] =	ssyncadd.s32 @!p0 s1  }
0x76: {  	[bflag:$0x3] =	sbarrier.arrive $0xFFFF  }
0x77: {  	_ =	shalt  }

// kernel: kernel.20.cloned.1.call-start
scs
__scs_entry_jumppad:
0x0: {  	(pc) =	sbr.rel $0x88, $3  }
0x1: {  	(tag) =	ssettag $0x0;
	lr =	simm.s32 $0x1  }
0x2: {  	[smem:$0x3F72] =	sst lr;
	_ =	strace $0xD0000000  }
0x3: {  	_ = 	snop  }
0x4: {  	_ = 	snop  }
0x5: {  	_ = 	snop  }
0x6: {  	_ = 	snop  }
0x7: {  	_ = 	snop  }
__scs_overlays_trampoline_lowered:
0x8: {  	[smem:$0x3F81] =	sst s0  }
0x9: {  	[smem:$0x3F82] =	sst s1  }
0xa: {  	[smem:$0x3F83] =	sst s2  }
0xb: {  	[smem:$0x3F84] =	sst s3  }
0xc: {  	[smem:$0x3F85] =	sst s4  }
0xd: {  	[smem:$0x3F86] =	sst s5  }
0xe: {  	[smem:$0x3F87] =	sst s6  }
0xf: {  	[smem:$0x3F88] =	sst s7  }
0x10: {  	[smem:$0x3F89] =	sst s8  }
0x11: {  	[smem:$0x3F8A] =	sst s9;
	s0 =	simm.s32 @!p0 $0x0  }
0x12: {  	s1 =	sld [smem:$0x3F70];
	s0 =	simm.s32 @p0 $0x1  }
0x13: {  	[smem:$0x3F8B] =	sst s0;
	s0 =	simm.s32 @!p1 $0x0  }
0x14: {  	s2 =	sld [smem:$0x3F6F];
	s0 =	simm.s32 @p1 $0x1  }
0x15: {  	[smem:$0x3F8C] =	sst s0;
	s0 =	simm.s32 @!p2 $0x0  }
0x16: {  	s3 =	sld [smem:$0x3FDB];
	s0 =	simm.s32 @p2 $0x1  }
0x17: {  	s4 =	simm.s32 $0x1BF5;
	[smem:$0x3F8E] =	sst s0  }
0x18: {  	s0 =	sld [smem:$0x3F71];
	_ =	swait.ge [sflag:s4], $0x0  }
0x19: {  	s7 =	sld [smem:$0x3F72]  }
0x1a: {  	s8 =	sadd.s32 $0xFFFFE003, lr  }
0x1b: {  	s9 =	sadd.s32 $0xFFFFFEF7, lr;
	s5 =	simm.s32 $0xFFFFFFFF;
	p2 =	slt.u32 s8, $0xFFFFF086  }
0x1c: {  	p1 =	slt.u32 s9, $0xF7A;
	s5 =	simm.s32 @!p2 $0x0  }
0x1d: {  	s5 =	simm.s32 @p1 $0x1;
	p0 =	seq.s32 s7, s2  }
0x1e: {  	s7 =	smul.u32 @!p0 $0xF7A, s2;
	p2 =	seq.s32 @!p0 s5, $0x0  }
0x1f: {  	s9 =	smul.u32 $0xF7A, s1;
	s8 =	simm.s32 @!p0 $0x1BF5;
	p2 =	por !p2, p0  }
0x20: {  	[sflag:s8] =	ssyncset.s32 @!p0 $0xFFFFF086;
	s6 =	sadd.s32 @!p0 s3, s7;
	s7 =	simm.s32 @!p0 $0x108  }
0x21: {  	s3 =	sadd.s32 s3, s9;
	s6 =	sadd.s32 @!p0 $0x88, s6;
	s7 =	simm.s32 @p2 $0x1082  }
0x22: {  	[simem:s7], [sflag:s8] =	dma.local @!p0 [hbm:s6], $0xF7A  }
0x23: {  	s9 =	sor.u32 $0xD0000000, s2;
	s6 =	simm.s32 $0x108;
	_ =	swait.ge @!p0 [sflag:s8], $0x0  }
0x24: {  	s3 =	sadd.s32 $0x88, s3;
	s6 =	simm.s32 @!p1 $0x1082;
	[sflag:s4] =	ssyncset.s32 $0xFFFFF086  }
0x25: {  	[simem:s6], [sflag:s4] =	dma.local [hbm:s3], $0xF7A  }
0x26: {  	[smem:$0x3F72] =	sst s1;
	(tag) =	ssettag s2;
	_ =	strace s9  }
0x27: {  	s1 =	sld [smem:$0x3F82]  }
0x28: {  	s2 =	sld [smem:$0x3F83]  }
0x29: {  	s4 =	sld [smem:$0x3F85]  }
0x2a: {  	p0 =	seq.s32 s5, $0x0;
	s5 =	sld [smem:$0x3F86]  }
0x2b: {  	s6 =	sld [smem:$0x3F87]  }
0x2c: {  	s7 =	sld [smem:$0x3F88]  }
0x2d: {  	s3 =	simm.s32 $0x108;
	s8 =	sld [smem:$0x3F89]  }
0x2e: {  	s3 =	simm.s32 @!p0 $0x1082;
	s9 =	sld [smem:$0x3F8A]  }
0x2f: {  	lr =	sadd.s32 s0, s3;
	s0 =	sld [smem:$0x3F81]  }
0x30: {  	s3 =	sld [smem:$0x3F84]  }
0x31: {  	[smem:$0x3F8D] =	sst s10  }
0x32: {  	s10 =	sld [smem:$0x3F8B];
	_ =	sdelay $0x3  }
0x33: {  	p0 =	seq.s32 s10, $0x1;
	s10 =	sld [smem:$0x3F8D];
	_ =	sdelay $0x3  }
0x34: {  	[smem:$0x3F8D] =	sst s10  }
0x35: {  	s10 =	sld [smem:$0x3F8C];
	_ =	sdelay $0x3  }
0x36: {  	p1 =	seq.s32 s10, $0x1;
	s10 =	sld [smem:$0x3F8D];
	_ =	sdelay $0x3  }
0x37: {  	[smem:$0x3F8D] =	sst s10  }
0x38: {  	s10 =	sld [smem:$0x3F8E]  }
0x39: {  	_ = 	snop;
	(pc) =	sbr.ind lr, $3  }
0x3a: {  	_ = 	snop  }
0x3b: {  	_ = 	snop  }
0x3c: {  	p2 =	seq.s32 s10, $0x1;
	s10 =	sld [smem:$0x3F8D]  }
0x3d: {  	_ =	shalt  }
0x3e: {  	_ =	shalt  }
0x3f: {  	_ =	shalt  }
0x40: {  	_ =	shalt  }
0x41: {  	_ =	shalt  }
0x42: {  	_ =	shalt  }
0x43: {  	_ =	shalt  }
0x44: {  	_ =	shalt  }
0x45: {  	_ =	shalt  }
0x46: {  	_ =	shalt  }
0x47: {  	_ =	shalt  }
0x48: {  	_ =	shalt  }
0x49: {  	_ =	shalt  }
0x4a: {  	_ =	shalt  }
0x4b: {  	_ =	shalt  }
0x4c: {  	_ =	shalt  }
0x4d: {  	_ =	shalt  }
0x4e: {  	_ =	shalt  }
0x4f: {  	_ =	shalt  }
0x50: {  	_ =	shalt  }
0x51: {  	_ =	shalt  }
0x52: {  	_ =	shalt  }
0x53: {  	_ =	shalt  }
0x54: {  	_ =	shalt  }
0x55: {  	_ =	shalt  }
0x56: {  	_ =	shalt  }
0x57: {  	_ =	shalt  }
0x58: {  	_ =	shalt  }
0x59: {  	_ =	shalt  }
0x5a: {  	_ =	shalt  }
0x5b: {  	_ =	shalt  }
0x5c: {  	_ =	shalt  }
0x5d: {  	_ =	shalt  }
0x5e: {  	_ =	shalt  }
0x5f: {  	_ =	shalt  }
0x60: {  	_ =	shalt  }
0x61: {  	_ =	shalt  }
0x62: {  	_ =	shalt  }
0x63: {  	_ =	shalt  }
0x64: {  	_ =	shalt  }
0x65: {  	_ =	shalt  }
0x66: {  	_ =	shalt  }
0x67: {  	_ =	shalt  }
0x68: {  	_ =	shalt  }
0x69: {  	_ =	shalt  }
0x6a: {  	_ =	shalt  }
0x6b: {  	_ =	shalt  }
0x6c: {  	_ =	shalt  }
0x6d: {  	_ =	shalt  }
0x6e: {  	_ =	shalt  }
0x6f: {  	_ =	shalt  }
0x70: {  	_ =	shalt  }
0x71: {  	_ =	shalt  }
0x72: {  	_ =	shalt  }
0x73: {  	_ =	shalt  }
0x74: {  	_ =	shalt  }
0x75: {  	_ =	shalt  }
0x76: {  	_ =	shalt  }
0x77: {  	_ =	shalt  }
0x78: {  	_ =	shalt  }
0x79: {  	_ =	shalt  }
0x7a: {  	_ =	shalt  }
0x7b: {  	_ =	shalt  }
0x7c: {  	_ =	shalt  }
0x7d: {  	_ =	shalt  }
0x7e: {  	_ =	shalt  }
0x7f: {  	_ =	shalt  }
0x80: {  	_ =	shalt  }
0x81: {  	_ =	shalt  }
0x82: {  	_ =	shalt  }
0x83: {  	_ =	shalt  }
0x84: {  	_ =	shalt  }
0x85: {  	_ =	shalt  }
0x86: {  	_ =	shalt  }
0x87: {  	_ =	shalt  }
.Lfunc_end0:
.L_simem_size_0:
called_computation.3_lowered:
.L_overlay_start_0:
0x88: {  	s2 =	sld [smem:$0x3FD9]  }
0x89: {  	s3 =	sld [smem:$0x3FFE];
	_ =	sdelay $0x1  }
0x8a: {  	s1 =	srdreg.scid  }
0x8b: {  	s0 =	sand.u32 $0x1, s1  }
0x8c: {  	s14 =	sshll.u32 s0, $0xA;
	s2 =	sadd.s32 s3, s2  }
0x8d: {  	s2 =	sadd.s32 s2, s14  }
0x8e: {  	[smem:$0x3F99] =	sst s2  }
0x8f: {  	_ = 	snop  }
0x90: {  	s2 =	sld [smem:$0x3FD0];
	_ =	sdelay $0x2  }
0x91: {  	s15 =	simm.s32 $0xA;
	s4 =	simm.s32 $0x10  }
0x92: {  	[smem:s4], [sflag:s15] =	dma.local [hbm:s2], $0x1  }
0x93: {  	_ =	swait.eq [sflag:s15], $0x1  }
0x94: {  	[sflag:s15] =	ssyncset.done $0x0  }
0x95: {  	s16 =	sld [smem:$0x13];
	[sflag:s15] =	ssyncadd.s32 $0xFFFFFFFF  }
0x96: {  	s17 =	sld [smem:$0x15];
	(tm) =	ssettm $0x1  }
0x97: {  	s18 =	sld [smem:$0x3FFB];
	_ =	sdelay $0x3  }
0x98: {  	_ =	strace s18  }
0x99: {  	s4 =	sld [smem:$0x3FFC];
	_ =	sdelay $0x3  }
0x9a: {  	_ =	strace s4  }
0x9b: {  	s4 =	sld [smem:$0x3FFD];
	_ =	sdelay $0x3  }
0x9c: {  	_ =	strace s4  }
0x9d: {  	_ =	strace $0x8FFFFFFF  }
0x9e: {  	s19 =	sld [smem:$0x3FDB];
	_ =	sdelay $0x1  }
0x9f: {  	s5 =	simm.s32 $_scs_section_size  }
0xa0: {  	s6 =	simm.s32 $_size__tile_overlayer_lowered;
	s7 =	simm.s32 $_tile_overlayer_lowered  }
0xa1: {  	s22 =	simm.s32 $0x1BFF;
	s21 =	sshll.u32 s7, $0x1;
	s4 =	sadd.s32 s5, s19  }
0xa2: {  	s8 =	simm.s32 $0x0;
	s20 =	sshll.u32 s6, $0x1;
	s6 =	sadd.s32 s21, s4  }
0xa3: {  	[timem:s8], [sflag:s22] =	dma.local [hbm:s6], s20  }
0xa4: {  	_ =	swait.ge [sflag:s22], s20  }
0xa5: {  	s5 =	ssub.s32 $0x0, s20;
	[sflag:s22] =	ssyncset.done $0x0  }
0xa6: {  	[sflag:s22] =	ssyncadd.s32 s5;
	_ =	sdelay $0x1  }
0xa7: {  	s23 =	simm.s32 $0x1B8B  }
0xa8: {  	_ =	swait.ge [sflag:s23], $0x1  }
0xa9: {  	[sflag:s23] =	ssyncset.done $0x0  }
0xaa: {  	s25 =	simm.s32 $0x1B8E;
	s24 =	sld [smem:$0x3FFE];
	[sflag:s23] =	ssyncadd.s32 $0xFFFFFFFF  }
0xab: {  	s26 =	simm.s32 $execute0_lowered;
	[smem:$0x3FD2] =	sst s25  }
0xac: {  	s6 =	sshll.u32 s26, $0x1;
	_ =	strace $0x8000004F;
	[dreg:$0x1] =	wrdreg $0xFFFFFFFF  }
0xad: {  	s28 =	simm.s32 $_size_execute0_lowered;
	s4 =	sadd.s32 s4, s6;
	[dreg:$0x0] =	wrdreg $0x0  }
0xae: {  	s6 =	sshll.u32 s28, $0x1;
	[dreg:$0x2] =	wrdreg s4  }
0xaf: {  	[dreg:$0x3] =	wrdreg s6  }
0xb0: {  	[dreg:$0x4] =	wrdreg $0xC0  }
0xb1: {  	_ =	task [dreg:s8], $0x5FFFF  }
0xb2: {  	[dreg:$0x1] =	wrdreg $0xFFFFFFFF  }
0xb3: {  	[dreg:$0x0] =	wrdreg $0x60  }
0xb4: {  	[dreg:$0x2] =	wrdreg s24  }
0xb5: {  	[dreg:$0x3] =	wrdreg s16  }
0xb6: {  	[dreg:$0x4] =	wrdreg s17  }
0xb7: {  	[dreg:$0x5] =	wrdreg $0xAE000  }
0xb8: {  	[dreg:$0x6] =	wrdreg $0x9  }
0xb9: {  	_ =	task.clear_ibuf [dreg:s8], $0x7FFFF;
	_ =	strace $0x9000004F  }
0xba: {  	s29 =	simm.s32 $0x9;
	_ =	strace $0x80000051  }
0xbb: {  	_ =	swait.ge [sflag:s29], $0x1  }
0xbc: {  	[sflag:s29] =	ssyncadd.s32 $0xFFFFFFFF  }
0xbd: {  	_ =	strace $0x90000051  }
0xbe: {  	_ =	sfence  }
0xbf: {  	s30 =	sld [smem:$0x0];
	_ =	sdelay $0x2  }
0xc0: {  	s31 =	sshll.u32 s1, $0xD;
	s1 =	sshrl.u32 s1, $0x2  }
0xc1: {  	s3 =	sand.u32 $0x4000, s31;
	s1 =	sadd.s32 s1, s30  }
0xc2: {  	s0 =	sor.u32 s3, s0;
	s1 =	sshll.u32 s1, $0x11  }
0xc3: {  	s0 =	sor.u32 s1, s0  }
0xc4: {  	s0 =	sadd.s32 $0x8F2B, s0  }
0xc5: {  	[sflag:s0] =	ssyncadd.remote.s32 $0x1  }
0xc6: {  	_ =	sfence.sel $0xFFFF  }
0xc7: {  	[dreg:$0x0] =	wrdreg $0xFFFFFFFF;
	(pc) =	sbr.abs _section_cstart, $3  }
0xc8: {  	[dreg:$0x1] =	wrdreg $0xFFFFFFFF  }
0xc9: {  	_ =	task.clear_ibuf [dreg:s8], $0x2FFFF;
	_ =	strace $0x9FFFFFFF  }
0xca: {  	(tm) =	ssettm $0x7FFFFFFF  }
0xcb: {  	_ =	shalt  }
tec
execute0_lowered:
.L_overlay_start_1:
0x0: {  	(tag) =	ssettag $0x1  }
0x1: {  	s0 =	rddreg [dreg:$0x0]  }
0x2: {  	s1 =	rddreg [dreg:$0x1]  }
0x3: {  	s3 =	rddreg [dreg:$0x3];
	s4 =	simm.s32 $0x0;
	s2 =	srdreg.scid  }
0x4: {  	s12 =	stileid.u32;
	s17 =	simm.s32 $0x3;
	s28 =	simm.s32 $0x280  }
0x5: {  	s29 =	simm.s32 $0x0;
	[smem:$0x7FF] =	sst s4;
	s2 =	sand.u32 $0x1, s2  }
0x6: {  	s7 =	smul.u32 $0x2800, s12;
	s5 =	sadd.s32 $0x90E00, s0;
	s6 =	sadd.s32 $0xB8E00, s0  }
0x7: {  	s15 =	sadd.s32 $0x6A00, s0;
	s9 =	smul.u32 $0x50000, s12;
	s22 =	sshll.u32 s12, $0x6  }
0x8: {  	s8 =	smul.u32 $0x28000, s2;
	s19 =	ssub.s32 $0x2, s2;
	s2 =	sshll.u32 s2, $0x4  }
0x9: {  	_ =	strace $0x80000050;
	s20 =	sshrl.u32 s19, $0x1;
	s2 =	sor.u32 s12, s2  }
0xa: {  	s21 =	sshrl.u32 s9, $0x2;
	s13 =	sadd.s32 s7, s8;
	s10 =	smul.u32 $0x2800, s2  }
0xb: {  	s11 =	ssub.s32 s19, s20;
	s2 =	smul.u32 $0xA00, s2;
	s16 =	sadd.s32 s21, s3  }
0xc: {  	s7 =	sor.u32 $0x1C03, s22;
	s20 =	simm.s32 $0x80;
	s21 =	simm.s32 $0x600  }
0xd: {  	s22 =	simm.s32 $0x200;
	s0 =	sadd.s32 s13, s0;
	s11 =	smax.u32 s11, $0x1  }
0xe: {  	s30 =	sor.u32 $0x100, s13;
	s16 =	sshrl.u32 s16, $0x3;
	s23 =	sshrl.u32 s10, $0x3  }
0xf: {  	s8 =	sadd.s32 s15, s2;
	s24 =	sor.u32 $0x80, s10;
	s10 =	sadd.s32 $0x1AA00, s0  }
0x10: {  	s31 =	sshrl.u32 s30, $0x3;
	s2 =	sshrl.u32 s30, $0x2;
	s9 =	sadd.s32 s1, s23  }
0x11: {  	s25 =	sshrl.u32 s24, $0x2;
	s26 =	sshrl.u32 s24, $0x3;
	s14 =	sadd.s32 s31, s1  }
0x12: {  	s24 =	simm.s32 $0x4600;
	s12 =	sadd.s32 s15, s25;
	s13 =	sadd.s32 s1, s26  }
0x13: {  	s15 =	sadd.s32 s2, s15;
	s25 =	simm.s32 $0x2;
	s26 =	simm.s32 $0x1  }
.LBB2_1:
0x14: {  	s0 =	rddreg [dreg:$0x2]  }
0x15: {  	[spmem:s16], [sflag:s7] =	dma.local [hbm:s0], $0x2800  }
0x16: {  	_ =	swait.ge [sflag:s17], $0x2800  }
0x17: {  	[sflag:s17] =	ssyncset.done $0x0  }
0x18: {  	s1 =	simm.s32 $0x8600;
	[sflag:s17] =	ssyncadd.s32 $0xFFFFD800  }
0x19: {  	[tilespmem:s1], [sflag:$0x3] =	stream.linear.gather [hbm4b:s6+s4], $0x2800, $0x38;
	[tilespmem:$0x1EE00] =	vst v63  }
0x1a: {  	_ =	swait.ge [sflag:s17], $0x2800  }
0x1b: {  	[sflag:s17] =	ssyncset.done $0x0  }
0x1c: {  	[sflag:s17] =	ssyncadd.s32 $0xFFFFD800  }
0x1d: {  	[bflag:$0x0] =	sbarrier.arrive $0xFFFF  }
0x1e: {  	[tilespmem:s4], [sflag:$0x3] =	stream.linear.gather [hbm4b:s8+s4], $0x100, $0x38;
	[tilespmem:$0x1EE00] =	vst v63  }
0x1f: {  	_ =	swait.ge [sflag:s17], $0x100  }
0x20: {  	[sflag:s17] =	ssyncset.done $0x0  }
0x21: {  	s2 =	simm.s32 $0x400;
	[sflag:s17] =	ssyncadd.s32 $0xFFFFFF00  }
0x22: {  	[tilespmem:s2], [sflag:$0x3] =	stream.linear.gather [hbm4b:s9+s4], $0x80, $0x38;
	[tilespmem:$0x1EE00] =	vst v63  }
0x23: {  	_ =	swait.ge [sflag:s17], $0x80  }
0x24: {  	[sflag:s17] =	ssyncset.done $0x0  }
0x25: {  	[sflag:s17] =	ssyncadd.s32 $0xFFFFFF80  }
0x26: {  	[tilespmem:s21], [sflag:$0x1] =	stream.indirect.gather [hbm4b:s5+s20], $0x80, s4, s20, $0xb8;
	[tilespmem:$0x1EE00] =	vst v63  }
0x27: {  	_ = 	snop  }
0x28: {  	[tilespmem:s22], [sflag:$0x3] =	stream.linear.gather [hbm4b:s12+s4], $0x100, $0x38;
	[tilespmem:$0x1EE00] =	vst v63  }
0x29: {  	_ =	swait.ge [sflag:s17], $0x100  }
0x2a: {  	[sflag:s17] =	ssyncset.done $0x0  }
0x2b: {  	s18 =	simm.s32 $0x480;
	[sflag:s17] =	ssyncadd.s32 $0xFFFFFF00  }
0x2c: {  	[tilespmem:s18], [sflag:$0x3] =	stream.linear.gather [hbm4b:s13+s4], $0x80, $0x38;
	[tilespmem:$0x1EE00] =	vst v63  }
0x2d: {  	_ =	swait.ge [sflag:s17], $0x80  }
0x2e: {  	[sflag:s17] =	ssyncset.done $0x0  }
0x2f: {  	[sflag:s17] =	ssyncadd.s32 $0xFFFFFF80  }
0x30: {  	[tilespmem:s24], [sflag:$0x1] =	stream.indirect.gather [hbm4b:s5+s20], $0x80, s22, s20, $0xb8;
	[tilespmem:$0x1EE00] =	vst v63  }
0x31: {  	_ =	swait.ge [sflag:s26], $0x4000  }
0x32: {  	[sflag:s26] =	ssyncset.done $0x0  }
0x33: {  	[sflag:s26] =	ssyncadd.s32 $0xFFFFC000  }
0x34: {  	[spmem:s3] =	stream.indirect.scatter.add.f32 [tilespmem:s21], [sflag:$0x2], $0x80, s20, s20, $0xb8;
	[tilespmem:$0x1EE00] =	vst v63  }
0x35: {  	s19 =	sand.u32 $0x1, s26;
	_ =	swait.ge [sflag:s25], $0x4000  }
0x36: {  	s1 =	sxor.u32 $0x1, s19;
	[sflag:s25] =	ssyncset.done $0x0  }
0x37: {  	s2 =	sshll.u32 s1, $0x9;
	[sflag:s25] =	ssyncadd.s32 $0xFFFFC000  }
0x38: {  	[tilespmem:s2], [sflag:$0x3] =	stream.linear.gather [hbm4b:s15+s4], $0x100, $0x38;
	[tilespmem:$0x1EE00] =	vst v63  }
0x39: {  	_ =	swait.ge [sflag:s17], $0x100  }
0x3a: {  	s30 =	sshll.u32 s1, $0x7;
	[sflag:s17] =	ssyncset.done $0x0  }
0x3b: {  	s30 =	sor.u32 $0x400, s30;
	[sflag:s17] =	ssyncadd.s32 $0xFFFFFF00  }
0x3c: {  	[tilespmem:s30], [sflag:$0x3] =	stream.linear.gather [hbm4b:s14+s4], $0x80, $0x38;
	[tilespmem:$0x1EE00] =	vst v63  }
0x3d: {  	_ =	swait.ge [sflag:s17], $0x80  }
0x3e: {  	s1 =	sshll.u32 s1, $0xE;
	[sflag:s17] =	ssyncset.done $0x0  }
0x3f: {  	s31 =	sadd.s32 $0x10, s14;
	s1 =	sor.u32 $0x600, s1;
	[sflag:s17] =	ssyncadd.s32 $0xFFFFFF80  }
0x40: {  	[tilespmem:s1], [sflag:$0x1] =	stream.indirect.gather [hbm4b:s5+s20], $0x80, s2, s20, $0xb8;
	[tilespmem:$0x1EE00] =	vst v63  }
0x41: {  	s23 =	sshll.u32 s19, $0x9;
	s0 =	sadd.s32 $0x20, s15;
	_ =	swait.ge [sflag:s26], $0x4000  }
0x42: {  	s18 =	sshll.u32 s19, $0xE;
	s30 =	simm.s32 $0x2;
	[sflag:s26] =	ssyncset.done $0x0  }
0x43: {  	s2 =	sor.u32 $0x600, s18;
	s1 =	sor.u32 $0x80, s23;
	[sflag:s26] =	ssyncadd.s32 $0xFFFFC000  }
.LBB2_2:
0x44: {  	[spmem:s3] =	stream.indirect.scatter.add.f32 [tilespmem:s2], [sflag:$0x2], $0x80, s1, s20, $0xb8;
	[tilespmem:$0x1EE00] =	vst v63  }
0x45: {  	s1 =	sand.u32 $0x1, s30;
	p0 =	sne.s32 s30, $0x4E;
	_ =	swait.ge [sflag:s25], $0x4000  }
0x46: {  	s2 =	sxor.u32 $0x1, s1;
	s18 =	sshll.u32 s1, $0xE;
	[sflag:s25] =	ssyncset.done $0x0  }
0x47: {  	s19 =	sshll.u32 s2, $0x9;
	s23 =	sshll.u32 s2, $0x7;
	[sflag:s25] =	ssyncadd.s32 $0xFFFFC000  }
0x48: {  	[tilespmem:s19], [sflag:$0x3] =	stream.linear.gather [hbm4b:s0+s4], $0x100, $0x38;
	[tilespmem:$0x1EE00] =	vst v63  }
0x49: {  	s1 =	sshll.u32 s1, $0x9;
	s2 =	sshll.u32 s2, $0xE;
	_ =	swait.ge [sflag:s17], $0x100  }
0x4a: {  	s30 =	sadd.s32 $0x1, s30;
	[sflag:s17] =	ssyncset.done $0x0  }
0x4b: {  	s23 =	sor.u32 $0x400, s23;
	[sflag:s17] =	ssyncadd.s32 $0xFFFFFF00  }
0x4c: {  	[tilespmem:s23], [sflag:$0x3] =	stream.linear.gather [hbm4b:s31+s4], $0x80, $0x38;
	[tilespmem:$0x1EE00] =	vst v63  }
0x4d: {  	_ =	swait.ge [sflag:s17], $0x80  }
0x4e: {  	[sflag:s17] =	ssyncset.done $0x0  }
.Ltmp0:
0x4f: {  	s2 =	sor.u32 $0x600, s2;
	[sflag:s17] =	ssyncadd.s32 $0xFFFFFF80;
	(pc) =	sbr.rel @p0 .LBB2_2-.Ltmp0, $4  }
0x50: {  	[tilespmem:s2], [sflag:$0x1] =	stream.indirect.gather [hbm4b:s5+s20], $0x80, s19, s20, $0xb8;
	[tilespmem:$0x1EE00] =	vst v63  }
0x51: {  	_ =	swait.ge [sflag:s26], $0x4000  }
0x52: {  	s0 =	sadd.s32 $0x20, s0;
	s31 =	sadd.s32 $0x10, s31;
	[sflag:s26] =	ssyncset.done $0x0  }
0x53: {  	s1 =	sor.u32 $0x80, s1;
	s2 =	sor.u32 $0x600, s18;
	[sflag:s26] =	ssyncadd.s32 $0xFFFFC000  }
0x54: {  	[spmem:s3] =	stream.indirect.scatter.add.f32 [tilespmem:s2], [sflag:$0x2], $0x80, s1, s20, $0xb8;
	[tilespmem:$0x1EE00] =	vst v63  }
0x55: {  	_ =	swait.ge [sflag:s25], $0x4000  }
0x56: {  	[sflag:s25] =	ssyncset.done $0x0  }
0x57: {  	[sflag:s25] =	ssyncadd.s32 $0xFFFFC000  }
0x58: {  	_ =	swait.ge [sflag:s26], $0x4000  }
0x59: {  	[sflag:s26] =	ssyncset.done $0x0  }
0x5a: {  	[sflag:s26] =	ssyncadd.s32 $0xFFFFC000  }
0x5b: {  	[spmem:s3] =	stream.indirect.scatter.add.f32 [tilespmem:s24], [sflag:$0x2], $0x80, s28, s20, $0xb8;
	[tilespmem:$0x1EE00] =	vst v63  }
0x5c: {  	_ =	swait.ge [sflag:s25], $0x4000  }
0x5d: {  	s29 =	sadd.s32 $0x1, s29;
	[sflag:s25] =	ssyncset.done $0x0  }
0x5e: {  	p0 =	sne.s32 s29, s11;
	[sflag:s25] =	ssyncadd.s32 $0xFFFFC000  }
.Ltmp1:
0x5f: {  	[bflag:$0x0] =	sbarrier.arrive $0xFFFF;
	(pc) =	sbr.rel @p0 .LBB2_1-.Ltmp1, $4  }
0x60: {  	[hbm:s10], [sflag:s7] =	dma.local [spmem:s16], $0x2800  }
0x61: {  	_ =	swait.ge [sflag:s17], $0x2800  }
0x62: {  	[sflag:s17] =	ssyncset.done $0x0  }
0x63: {  	[sflag:s17] =	ssyncadd.s32 $0xFFFFD800  }
0x64: {  	_ =	sfence.sel $0x180000  }
0x65: {  	[bflag:$0x0] =	sbarrier.arrive $0xFFFF  }
0x66: {  	_ =	strace $0x90000050  }
0x67: {  	s0 =	stileid.u32;
	[bflag:$0x2] =	sbarrier.arrive $0xFFFF  }
0x68: {  	p0 =	sne.s32 s0, $0x0;
	s0 =	rddreg [dreg:$0x4]  }
0x69: {  	s0 =	sadd.s32 @!p0 $0x100000, s0  }
0x6a: {  	[sflag:s0] =	ssyncadd.tile.s32 @!p0 $0x1;
	_ =	shalt  }
.Lfunc_end2:
_tile_overlayer_lowered:
.L_overlay_start_2:
0x6b: {  	(tag) =	ssettag $0x2  }
0x6c: {  	s0 =	rddreg [dreg:$0x0];
	s2 =	stileid.u32  }
0x6d: {  	s1 =	rddreg [dreg:$0x1];
	p0 =	sne.s32 s2, $0x0  }
0x6e: {  	s3 =	rddreg [dreg:$0x2];
	[bflag:$0x3] =	sbarrier.arrive $0xFFFF;
	s2 =	simm.s32 @!p0 $0x1C03  }
0x6f: {  	[timem:s3], [sflag:s2] =	dma.local @!p0 [hbm:s0], s1  }
0x70: {  	s0 =	simm.s32 @!p0 $0x3  }
0x71: {  	_ =	swait.ge @!p0 [sflag:s0], s1  }
0x72: {  	s1 =	ssub.s32 @!p0 $0x0, s1;
	[sflag:s0] =	ssyncset.done @!p0 $0x0  }
0x73: {  	[sflag:s0] =	ssyncadd.s32 @!p0 s1  }
0x74: {  	[bflag:$0x3] =	sbarrier.arrive $0xFFFF  }
0x75: {  	_ =	shalt  }

</sc_bundles>
